<compile_context>
chip_gen: v7x
topology: tpu7x:2x2x1
jax: 0.10.2.dev20260603
libtpu: 0.0.44.dev20260713+nightly
codegen_flags: <defaults>
</compile_context>

<pallas_src>
import functools

import jax
import jax.numpy as jnp
from jax import lax
from jax.experimental import pallas as pl
from jax.experimental.pallas import tpu as pltpu
from jax.experimental.pallas import tpu_sc as plsc

Q = 1024
N = 100000
E = 64
F = 64
K_NB = 16
SCALE = 10.0
N_PAD = 102400
PART = 128
NPART = N_PAD // PART
BN = 2048
PPB = BN // PART
NEG = -3.0e38



def _dist_body(ye_ref, xe_ref, nd_ref, pm_ref):
    j = pl.program_id(0)
    ye = ye_ref[...]
    xe = xe_ref[...]
    dots = lax.dot_general(ye, xe, (((1,), (1,)), ((), ())),
                           preferred_element_type=jnp.float32)
    ksq = jnp.sum(xe * xe, axis=1)[None, :]
    nd = 2.0 * dots - ksq
    col = j * BN + lax.broadcasted_iota(jnp.int32, (1, BN), 1)
    nd = jnp.where(col < N, nd, NEG)
    nd_ref[...] = nd.reshape(Q, PPB, PART)
    pm = jnp.full((Q, PPB), NEG, jnp.float32)
    pcol = lax.broadcasted_iota(jnp.int32, (1, PPB), 1)
    for p in range(PPB):
        mx = jnp.max(nd[:, p * PART:(p + 1) * PART], axis=1, keepdims=True)
        pm = jnp.where(pcol == p, mx, pm)
    pm_ref[...] = jnp.transpose(pm)


def _stage1(ye, xe_pad):
    grid = N_PAD // BN
    return pl.pallas_call(
        _dist_body,
        grid=(grid,),
        in_specs=[
            pl.BlockSpec((Q, E), lambda j: (0, 0)),
            pl.BlockSpec((BN, E), lambda j: (j, 0)),
        ],
        out_specs=[
            pl.BlockSpec((Q, PPB, PART), lambda j: (0, j, 0)),
            pl.BlockSpec((PPB, Q), lambda j: (j, 0)),
        ],
        out_shape=[
            jax.ShapeDtypeStruct((Q, NPART, PART), jnp.float32),
            jax.ShapeDtypeStruct((NPART, Q), jnp.float32),
        ],
    )(ye, xe_pad)



def _toppart_body(pm_ref, ti_ref):
    pm = pm_ref[...]
    iota = lax.broadcasted_iota(jnp.int32, (NPART, Q), 0)
    krow = lax.broadcasted_iota(jnp.int32, (K_NB, Q), 0)
    ti = jnp.zeros((K_NB, Q), jnp.int32)
    for i in range(K_NB):
        mx = jnp.max(pm, axis=0, keepdims=True)
        am = jnp.min(jnp.where(pm == mx, iota, jnp.int32(1 << 30)),
                     axis=0, keepdims=True)
        pm = jnp.where(iota == am, NEG, pm)
        ti = jnp.where(krow == i, am, ti)
    ti_ref[...] = ti


def _stage15(pm):
    return pl.pallas_call(
        _toppart_body,
        out_shape=jax.ShapeDtypeStruct((K_NB, Q), jnp.int32),
    )(pm)



def _sc_body(d_hbm, ti_hbm, x_hbm, z_hbm, ti_v, cand_v, xr_v, zrow_v, sem):
    c = lax.axis_index("c")
    s = lax.axis_index("s")
    wid = s * 2 + c
    qpw = Q // 32
    pltpu.sync_copy(ti_hbm, ti_v)

    def per_query(i, carry):
        q = wid * qpw + i
        ri = plsc.load_gather(
            ti_v, [lax.iota(jnp.int32, 16), jnp.full((16,), q, jnp.int32)])
        gidx = q * NPART + ri
        pltpu.async_copy(d_hbm.at[gidx], cand_v, sem).wait()

        elo = jnp.full((K_NB,), NEG, jnp.float32)
        eio = jnp.zeros((K_NB,), jnp.int32)
        carry_e = (elo, eio)
        for p in range(K_NB):
            base = ri[p] * PART

            def vstep(j, ce):
                ev, ei = ce
                v = cand_v[p, pl.ds(j * 16, 16)]
                gi = base + j * 16 + lax.iota(jnp.int32, 16)
                vs, gis = plsc.sort_key_val(v, gi, descending=False)

                def do_merge(ce2):
                    ev2, ei2 = ce2
                    m = ev2 >= vs
                    cv = jnp.where(m, ev2, vs)
                    ci = jnp.where(m, ei2, gis)
                    rv2, ri2 = plsc.sort_key_val(cv, ci, descending=True)
                    return (rv2, ri2)

                return lax.cond(vs[K_NB - 1] > ev[K_NB - 1], do_merge,
                                lambda ce2: ce2, (ev, ei))

            carry_e = lax.fori_loop(0, PART // 16, vstep, carry_e)
        ev, ei = carry_e

        mx = ev[0]
        w = jnp.exp((ev - mx) * SCALE)
        w = w / plsc.cumsum(w)[K_NB - 1]

        pltpu.async_copy(x_hbm.at[ei], xr_v, sem).wait()
        accs = [jnp.zeros((16,), jnp.float32) for _ in range(F // 16)]
        for i16 in range(K_NB):
            wi = w[i16]
            for jj in range(F // 16):
                accs[jj] = accs[jj] + wi * xr_v[i16, pl.ds(jj * 16, 16)]
        for jj in range(F // 16):
            zrow_v[pl.ds(jj * 16, 16)] = accs[jj]
        pltpu.sync_copy(zrow_v, z_hbm.at[pl.ds(q * F, F)])
        return carry

    lax.fori_loop(0, qpw, per_query, 0)


def _stage2(d_view, ri, x):
    mesh = plsc.VectorSubcoreMesh(core_axis_name="c", subcore_axis_name="s")
    kfn = functools.partial(
        pl.kernel,
        out_type=jax.ShapeDtypeStruct((Q * F,), jnp.float32),
        mesh=mesh,
        compiler_params=pltpu.CompilerParams(needs_layout_passes=False),
        scratch_types=[
            pltpu.VMEM((K_NB, Q), jnp.int32),
            pltpu.VMEM((K_NB, PART), jnp.float32),
            pltpu.VMEM((K_NB, 128), jnp.float32),
            pltpu.VMEM((F,), jnp.float32),
            pltpu.SemaphoreType.DMA,
        ],
    )(_sc_body)
    return kfn(d_view, ri, x)


def kernel(x, xe, ye):
    n = xe.shape[0]
    xe_pad = jnp.pad(xe, ((0, N_PAD - n), (0, 0)))
    x_pad = jnp.pad(x, ((0, 0), (0, 128 - F)))
    nd, pm = _stage1(ye, xe_pad)
    ti = _stage15(pm)
    d_view = nd.reshape(Q * NPART, PART)
    return _stage2(d_view, ti, x_pad).reshape(Q, F)

# --- scband reference (transcript-rebuilt; emitter-appended) ---
"""Pipeline reference for scband-n3-aggregation-base-34943853920738 (READ-ONLY COPY).

The authoritative reference and input builder live on the scoring server;
editing this copy changes nothing except your own understanding.
"""

import jax, jax.numpy as jnp
import numpy as np

K_NEIGHBORS = 16
DIST_SCALE = 10.0

def setup_inputs(seed: int = 0) -> dict:
    key = jax.random.key(seed)
    k1, k2, k3 = jax.random.split(key, 3)
    N, Q, E, F = 100000, 1024, 64, 64
    x = jax.random.normal(k1, (N, F), dtype=jnp.float32)
    xe = jax.random.normal(k2, (N, E), dtype=jnp.float32)
    ye = jax.random.normal(k3, (Q, E), dtype=jnp.float32)
    return {"x": x, "xe": xe, "ye": ye}

def reference(x, xe, ye):
    # search: squared L2 distances between query embeddings and database embeddings
    # dists, inds = search(xe, ye); dists = -dists  (negated distances, larger = closer)
    q_sq = jnp.sum(ye * ye, axis=1, keepdims=True)          # [Q, 1]
    k_sq = jnp.sum(xe * xe, axis=1)[None, :]                # [1, N]
    d2 = q_sq - 2.0 * (ye @ xe.T) + k_sq                    # [Q, N]
    neg_dists = -d2
    # top-k candidate neighbors per query (search returns k best)
    top_vals, top_inds = jax.lax.top_k(neg_dists, K_NEIGHBORS)  # [Q, k], [Q, k]
    # use_cts_topk == False branch: W = softmax(dist_scale * dists) over candidates
    W = jax.nn.softmax(DIST_SCALE * top_vals, axis=-1)       # [Q, k]
    # weighted patch/feature aggregation (indexed matmul): gather database items and
    # reduce with neighbor weights -> z_patches
    x_gathered = jnp.take(x, top_inds, axis=0)               # [Q, k, F]
    z = jnp.einsum('qk,qkf->qf', W, x_gathered)              # [Q, F]
    return z

if __name__ == "__main__":
    import jax
    _d = setup_inputs()
    print(jax.jit(kernel)(*tuple(_d.values())))

</pallas_src>

<mosaic_0001>
#map = affine_map<(d0, d1) -> (0, 0)>
#map1 = affine_map<(d0, d1) -> (0)>
module attributes {stable_mosaic.version = 14 : i64} {
  func.func @_sc_body(%arg0: i32, %arg1: i32, %arg2: memref<819200x128xf32, #tpu.memory_space<hbm>>, %arg3: memref<16x1024xi32, #tpu.memory_space<hbm>>, %arg4: memref<100000x128xf32, #tpu.memory_space<hbm>>, %arg5: memref<65536xf32, #tpu.memory_space<hbm>>, %arg6: memref<16x1024xi32, #tpu.memory_space<vmem>>, %arg7: memref<16x128xf32, #tpu.memory_space<vmem>>, %arg8: memref<16x128xf32, #tpu.memory_space<vmem>>, %arg9: memref<64xf32, #tpu.memory_space<vmem>>, %arg10: memref<!tpu.dma_semaphore, #tpu.memory_space<semaphore_mem>>) attributes {dimension_semantics = [#tpu.dimension_semantics<core_parallel>, #tpu.dimension_semantics<subcore_parallel>], iteration_bounds = array<i64: 2, 16>, scalar_prefetch = 0 : i64, scratch_operands = 5 : i64, tpu.core_type = #tpu.core_type<sc_vector_subcore>, window_params = [{transform_indices = #map}, {transform_indices = #map}, {transform_indices = #map}, {transform_indices = #map1}]} {
    %mul3A = arith.constant 2 : i32
    %mul3A_0 = arith.muli %arg1, %mul3A : i32
    %add3A = arith.addi %mul3A_0, %arg0 : i32
    "tpu.region"() ({
      %run_scoped3A = tpu.sem_alloc : memref<!tpu.dma_semaphore, #tpu.memory_space<semaphore_mem>>
      tpu.enqueue_dma source(%arg3 : memref<16x1024xi32, #tpu.memory_space<hbm>>) target(%arg6 : memref<16x1024xi32, #tpu.memory_space<vmem>>) target_semaphore(%run_scoped3A : memref<!tpu.dma_semaphore, #tpu.memory_space<semaphore_mem>>)
      tpu.wait_dma2 semaphore(%run_scoped3A : memref<!tpu.dma_semaphore, #tpu.memory_space<semaphore_mem>>) src(%arg3 : memref<16x1024xi32, #tpu.memory_space<hbm>>) dst(%arg6 : memref<16x1024xi32, #tpu.memory_space<vmem>>)
      tpu.yield
    }) : () -> ()
    %scan3A = arith.constant 0 : i32
    %scan3A_1 = arith.constant 0 : i32
    %scan3A_2 = arith.constant 32 : i32
    %scan3A_3 = arith.addi %scan3A_1, %scan3A_2 : i32
    %scan3A_4 = arith.constant 1 : i32
    scf.for %scan3A_6 = %scan3A_1 to %scan3A_3 step %scan3A_4  : i32 {
      %mul3A_7 = arith.constant 32 : i32
      %mul3A_8 = arith.muli %add3A, %mul3A_7 : i32
      %add3A_9 = arith.addi %mul3A_8, %scan3A_6 : i32
      %iota3A = tpu.iota {dimensions = array<i32: 0>} : vector<16xi32>
      %broadcast_in_dim3A = vector.broadcast %add3A_9 : i32 to vector<16xi32>
      %gather3A = tpu.vector_load_idx %arg6[%iota3A, %broadcast_in_dim3A] : memref<16x1024xi32, #tpu.memory_space<vmem>>[vector<16xi32>, vector<16xi32>], vector<16xi32>,
      %mul3A_10 = arith.constant 800 : i32
      %mul3A_11 = arith.muli %add3A_9, %mul3A_10 : i32
      %add3A_12 = vector.broadcast %mul3A_11 : i32 to vector<16xi32>
      %add3A_13 = arith.addi %add3A_12, %gather3A : vector<16xi32>
      %dma_start3A = arith.constant 0 : i32
      %dma_start3A_14 = arith.constant 0 : i32
      %dma_start3A_15 = tpu.memref_slice %arg2[%dma_start3A, %dma_start3A_14] : memref<819200x128xf32, #tpu.memory_space<hbm>> -> memref<819200x128xf32, #tpu.memory_space<hbm>>
      tpu.enqueue_indirect_dma source(%dma_start3A_15 : memref<819200x128xf32, #tpu.memory_space<hbm>>) target(%arg7 : memref<16x128xf32, #tpu.memory_space<vmem>>) offsets(%add3A_13 : vector<16xi32>) semaphore(%arg10 : memref<!tpu.dma_semaphore, #tpu.memory_space<semaphore_mem>>)
      %dma_wait3A = arith.constant 0 : i32
      %dma_wait3A_16 = arith.constant 0 : i32
      %dma_wait3A_17 = tpu.memref_slice %arg2[%dma_wait3A, %dma_wait3A_16] : memref<819200x128xf32, #tpu.memory_space<hbm>> -> memref<819200x128xf32, #tpu.memory_space<hbm>>
      tpu.wait_indirect_dma semaphore(%arg10 : memref<!tpu.dma_semaphore, #tpu.memory_space<semaphore_mem>>) src(%dma_wait3A_17 : memref<819200x128xf32, #tpu.memory_space<hbm>>) dst(%arg7 : memref<16x128xf32, #tpu.memory_space<vmem>>)
      %broadcast_in_dim3A_18 = arith.constant -3.000000e+38 : f32
      %broadcast_in_dim3A_19 = vector.broadcast %broadcast_in_dim3A_18 : f32 to vector<16xf32>
      %broadcast_in_dim3A_20 = arith.constant 0 : i32
      %broadcast_in_dim3A_21 = vector.broadcast %broadcast_in_dim3A_20 : i32 to vector<16xi32>
      %slice3A = vector.extract_strided_slice %gather3A {offsets = [0], sizes = [1], strides = [1]} : vector<16xi32> to vector<1xi32>
      %squeeze3A = vector.extract %slice3A[0] : i32 from vector<1xi32>
      %mul3A_22 = arith.constant 128 : i32
      %mul3A_23 = arith.muli %squeeze3A, %mul3A_22 : i32
      %scan3A_24 = arith.constant 0 : i32
      %scan3A_25 = arith.constant 8 : i32
      %scan3A_26 = arith.addi %scan3A_24, %scan3A_25 : i32
      %scan3A_27 = arith.constant 1 : i32
      %scan3A_28:2 = scf.for %scan3A_693 = %scan3A_24 to %scan3A_26 step %scan3A_27 iter_args(%scan3A_694 = %broadcast_in_dim3A_19, %scan3A_695 = %broadcast_in_dim3A_21) -> (vector<16xf32>, vector<16xi32>)  : i32 {
        %mul3A_696 = arith.constant 16 : i32
        %mul3A_697 = arith.muli %scan3A_693, %mul3A_696 : i32
        %get3A_698 = arith.constant 0 : i32
        %get3A_699 = arith.index_cast %get3A_698 : i32 to index
        %get3A_700 = arith.index_cast %mul3A_697 : i32 to index
        %get3A_701 = tpu.vector_load %arg7[%get3A_699, %get3A_700] {strides = array<i32>} : memref<16x128xf32, #tpu.memory_space<vmem>>, vector<16xf32>,
        %mul3A_702 = arith.constant 16 : i32
        %mul3A_703 = arith.muli %scan3A_693, %mul3A_702 : i32
        %add3A_704 = arith.addi %mul3A_23, %mul3A_703 : i32
        %iota3A_705 = tpu.iota {dimensions = array<i32: 0>} : vector<16xi32>
        %add3A_706 = vector.broadcast %add3A_704 : i32 to vector<16xi32>
        %add3A_707 = arith.addi %add3A_706, %iota3A_705 : vector<16xi32>
        %masked_sort3A = arith.constant dense<true> : vector<16xi1>
        %masked_sort3A_708, %masked_sort3A_709, %masked_sort3A_710 = tpu.sort %get3A_701, %add3A_707 masked %masked_sort3A : (vector<16xf32>, vector<16xi32>, vector<16xi1>) -> (vector<16xi1>, vector<16xf32>, vector<16xi32>)
        %slice3A_711 = vector.extract_strided_slice %masked_sort3A_709 {offsets = [15], sizes = [1], strides = [1]} : vector<16xf32> to vector<1xf32>
        %squeeze3A_712 = vector.extract %slice3A_711[0] : f32 from vector<1xf32>
        %slice3A_713 = vector.extract_strided_slice %scan3A_694 {offsets = [15], sizes = [1], strides = [1]} : vector<16xf32> to vector<1xf32>
        %squeeze3A_714 = vector.extract %slice3A_713[0] : f32 from vector<1xf32>
        %gt3A = arith.cmpf ogt, %squeeze3A_712, %squeeze3A_714 : f32
        %convert_element_type3A = arith.extui %gt3A : i1 to i32
        %cond3A = arith.constant 0 : i32
        %cond3A_715 = arith.cmpi ne, %convert_element_type3A, %cond3A : i32
        %cond3A_716:2 = scf.if %cond3A_715 -> (vector<16xf32>, vector<16xi32>) {
          %ge3A = arith.cmpf oge, %scan3A_694, %masked_sort3A_709 : vector<16xf32>
          %select_n3A = arith.select %ge3A, %scan3A_694, %masked_sort3A_709 : vector<16xi1>, vector<16xf32>
          %select_n3A_717 = arith.select %ge3A, %scan3A_695, %masked_sort3A_710 : vector<16xi1>, vector<16xi32>
          %masked_sort3A_718 = arith.constant dense<true> : vector<16xi1>
          %masked_sort3A_719, %masked_sort3A_720, %masked_sort3A_721 = tpu.sort %select_n3A, %select_n3A_717 masked %masked_sort3A_718 {descending = true} : (vector<16xf32>, vector<16xi32>, vector<16xi1>) -> (vector<16xi1>, vector<16xf32>, vector<16xi32>)
          scf.yield %masked_sort3A_720, %masked_sort3A_721 : vector<16xf32>, vector<16xi32>
        } else {
          scf.yield %scan3A_694, %scan3A_695 : vector<16xf32>, vector<16xi32>
        }
        scf.yield %cond3A_716#0, %cond3A_716#1 : vector<16xf32>, vector<16xi32>
      }
      %scan3A_29 = arith.constant 8 : i32
      %slice3A_30 = vector.extract_strided_slice %gather3A {offsets = [1], sizes = [1], strides = [1]} : vector<16xi32> to vector<1xi32>
      %squeeze3A_31 = vector.extract %slice3A_30[0] : i32 from vector<1xi32>
      %mul3A_32 = arith.constant 128 : i32
      %mul3A_33 = arith.muli %squeeze3A_31, %mul3A_32 : i32
      %scan3A_34 = arith.constant 0 : i32
      %scan3A_35 = arith.constant 8 : i32
      %scan3A_36 = arith.addi %scan3A_34, %scan3A_35 : i32
      %scan3A_37 = arith.constant 1 : i32
      %scan3A_38:2 = scf.for %scan3A_693 = %scan3A_34 to %scan3A_36 step %scan3A_37 iter_args(%scan3A_694 = %scan3A_28#0, %scan3A_695 = %scan3A_28#1) -> (vector<16xf32>, vector<16xi32>)  : i32 {
        %mul3A_696 = arith.constant 16 : i32
        %mul3A_697 = arith.muli %scan3A_693, %mul3A_696 : i32
        %get3A_698 = arith.constant 1 : i32
        %get3A_699 = arith.index_cast %get3A_698 : i32 to index
        %get3A_700 = arith.index_cast %mul3A_697 : i32 to index
        %get3A_701 = tpu.vector_load %arg7[%get3A_699, %get3A_700] {strides = array<i32>} : memref<16x128xf32, #tpu.memory_space<vmem>>, vector<16xf32>,
        %mul3A_702 = arith.constant 16 : i32
        %mul3A_703 = arith.muli %scan3A_693, %mul3A_702 : i32
        %add3A_704 = arith.addi %mul3A_33, %mul3A_703 : i32
        %iota3A_705 = tpu.iota {dimensions = array<i32: 0>} : vector<16xi32>
        %add3A_706 = vector.broadcast %add3A_704 : i32 to vector<16xi32>
        %add3A_707 = arith.addi %add3A_706, %iota3A_705 : vector<16xi32>
        %masked_sort3A = arith.constant dense<true> : vector<16xi1>
        %masked_sort3A_708, %masked_sort3A_709, %masked_sort3A_710 = tpu.sort %get3A_701, %add3A_707 masked %masked_sort3A : (vector<16xf32>, vector<16xi32>, vector<16xi1>) -> (vector<16xi1>, vector<16xf32>, vector<16xi32>)
        %slice3A_711 = vector.extract_strided_slice %masked_sort3A_709 {offsets = [15], sizes = [1], strides = [1]} : vector<16xf32> to vector<1xf32>
        %squeeze3A_712 = vector.extract %slice3A_711[0] : f32 from vector<1xf32>
        %slice3A_713 = vector.extract_strided_slice %scan3A_694 {offsets = [15], sizes = [1], strides = [1]} : vector<16xf32> to vector<1xf32>
        %squeeze3A_714 = vector.extract %slice3A_713[0] : f32 from vector<1xf32>
        %gt3A = arith.cmpf ogt, %squeeze3A_712, %squeeze3A_714 : f32
        %convert_element_type3A = arith.extui %gt3A : i1 to i32
        %cond3A = arith.constant 0 : i32
        %cond3A_715 = arith.cmpi ne, %convert_element_type3A, %cond3A : i32
        %cond3A_716:2 = scf.if %cond3A_715 -> (vector<16xf32>, vector<16xi32>) {
          %ge3A = arith.cmpf oge, %scan3A_694, %masked_sort3A_709 : vector<16xf32>
          %select_n3A = arith.select %ge3A, %scan3A_694, %masked_sort3A_709 : vector<16xi1>, vector<16xf32>
          %select_n3A_717 = arith.select %ge3A, %scan3A_695, %masked_sort3A_710 : vector<16xi1>, vector<16xi32>
          %masked_sort3A_718 = arith.constant dense<true> : vector<16xi1>
          %masked_sort3A_719, %masked_sort3A_720, %masked_sort3A_721 = tpu.sort %select_n3A, %select_n3A_717 masked %masked_sort3A_718 {descending = true} : (vector<16xf32>, vector<16xi32>, vector<16xi1>) -> (vector<16xi1>, vector<16xf32>, vector<16xi32>)
          scf.yield %masked_sort3A_720, %masked_sort3A_721 : vector<16xf32>, vector<16xi32>
        } else {
          scf.yield %scan3A_694, %scan3A_695 : vector<16xf32>, vector<16xi32>
        }
        scf.yield %cond3A_716#0, %cond3A_716#1 : vector<16xf32>, vector<16xi32>
      }
      %scan3A_39 = arith.constant 8 : i32
      %slice3A_40 = vector.extract_strided_slice %gather3A {offsets = [2], sizes = [1], strides = [1]} : vector<16xi32> to vector<1xi32>
      %squeeze3A_41 = vector.extract %slice3A_40[0] : i32 from vector<1xi32>
      %mul3A_42 = arith.constant 128 : i32
      %mul3A_43 = arith.muli %squeeze3A_41, %mul3A_42 : i32
      %scan3A_44 = arith.constant 0 : i32
      %scan3A_45 = arith.constant 8 : i32
      %scan3A_46 = arith.addi %scan3A_44, %scan3A_45 : i32
      %scan3A_47 = arith.constant 1 : i32
      %scan3A_48:2 = scf.for %scan3A_693 = %scan3A_44 to %scan3A_46 step %scan3A_47 iter_args(%scan3A_694 = %scan3A_38#0, %scan3A_695 = %scan3A_38#1) -> (vector<16xf32>, vector<16xi32>)  : i32 {
        %mul3A_696 = arith.constant 16 : i32
        %mul3A_697 = arith.muli %scan3A_693, %mul3A_696 : i32
        %get3A_698 = arith.constant 2 : i32
        %get3A_699 = arith.index_cast %get3A_698 : i32 to index
        %get3A_700 = arith.index_cast %mul3A_697 : i32 to index
        %get3A_701 = tpu.vector_load %arg7[%get3A_699, %get3A_700] {strides = array<i32>} : memref<16x128xf32, #tpu.memory_space<vmem>>, vector<16xf32>,
        %mul3A_702 = arith.constant 16 : i32
        %mul3A_703 = arith.muli %scan3A_693, %mul3A_702 : i32
        %add3A_704 = arith.addi %mul3A_43, %mul3A_703 : i32
        %iota3A_705 = tpu.iota {dimensions = array<i32: 0>} : vector<16xi32>
        %add3A_706 = vector.broadcast %add3A_704 : i32 to vector<16xi32>
        %add3A_707 = arith.addi %add3A_706, %iota3A_705 : vector<16xi32>
        %masked_sort3A = arith.constant dense<true> : vector<16xi1>
        %masked_sort3A_708, %masked_sort3A_709, %masked_sort3A_710 = tpu.sort %get3A_701, %add3A_707 masked %masked_sort3A : (vector<16xf32>, vector<16xi32>, vector<16xi1>) -> (vector<16xi1>, vector<16xf32>, vector<16xi32>)
        %slice3A_711 = vector.extract_strided_slice %masked_sort3A_709 {offsets = [15], sizes = [1], strides = [1]} : vector<16xf32> to vector<1xf32>
        %squeeze3A_712 = vector.extract %slice3A_711[0] : f32 from vector<1xf32>
        %slice3A_713 = vector.extract_strided_slice %scan3A_694 {offsets = [15], sizes = [1], strides = [1]} : vector<16xf32> to vector<1xf32>
        %squeeze3A_714 = vector.extract %slice3A_713[0] : f32 from vector<1xf32>
        %gt3A = arith.cmpf ogt, %squeeze3A_712, %squeeze3A_714 : f32
        %convert_element_type3A = arith.extui %gt3A : i1 to i32
        %cond3A = arith.constant 0 : i32
        %cond3A_715 = arith.cmpi ne, %convert_element_type3A, %cond3A : i32
        %cond3A_716:2 = scf.if %cond3A_715 -> (vector<16xf32>, vector<16xi32>) {
          %ge3A = arith.cmpf oge, %scan3A_694, %masked_sort3A_709 : vector<16xf32>
          %select_n3A = arith.select %ge3A, %scan3A_694, %masked_sort3A_709 : vector<16xi1>, vector<16xf32>
          %select_n3A_717 = arith.select %ge3A, %scan3A_695, %masked_sort3A_710 : vector<16xi1>, vector<16xi32>
          %masked_sort3A_718 = arith.constant dense<true> : vector<16xi1>
          %masked_sort3A_719, %masked_sort3A_720, %masked_sort3A_721 = tpu.sort %select_n3A, %select_n3A_717 masked %masked_sort3A_718 {descending = true} : (vector<16xf32>, vector<16xi32>, vector<16xi1>) -> (vector<16xi1>, vector<16xf32>, vector<16xi32>)
          scf.yield %masked_sort3A_720, %masked_sort3A_721 : vector<16xf32>, vector<16xi32>
        } else {
          scf.yield %scan3A_694, %scan3A_695 : vector<16xf32>, vector<16xi32>
        }
        scf.yield %cond3A_716#0, %cond3A_716#1 : vector<16xf32>, vector<16xi32>
      }
      %scan3A_49 = arith.constant 8 : i32
      %slice3A_50 = vector.extract_strided_slice %gather3A {offsets = [3], sizes = [1], strides = [1]} : vector<16xi32> to vector<1xi32>
      %squeeze3A_51 = vector.extract %slice3A_50[0] : i32 from vector<1xi32>
      %mul3A_52 = arith.constant 128 : i32
      %mul3A_53 = arith.muli %squeeze3A_51, %mul3A_52 : i32
      %scan3A_54 = arith.constant 0 : i32
      %scan3A_55 = arith.constant 8 : i32
      %scan3A_56 = arith.addi %scan3A_54, %scan3A_55 : i32
      %scan3A_57 = arith.constant 1 : i32
      %scan3A_58:2 = scf.for %scan3A_693 = %scan3A_54 to %scan3A_56 step %scan3A_57 iter_args(%scan3A_694 = %scan3A_48#0, %scan3A_695 = %scan3A_48#1) -> (vector<16xf32>, vector<16xi32>)  : i32 {
        %mul3A_696 = arith.constant 16 : i32
        %mul3A_697 = arith.muli %scan3A_693, %mul3A_696 : i32
        %get3A_698 = arith.constant 3 : i32
        %get3A_699 = arith.index_cast %get3A_698 : i32 to index
        %get3A_700 = arith.index_cast %mul3A_697 : i32 to index
        %get3A_701 = tpu.vector_load %arg7[%get3A_699, %get3A_700] {strides = array<i32>} : memref<16x128xf32, #tpu.memory_space<vmem>>, vector<16xf32>,
        %mul3A_702 = arith.constant 16 : i32
        %mul3A_703 = arith.muli %scan3A_693, %mul3A_702 : i32
        %add3A_704 = arith.addi %mul3A_53, %mul3A_703 : i32
        %iota3A_705 = tpu.iota {dimensions = array<i32: 0>} : vector<16xi32>
        %add3A_706 = vector.broadcast %add3A_704 : i32 to vector<16xi32>
        %add3A_707 = arith.addi %add3A_706, %iota3A_705 : vector<16xi32>
        %masked_sort3A = arith.constant dense<true> : vector<16xi1>
        %masked_sort3A_708, %masked_sort3A_709, %masked_sort3A_710 = tpu.sort %get3A_701, %add3A_707 masked %masked_sort3A : (vector<16xf32>, vector<16xi32>, vector<16xi1>) -> (vector<16xi1>, vector<16xf32>, vector<16xi32>)
        %slice3A_711 = vector.extract_strided_slice %masked_sort3A_709 {offsets = [15], sizes = [1], strides = [1]} : vector<16xf32> to vector<1xf32>
        %squeeze3A_712 = vector.extract %slice3A_711[0] : f32 from vector<1xf32>
        %slice3A_713 = vector.extract_strided_slice %scan3A_694 {offsets = [15], sizes = [1], strides = [1]} : vector<16xf32> to vector<1xf32>
        %squeeze3A_714 = vector.extract %slice3A_713[0] : f32 from vector<1xf32>
        %gt3A = arith.cmpf ogt, %squeeze3A_712, %squeeze3A_714 : f32
        %convert_element_type3A = arith.extui %gt3A : i1 to i32
        %cond3A = arith.constant 0 : i32
        %cond3A_715 = arith.cmpi ne, %convert_element_type3A, %cond3A : i32
        %cond3A_716:2 = scf.if %cond3A_715 -> (vector<16xf32>, vector<16xi32>) {
          %ge3A = arith.cmpf oge, %scan3A_694, %masked_sort3A_709 : vector<16xf32>
          %select_n3A = arith.select %ge3A, %scan3A_694, %masked_sort3A_709 : vector<16xi1>, vector<16xf32>
          %select_n3A_717 = arith.select %ge3A, %scan3A_695, %masked_sort3A_710 : vector<16xi1>, vector<16xi32>
          %masked_sort3A_718 = arith.constant dense<true> : vector<16xi1>
          %masked_sort3A_719, %masked_sort3A_720, %masked_sort3A_721 = tpu.sort %select_n3A, %select_n3A_717 masked %masked_sort3A_718 {descending = true} : (vector<16xf32>, vector<16xi32>, vector<16xi1>) -> (vector<16xi1>, vector<16xf32>, vector<16xi32>)
          scf.yield %masked_sort3A_720, %masked_sort3A_721 : vector<16xf32>, vector<16xi32>
        } else {
          scf.yield %scan3A_694, %scan3A_695 : vector<16xf32>, vector<16xi32>
        }
        scf.yield %cond3A_716#0, %cond3A_716#1 : vector<16xf32>, vector<16xi32>
      }
      %scan3A_59 = arith.constant 8 : i32
      %slice3A_60 = vector.extract_strided_slice %gather3A {offsets = [4], sizes = [1], strides = [1]} : vector<16xi32> to vector<1xi32>
      %squeeze3A_61 = vector.extract %slice3A_60[0] : i32 from vector<1xi32>
      %mul3A_62 = arith.constant 128 : i32
      %mul3A_63 = arith.muli %squeeze3A_61, %mul3A_62 : i32
      %scan3A_64 = arith.constant 0 : i32
      %scan3A_65 = arith.constant 8 : i32
      %scan3A_66 = arith.addi %scan3A_64, %scan3A_65 : i32
      %scan3A_67 = arith.constant 1 : i32
      %scan3A_68:2 = scf.for %scan3A_693 = %scan3A_64 to %scan3A_66 step %scan3A_67 iter_args(%scan3A_694 = %scan3A_58#0, %scan3A_695 = %scan3A_58#1) -> (vector<16xf32>, vector<16xi32>)  : i32 {
        %mul3A_696 = arith.constant 16 : i32
        %mul3A_697 = arith.muli %scan3A_693, %mul3A_696 : i32
        %get3A_698 = arith.constant 4 : i32
        %get3A_699 = arith.index_cast %get3A_698 : i32 to index
        %get3A_700 = arith.index_cast %mul3A_697 : i32 to index
        %get3A_701 = tpu.vector_load %arg7[%get3A_699, %get3A_700] {strides = array<i32>} : memref<16x128xf32, #tpu.memory_space<vmem>>, vector<16xf32>,
        %mul3A_702 = arith.constant 16 : i32
        %mul3A_703 = arith.muli %scan3A_693, %mul3A_702 : i32
        %add3A_704 = arith.addi %mul3A_63, %mul3A_703 : i32
        %iota3A_705 = tpu.iota {dimensions = array<i32: 0>} : vector<16xi32>
        %add3A_706 = vector.broadcast %add3A_704 : i32 to vector<16xi32>
        %add3A_707 = arith.addi %add3A_706, %iota3A_705 : vector<16xi32>
        %masked_sort3A = arith.constant dense<true> : vector<16xi1>
        %masked_sort3A_708, %masked_sort3A_709, %masked_sort3A_710 = tpu.sort %get3A_701, %add3A_707 masked %masked_sort3A : (vector<16xf32>, vector<16xi32>, vector<16xi1>) -> (vector<16xi1>, vector<16xf32>, vector<16xi32>)
        %slice3A_711 = vector.extract_strided_slice %masked_sort3A_709 {offsets = [15], sizes = [1], strides = [1]} : vector<16xf32> to vector<1xf32>
        %squeeze3A_712 = vector.extract %slice3A_711[0] : f32 from vector<1xf32>
        %slice3A_713 = vector.extract_strided_slice %scan3A_694 {offsets = [15], sizes = [1], strides = [1]} : vector<16xf32> to vector<1xf32>
        %squeeze3A_714 = vector.extract %slice3A_713[0] : f32 from vector<1xf32>
        %gt3A = arith.cmpf ogt, %squeeze3A_712, %squeeze3A_714 : f32
        %convert_element_type3A = arith.extui %gt3A : i1 to i32
        %cond3A = arith.constant 0 : i32
        %cond3A_715 = arith.cmpi ne, %convert_element_type3A, %cond3A : i32
        %cond3A_716:2 = scf.if %cond3A_715 -> (vector<16xf32>, vector<16xi32>) {
          %ge3A = arith.cmpf oge, %scan3A_694, %masked_sort3A_709 : vector<16xf32>
          %select_n3A = arith.select %ge3A, %scan3A_694, %masked_sort3A_709 : vector<16xi1>, vector<16xf32>
          %select_n3A_717 = arith.select %ge3A, %scan3A_695, %masked_sort3A_710 : vector<16xi1>, vector<16xi32>
          %masked_sort3A_718 = arith.constant dense<true> : vector<16xi1>
          %masked_sort3A_719, %masked_sort3A_720, %masked_sort3A_721 = tpu.sort %select_n3A, %select_n3A_717 masked %masked_sort3A_718 {descending = true} : (vector<16xf32>, vector<16xi32>, vector<16xi1>) -> (vector<16xi1>, vector<16xf32>, vector<16xi32>)
          scf.yield %masked_sort3A_720, %masked_sort3A_721 : vector<16xf32>, vector<16xi32>
        } else {
          scf.yield %scan3A_694, %scan3A_695 : vector<16xf32>, vector<16xi32>
        }
        scf.yield %cond3A_716#0, %cond3A_716#1 : vector<16xf32>, vector<16xi32>
      }
      %scan3A_69 = arith.constant 8 : i32
      %slice3A_70 = vector.extract_strided_slice %gather3A {offsets = [5], sizes = [1], strides = [1]} : vector<16xi32> to vector<1xi32>
      %squeeze3A_71 = vector.extract %slice3A_70[0] : i32 from vector<1xi32>
      %mul3A_72 = arith.constant 128 : i32
      %mul3A_73 = arith.muli %squeeze3A_71, %mul3A_72 : i32
      %scan3A_74 = arith.constant 0 : i32
      %scan3A_75 = arith.constant 8 : i32
      %scan3A_76 = arith.addi %scan3A_74, %scan3A_75 : i32
      %scan3A_77 = arith.constant 1 : i32
      %scan3A_78:2 = scf.for %scan3A_693 = %scan3A_74 to %scan3A_76 step %scan3A_77 iter_args(%scan3A_694 = %scan3A_68#0, %scan3A_695 = %scan3A_68#1) -> (vector<16xf32>, vector<16xi32>)  : i32 {
        %mul3A_696 = arith.constant 16 : i32
        %mul3A_697 = arith.muli %scan3A_693, %mul3A_696 : i32
        %get3A_698 = arith.constant 5 : i32
        %get3A_699 = arith.index_cast %get3A_698 : i32 to index
        %get3A_700 = arith.index_cast %mul3A_697 : i32 to index
        %get3A_701 = tpu.vector_load %arg7[%get3A_699, %get3A_700] {strides = array<i32>} : memref<16x128xf32, #tpu.memory_space<vmem>>, vector<16xf32>,
        %mul3A_702 = arith.constant 16 : i32
        %mul3A_703 = arith.muli %scan3A_693, %mul3A_702 : i32
        %add3A_704 = arith.addi %mul3A_73, %mul3A_703 : i32
        %iota3A_705 = tpu.iota {dimensions = array<i32: 0>} : vector<16xi32>
        %add3A_706 = vector.broadcast %add3A_704 : i32 to vector<16xi32>
        %add3A_707 = arith.addi %add3A_706, %iota3A_705 : vector<16xi32>
        %masked_sort3A = arith.constant dense<true> : vector<16xi1>
        %masked_sort3A_708, %masked_sort3A_709, %masked_sort3A_710 = tpu.sort %get3A_701, %add3A_707 masked %masked_sort3A : (vector<16xf32>, vector<16xi32>, vector<16xi1>) -> (vector<16xi1>, vector<16xf32>, vector<16xi32>)
        %slice3A_711 = vector.extract_strided_slice %masked_sort3A_709 {offsets = [15], sizes = [1], strides = [1]} : vector<16xf32> to vector<1xf32>
        %squeeze3A_712 = vector.extract %slice3A_711[0] : f32 from vector<1xf32>
        %slice3A_713 = vector.extract_strided_slice %scan3A_694 {offsets = [15], sizes = [1], strides = [1]} : vector<16xf32> to vector<1xf32>
        %squeeze3A_714 = vector.extract %slice3A_713[0] : f32 from vector<1xf32>
        %gt3A = arith.cmpf ogt, %squeeze3A_712, %squeeze3A_714 : f32
        %convert_element_type3A = arith.extui %gt3A : i1 to i32
        %cond3A = arith.constant 0 : i32
        %cond3A_715 = arith.cmpi ne, %convert_element_type3A, %cond3A : i32
        %cond3A_716:2 = scf.if %cond3A_715 -> (vector<16xf32>, vector<16xi32>) {
          %ge3A = arith.cmpf oge, %scan3A_694, %masked_sort3A_709 : vector<16xf32>
          %select_n3A = arith.select %ge3A, %scan3A_694, %masked_sort3A_709 : vector<16xi1>, vector<16xf32>
          %select_n3A_717 = arith.select %ge3A, %scan3A_695, %masked_sort3A_710 : vector<16xi1>, vector<16xi32>
          %masked_sort3A_718 = arith.constant dense<true> : vector<16xi1>
          %masked_sort3A_719, %masked_sort3A_720, %masked_sort3A_721 = tpu.sort %select_n3A, %select_n3A_717 masked %masked_sort3A_718 {descending = true} : (vector<16xf32>, vector<16xi32>, vector<16xi1>) -> (vector<16xi1>, vector<16xf32>, vector<16xi32>)
          scf.yield %masked_sort3A_720, %masked_sort3A_721 : vector<16xf32>, vector<16xi32>
        } else {
          scf.yield %scan3A_694, %scan3A_695 : vector<16xf32>, vector<16xi32>
        }
        scf.yield %cond3A_716#0, %cond3A_716#1 : vector<16xf32>, vector<16xi32>
      }
      %scan3A_79 = arith.constant 8 : i32
      %slice3A_80 = vector.extract_strided_slice %gather3A {offsets = [6], sizes = [1], strides = [1]} : vector<16xi32> to vector<1xi32>
      %squeeze3A_81 = vector.extract %slice3A_80[0] : i32 from vector<1xi32>
      %mul3A_82 = arith.constant 128 : i32
      %mul3A_83 = arith.muli %squeeze3A_81, %mul3A_82 : i32
      %scan3A_84 = arith.constant 0 : i32
      %scan3A_85 = arith.constant 8 : i32
      %scan3A_86 = arith.addi %scan3A_84, %scan3A_85 : i32
      %scan3A_87 = arith.constant 1 : i32
      %scan3A_88:2 = scf.for %scan3A_693 = %scan3A_84 to %scan3A_86 step %scan3A_87 iter_args(%scan3A_694 = %scan3A_78#0, %scan3A_695 = %scan3A_78#1) -> (vector<16xf32>, vector<16xi32>)  : i32 {
        %mul3A_696 = arith.constant 16 : i32
        %mul3A_697 = arith.muli %scan3A_693, %mul3A_696 : i32
        %get3A_698 = arith.constant 6 : i32
        %get3A_699 = arith.index_cast %get3A_698 : i32 to index
        %get3A_700 = arith.index_cast %mul3A_697 : i32 to index
        %get3A_701 = tpu.vector_load %arg7[%get3A_699, %get3A_700] {strides = array<i32>} : memref<16x128xf32, #tpu.memory_space<vmem>>, vector<16xf32>,
        %mul3A_702 = arith.constant 16 : i32
        %mul3A_703 = arith.muli %scan3A_693, %mul3A_702 : i32
        %add3A_704 = arith.addi %mul3A_83, %mul3A_703 : i32
        %iota3A_705 = tpu.iota {dimensions = array<i32: 0>} : vector<16xi32>
        %add3A_706 = vector.broadcast %add3A_704 : i32 to vector<16xi32>
        %add3A_707 = arith.addi %add3A_706, %iota3A_705 : vector<16xi32>
        %masked_sort3A = arith.constant dense<true> : vector<16xi1>
        %masked_sort3A_708, %masked_sort3A_709, %masked_sort3A_710 = tpu.sort %get3A_701, %add3A_707 masked %masked_sort3A : (vector<16xf32>, vector<16xi32>, vector<16xi1>) -> (vector<16xi1>, vector<16xf32>, vector<16xi32>)
        %slice3A_711 = vector.extract_strided_slice %masked_sort3A_709 {offsets = [15], sizes = [1], strides = [1]} : vector<16xf32> to vector<1xf32>
        %squeeze3A_712 = vector.extract %slice3A_711[0] : f32 from vector<1xf32>
        %slice3A_713 = vector.extract_strided_slice %scan3A_694 {offsets = [15], sizes = [1], strides = [1]} : vector<16xf32> to vector<1xf32>
        %squeeze3A_714 = vector.extract %slice3A_713[0] : f32 from vector<1xf32>
        %gt3A = arith.cmpf ogt, %squeeze3A_712, %squeeze3A_714 : f32
        %convert_element_type3A = arith.extui %gt3A : i1 to i32
        %cond3A = arith.constant 0 : i32
        %cond3A_715 = arith.cmpi ne, %convert_element_type3A, %cond3A : i32
        %cond3A_716:2 = scf.if %cond3A_715 -> (vector<16xf32>, vector<16xi32>) {
          %ge3A = arith.cmpf oge, %scan3A_694, %masked_sort3A_709 : vector<16xf32>
          %select_n3A = arith.select %ge3A, %scan3A_694, %masked_sort3A_709 : vector<16xi1>, vector<16xf32>
          %select_n3A_717 = arith.select %ge3A, %scan3A_695, %masked_sort3A_710 : vector<16xi1>, vector<16xi32>
          %masked_sort3A_718 = arith.constant dense<true> : vector<16xi1>
          %masked_sort3A_719, %masked_sort3A_720, %masked_sort3A_721 = tpu.sort %select_n3A, %select_n3A_717 masked %masked_sort3A_718 {descending = true} : (vector<16xf32>, vector<16xi32>, vector<16xi1>) -> (vector<16xi1>, vector<16xf32>, vector<16xi32>)
          scf.yield %masked_sort3A_720, %masked_sort3A_721 : vector<16xf32>, vector<16xi32>
        } else {
          scf.yield %scan3A_694, %scan3A_695 : vector<16xf32>, vector<16xi32>
        }
        scf.yield %cond3A_716#0, %cond3A_716#1 : vector<16xf32>, vector<16xi32>
      }
      %scan3A_89 = arith.constant 8 : i32
      %slice3A_90 = vector.extract_strided_slice %gather3A {offsets = [7], sizes = [1], strides = [1]} : vector<16xi32> to vector<1xi32>
      %squeeze3A_91 = vector.extract %slice3A_90[0] : i32 from vector<1xi32>
      %mul3A_92 = arith.constant 128 : i32
      %mul3A_93 = arith.muli %squeeze3A_91, %mul3A_92 : i32
      %scan3A_94 = arith.constant 0 : i32
      %scan3A_95 = arith.constant 8 : i32
      %scan3A_96 = arith.addi %scan3A_94, %scan3A_95 : i32
      %scan3A_97 = arith.constant 1 : i32
      %scan3A_98:2 = scf.for %scan3A_693 = %scan3A_94 to %scan3A_96 step %scan3A_97 iter_args(%scan3A_694 = %scan3A_88#0, %scan3A_695 = %scan3A_88#1) -> (vector<16xf32>, vector<16xi32>)  : i32 {
        %mul3A_696 = arith.constant 16 : i32
        %mul3A_697 = arith.muli %scan3A_693, %mul3A_696 : i32
        %get3A_698 = arith.constant 7 : i32
        %get3A_699 = arith.index_cast %get3A_698 : i32 to index
        %get3A_700 = arith.index_cast %mul3A_697 : i32 to index
        %get3A_701 = tpu.vector_load %arg7[%get3A_699, %get3A_700] {strides = array<i32>} : memref<16x128xf32, #tpu.memory_space<vmem>>, vector<16xf32>,
        %mul3A_702 = arith.constant 16 : i32
        %mul3A_703 = arith.muli %scan3A_693, %mul3A_702 : i32
        %add3A_704 = arith.addi %mul3A_93, %mul3A_703 : i32
        %iota3A_705 = tpu.iota {dimensions = array<i32: 0>} : vector<16xi32>
        %add3A_706 = vector.broadcast %add3A_704 : i32 to vector<16xi32>
        %add3A_707 = arith.addi %add3A_706, %iota3A_705 : vector<16xi32>
        %masked_sort3A = arith.constant dense<true> : vector<16xi1>
        %masked_sort3A_708, %masked_sort3A_709, %masked_sort3A_710 = tpu.sort %get3A_701, %add3A_707 masked %masked_sort3A : (vector<16xf32>, vector<16xi32>, vector<16xi1>) -> (vector<16xi1>, vector<16xf32>, vector<16xi32>)
        %slice3A_711 = vector.extract_strided_slice %masked_sort3A_709 {offsets = [15], sizes = [1], strides = [1]} : vector<16xf32> to vector<1xf32>
        %squeeze3A_712 = vector.extract %slice3A_711[0] : f32 from vector<1xf32>
        %slice3A_713 = vector.extract_strided_slice %scan3A_694 {offsets = [15], sizes = [1], strides = [1]} : vector<16xf32> to vector<1xf32>
        %squeeze3A_714 = vector.extract %slice3A_713[0] : f32 from vector<1xf32>
        %gt3A = arith.cmpf ogt, %squeeze3A_712, %squeeze3A_714 : f32
        %convert_element_type3A = arith.extui %gt3A : i1 to i32
        %cond3A = arith.constant 0 : i32
        %cond3A_715 = arith.cmpi ne, %convert_element_type3A, %cond3A : i32
        %cond3A_716:2 = scf.if %cond3A_715 -> (vector<16xf32>, vector<16xi32>) {
          %ge3A = arith.cmpf oge, %scan3A_694, %masked_sort3A_709 : vector<16xf32>
          %select_n3A = arith.select %ge3A, %scan3A_694, %masked_sort3A_709 : vector<16xi1>, vector<16xf32>
          %select_n3A_717 = arith.select %ge3A, %scan3A_695, %masked_sort3A_710 : vector<16xi1>, vector<16xi32>
          %masked_sort3A_718 = arith.constant dense<true> : vector<16xi1>
          %masked_sort3A_719, %masked_sort3A_720, %masked_sort3A_721 = tpu.sort %select_n3A, %select_n3A_717 masked %masked_sort3A_718 {descending = true} : (vector<16xf32>, vector<16xi32>, vector<16xi1>) -> (vector<16xi1>, vector<16xf32>, vector<16xi32>)
          scf.yield %masked_sort3A_720, %masked_sort3A_721 : vector<16xf32>, vector<16xi32>
        } else {
          scf.yield %scan3A_694, %scan3A_695 : vector<16xf32>, vector<16xi32>
        }
        scf.yield %cond3A_716#0, %cond3A_716#1 : vector<16xf32>, vector<16xi32>
      }
      %scan3A_99 = arith.constant 8 : i32
      %slice3A_100 = vector.extract_strided_slice %gather3A {offsets = [8], sizes = [1], strides = [1]} : vector<16xi32> to vector<1xi32>
      %squeeze3A_101 = vector.extract %slice3A_100[0] : i32 from vector<1xi32>
      %mul3A_102 = arith.constant 128 : i32
      %mul3A_103 = arith.muli %squeeze3A_101, %mul3A_102 : i32
      %scan3A_104 = arith.constant 0 : i32
      %scan3A_105 = arith.constant 8 : i32
      %scan3A_106 = arith.addi %scan3A_104, %scan3A_105 : i32
      %scan3A_107 = arith.constant 1 : i32
      %scan3A_108:2 = scf.for %scan3A_693 = %scan3A_104 to %scan3A_106 step %scan3A_107 iter_args(%scan3A_694 = %scan3A_98#0, %scan3A_695 = %scan3A_98#1) -> (vector<16xf32>, vector<16xi32>)  : i32 {
        %mul3A_696 = arith.constant 16 : i32
        %mul3A_697 = arith.muli %scan3A_693, %mul3A_696 : i32
        %get3A_698 = arith.constant 8 : i32
        %get3A_699 = arith.index_cast %get3A_698 : i32 to index
        %get3A_700 = arith.index_cast %mul3A_697 : i32 to index
        %get3A_701 = tpu.vector_load %arg7[%get3A_699, %get3A_700] {strides = array<i32>} : memref<16x128xf32, #tpu.memory_space<vmem>>, vector<16xf32>,
        %mul3A_702 = arith.constant 16 : i32
        %mul3A_703 = arith.muli %scan3A_693, %mul3A_702 : i32
        %add3A_704 = arith.addi %mul3A_103, %mul3A_703 : i32
        %iota3A_705 = tpu.iota {dimensions = array<i32: 0>} : vector<16xi32>
        %add3A_706 = vector.broadcast %add3A_704 : i32 to vector<16xi32>
        %add3A_707 = arith.addi %add3A_706, %iota3A_705 : vector<16xi32>
        %masked_sort3A = arith.constant dense<true> : vector<16xi1>
        %masked_sort3A_708, %masked_sort3A_709, %masked_sort3A_710 = tpu.sort %get3A_701, %add3A_707 masked %masked_sort3A : (vector<16xf32>, vector<16xi32>, vector<16xi1>) -> (vector<16xi1>, vector<16xf32>, vector<16xi32>)
        %slice3A_711 = vector.extract_strided_slice %masked_sort3A_709 {offsets = [15], sizes = [1], strides = [1]} : vector<16xf32> to vector<1xf32>
        %squeeze3A_712 = vector.extract %slice3A_711[0] : f32 from vector<1xf32>
        %slice3A_713 = vector.extract_strided_slice %scan3A_694 {offsets = [15], sizes = [1], strides = [1]} : vector<16xf32> to vector<1xf32>
        %squeeze3A_714 = vector.extract %slice3A_713[0] : f32 from vector<1xf32>
        %gt3A = arith.cmpf ogt, %squeeze3A_712, %squeeze3A_714 : f32
        %convert_element_type3A = arith.extui %gt3A : i1 to i32
        %cond3A = arith.constant 0 : i32
        %cond3A_715 = arith.cmpi ne, %convert_element_type3A, %cond3A : i32
        %cond3A_716:2 = scf.if %cond3A_715 -> (vector<16xf32>, vector<16xi32>) {
          %ge3A = arith.cmpf oge, %scan3A_694, %masked_sort3A_709 : vector<16xf32>
          %select_n3A = arith.select %ge3A, %scan3A_694, %masked_sort3A_709 : vector<16xi1>, vector<16xf32>
          %select_n3A_717 = arith.select %ge3A, %scan3A_695, %masked_sort3A_710 : vector<16xi1>, vector<16xi32>
          %masked_sort3A_718 = arith.constant dense<true> : vector<16xi1>
          %masked_sort3A_719, %masked_sort3A_720, %masked_sort3A_721 = tpu.sort %select_n3A, %select_n3A_717 masked %masked_sort3A_718 {descending = true} : (vector<16xf32>, vector<16xi32>, vector<16xi1>) -> (vector<16xi1>, vector<16xf32>, vector<16xi32>)
          scf.yield %masked_sort3A_720, %masked_sort3A_721 : vector<16xf32>, vector<16xi32>
        } else {
          scf.yield %scan3A_694, %scan3A_695 : vector<16xf32>, vector<16xi32>
        }
        scf.yield %cond3A_716#0, %cond3A_716#1 : vector<16xf32>, vector<16xi32>
      }
      %scan3A_109 = arith.constant 8 : i32
      %slice3A_110 = vector.extract_strided_slice %gather3A {offsets = [9], sizes = [1], strides = [1]} : vector<16xi32> to vector<1xi32>
      %squeeze3A_111 = vector.extract %slice3A_110[0] : i32 from vector<1xi32>
      %mul3A_112 = arith.constant 128 : i32
      %mul3A_113 = arith.muli %squeeze3A_111, %mul3A_112 : i32
      %scan3A_114 = arith.constant 0 : i32
      %scan3A_115 = arith.constant 8 : i32
      %scan3A_116 = arith.addi %scan3A_114, %scan3A_115 : i32
      %scan3A_117 = arith.constant 1 : i32
      %scan3A_118:2 = scf.for %scan3A_693 = %scan3A_114 to %scan3A_116 step %scan3A_117 iter_args(%scan3A_694 = %scan3A_108#0, %scan3A_695 = %scan3A_108#1) -> (vector<16xf32>, vector<16xi32>)  : i32 {
        %mul3A_696 = arith.constant 16 : i32
        %mul3A_697 = arith.muli %scan3A_693, %mul3A_696 : i32
        %get3A_698 = arith.constant 9 : i32
        %get3A_699 = arith.index_cast %get3A_698 : i32 to index
        %get3A_700 = arith.index_cast %mul3A_697 : i32 to index
        %get3A_701 = tpu.vector_load %arg7[%get3A_699, %get3A_700] {strides = array<i32>} : memref<16x128xf32, #tpu.memory_space<vmem>>, vector<16xf32>,
        %mul3A_702 = arith.constant 16 : i32
        %mul3A_703 = arith.muli %scan3A_693, %mul3A_702 : i32
        %add3A_704 = arith.addi %mul3A_113, %mul3A_703 : i32
        %iota3A_705 = tpu.iota {dimensions = array<i32: 0>} : vector<16xi32>
        %add3A_706 = vector.broadcast %add3A_704 : i32 to vector<16xi32>
        %add3A_707 = arith.addi %add3A_706, %iota3A_705 : vector<16xi32>
        %masked_sort3A = arith.constant dense<true> : vector<16xi1>
        %masked_sort3A_708, %masked_sort3A_709, %masked_sort3A_710 = tpu.sort %get3A_701, %add3A_707 masked %masked_sort3A : (vector<16xf32>, vector<16xi32>, vector<16xi1>) -> (vector<16xi1>, vector<16xf32>, vector<16xi32>)
        %slice3A_711 = vector.extract_strided_slice %masked_sort3A_709 {offsets = [15], sizes = [1], strides = [1]} : vector<16xf32> to vector<1xf32>
        %squeeze3A_712 = vector.extract %slice3A_711[0] : f32 from vector<1xf32>
        %slice3A_713 = vector.extract_strided_slice %scan3A_694 {offsets = [15], sizes = [1], strides = [1]} : vector<16xf32> to vector<1xf32>
        %squeeze3A_714 = vector.extract %slice3A_713[0] : f32 from vector<1xf32>
        %gt3A = arith.cmpf ogt, %squeeze3A_712, %squeeze3A_714 : f32
        %convert_element_type3A = arith.extui %gt3A : i1 to i32
        %cond3A = arith.constant 0 : i32
        %cond3A_715 = arith.cmpi ne, %convert_element_type3A, %cond3A : i32
        %cond3A_716:2 = scf.if %cond3A_715 -> (vector<16xf32>, vector<16xi32>) {
          %ge3A = arith.cmpf oge, %scan3A_694, %masked_sort3A_709 : vector<16xf32>
          %select_n3A = arith.select %ge3A, %scan3A_694, %masked_sort3A_709 : vector<16xi1>, vector<16xf32>
          %select_n3A_717 = arith.select %ge3A, %scan3A_695, %masked_sort3A_710 : vector<16xi1>, vector<16xi32>
          %masked_sort3A_718 = arith.constant dense<true> : vector<16xi1>
          %masked_sort3A_719, %masked_sort3A_720, %masked_sort3A_721 = tpu.sort %select_n3A, %select_n3A_717 masked %masked_sort3A_718 {descending = true} : (vector<16xf32>, vector<16xi32>, vector<16xi1>) -> (vector<16xi1>, vector<16xf32>, vector<16xi32>)
          scf.yield %masked_sort3A_720, %masked_sort3A_721 : vector<16xf32>, vector<16xi32>
        } else {
          scf.yield %scan3A_694, %scan3A_695 : vector<16xf32>, vector<16xi32>
        }
        scf.yield %cond3A_716#0, %cond3A_716#1 : vector<16xf32>, vector<16xi32>
      }
      %scan3A_119 = arith.constant 8 : i32
      %slice3A_120 = vector.extract_strided_slice %gather3A {offsets = [10], sizes = [1], strides = [1]} : vector<16xi32> to vector<1xi32>
      %squeeze3A_121 = vector.extract %slice3A_120[0] : i32 from vector<1xi32>
      %mul3A_122 = arith.constant 128 : i32
      %mul3A_123 = arith.muli %squeeze3A_121, %mul3A_122 : i32
      %scan3A_124 = arith.constant 0 : i32
      %scan3A_125 = arith.constant 8 : i32
      %scan3A_126 = arith.addi %scan3A_124, %scan3A_125 : i32
      %scan3A_127 = arith.constant 1 : i32
      %scan3A_128:2 = scf.for %scan3A_693 = %scan3A_124 to %scan3A_126 step %scan3A_127 iter_args(%scan3A_694 = %scan3A_118#0, %scan3A_695 = %scan3A_118#1) -> (vector<16xf32>, vector<16xi32>)  : i32 {
        %mul3A_696 = arith.constant 16 : i32
        %mul3A_697 = arith.muli %scan3A_693, %mul3A_696 : i32
        %get3A_698 = arith.constant 10 : i32
        %get3A_699 = arith.index_cast %get3A_698 : i32 to index
        %get3A_700 = arith.index_cast %mul3A_697 : i32 to index
        %get3A_701 = tpu.vector_load %arg7[%get3A_699, %get3A_700] {strides = array<i32>} : memref<16x128xf32, #tpu.memory_space<vmem>>, vector<16xf32>,
        %mul3A_702 = arith.constant 16 : i32
        %mul3A_703 = arith.muli %scan3A_693, %mul3A_702 : i32
        %add3A_704 = arith.addi %mul3A_123, %mul3A_703 : i32
        %iota3A_705 = tpu.iota {dimensions = array<i32: 0>} : vector<16xi32>
        %add3A_706 = vector.broadcast %add3A_704 : i32 to vector<16xi32>
        %add3A_707 = arith.addi %add3A_706, %iota3A_705 : vector<16xi32>
        %masked_sort3A = arith.constant dense<true> : vector<16xi1>
        %masked_sort3A_708, %masked_sort3A_709, %masked_sort3A_710 = tpu.sort %get3A_701, %add3A_707 masked %masked_sort3A : (vector<16xf32>, vector<16xi32>, vector<16xi1>) -> (vector<16xi1>, vector<16xf32>, vector<16xi32>)
        %slice3A_711 = vector.extract_strided_slice %masked_sort3A_709 {offsets = [15], sizes = [1], strides = [1]} : vector<16xf32> to vector<1xf32>
        %squeeze3A_712 = vector.extract %slice3A_711[0] : f32 from vector<1xf32>
        %slice3A_713 = vector.extract_strided_slice %scan3A_694 {offsets = [15], sizes = [1], strides = [1]} : vector<16xf32> to vector<1xf32>
        %squeeze3A_714 = vector.extract %slice3A_713[0] : f32 from vector<1xf32>
        %gt3A = arith.cmpf ogt, %squeeze3A_712, %squeeze3A_714 : f32
        %convert_element_type3A = arith.extui %gt3A : i1 to i32
        %cond3A = arith.constant 0 : i32
        %cond3A_715 = arith.cmpi ne, %convert_element_type3A, %cond3A : i32
        %cond3A_716:2 = scf.if %cond3A_715 -> (vector<16xf32>, vector<16xi32>) {
          %ge3A = arith.cmpf oge, %scan3A_694, %masked_sort3A_709 : vector<16xf32>
          %select_n3A = arith.select %ge3A, %scan3A_694, %masked_sort3A_709 : vector<16xi1>, vector<16xf32>
          %select_n3A_717 = arith.select %ge3A, %scan3A_695, %masked_sort3A_710 : vector<16xi1>, vector<16xi32>
          %masked_sort3A_718 = arith.constant dense<true> : vector<16xi1>
          %masked_sort3A_719, %masked_sort3A_720, %masked_sort3A_721 = tpu.sort %select_n3A, %select_n3A_717 masked %masked_sort3A_718 {descending = true} : (vector<16xf32>, vector<16xi32>, vector<16xi1>) -> (vector<16xi1>, vector<16xf32>, vector<16xi32>)
          scf.yield %masked_sort3A_720, %masked_sort3A_721 : vector<16xf32>, vector<16xi32>
        } else {
          scf.yield %scan3A_694, %scan3A_695 : vector<16xf32>, vector<16xi32>
        }
        scf.yield %cond3A_716#0, %cond3A_716#1 : vector<16xf32>, vector<16xi32>
      }
      %scan3A_129 = arith.constant 8 : i32
      %slice3A_130 = vector.extract_strided_slice %gather3A {offsets = [11], sizes = [1], strides = [1]} : vector<16xi32> to vector<1xi32>
      %squeeze3A_131 = vector.extract %slice3A_130[0] : i32 from vector<1xi32>
      %mul3A_132 = arith.constant 128 : i32
      %mul3A_133 = arith.muli %squeeze3A_131, %mul3A_132 : i32
      %scan3A_134 = arith.constant 0 : i32
      %scan3A_135 = arith.constant 8 : i32
      %scan3A_136 = arith.addi %scan3A_134, %scan3A_135 : i32
      %scan3A_137 = arith.constant 1 : i32
      %scan3A_138:2 = scf.for %scan3A_693 = %scan3A_134 to %scan3A_136 step %scan3A_137 iter_args(%scan3A_694 = %scan3A_128#0, %scan3A_695 = %scan3A_128#1) -> (vector<16xf32>, vector<16xi32>)  : i32 {
        %mul3A_696 = arith.constant 16 : i32
        %mul3A_697 = arith.muli %scan3A_693, %mul3A_696 : i32
        %get3A_698 = arith.constant 11 : i32
        %get3A_699 = arith.index_cast %get3A_698 : i32 to index
        %get3A_700 = arith.index_cast %mul3A_697 : i32 to index
        %get3A_701 = tpu.vector_load %arg7[%get3A_699, %get3A_700] {strides = array<i32>} : memref<16x128xf32, #tpu.memory_space<vmem>>, vector<16xf32>,
        %mul3A_702 = arith.constant 16 : i32
        %mul3A_703 = arith.muli %scan3A_693, %mul3A_702 : i32
        %add3A_704 = arith.addi %mul3A_133, %mul3A_703 : i32
        %iota3A_705 = tpu.iota {dimensions = array<i32: 0>} : vector<16xi32>
        %add3A_706 = vector.broadcast %add3A_704 : i32 to vector<16xi32>
        %add3A_707 = arith.addi %add3A_706, %iota3A_705 : vector<16xi32>
        %masked_sort3A = arith.constant dense<true> : vector<16xi1>
        %masked_sort3A_708, %masked_sort3A_709, %masked_sort3A_710 = tpu.sort %get3A_701, %add3A_707 masked %masked_sort3A : (vector<16xf32>, vector<16xi32>, vector<16xi1>) -> (vector<16xi1>, vector<16xf32>, vector<16xi32>)
        %slice3A_711 = vector.extract_strided_slice %masked_sort3A_709 {offsets = [15], sizes = [1], strides = [1]} : vector<16xf32> to vector<1xf32>
        %squeeze3A_712 = vector.extract %slice3A_711[0] : f32 from vector<1xf32>
        %slice3A_713 = vector.extract_strided_slice %scan3A_694 {offsets = [15], sizes = [1], strides = [1]} : vector<16xf32> to vector<1xf32>
        %squeeze3A_714 = vector.extract %slice3A_713[0] : f32 from vector<1xf32>
        %gt3A = arith.cmpf ogt, %squeeze3A_712, %squeeze3A_714 : f32
        %convert_element_type3A = arith.extui %gt3A : i1 to i32
        %cond3A = arith.constant 0 : i32
        %cond3A_715 = arith.cmpi ne, %convert_element_type3A, %cond3A : i32
        %cond3A_716:2 = scf.if %cond3A_715 -> (vector<16xf32>, vector<16xi32>) {
          %ge3A = arith.cmpf oge, %scan3A_694, %masked_sort3A_709 : vector<16xf32>
          %select_n3A = arith.select %ge3A, %scan3A_694, %masked_sort3A_709 : vector<16xi1>, vector<16xf32>
          %select_n3A_717 = arith.select %ge3A, %scan3A_695, %masked_sort3A_710 : vector<16xi1>, vector<16xi32>
          %masked_sort3A_718 = arith.constant dense<true> : vector<16xi1>
          %masked_sort3A_719, %masked_sort3A_720, %masked_sort3A_721 = tpu.sort %select_n3A, %select_n3A_717 masked %masked_sort3A_718 {descending = true} : (vector<16xf32>, vector<16xi32>, vector<16xi1>) -> (vector<16xi1>, vector<16xf32>, vector<16xi32>)
          scf.yield %masked_sort3A_720, %masked_sort3A_721 : vector<16xf32>, vector<16xi32>
        } else {
          scf.yield %scan3A_694, %scan3A_695 : vector<16xf32>, vector<16xi32>
        }
        scf.yield %cond3A_716#0, %cond3A_716#1 : vector<16xf32>, vector<16xi32>
      }
      %scan3A_139 = arith.constant 8 : i32
      %slice3A_140 = vector.extract_strided_slice %gather3A {offsets = [12], sizes = [1], strides = [1]} : vector<16xi32> to vector<1xi32>
      %squeeze3A_141 = vector.extract %slice3A_140[0] : i32 from vector<1xi32>
      %mul3A_142 = arith.constant 128 : i32
      %mul3A_143 = arith.muli %squeeze3A_141, %mul3A_142 : i32
      %scan3A_144 = arith.constant 0 : i32
      %scan3A_145 = arith.constant 8 : i32
      %scan3A_146 = arith.addi %scan3A_144, %scan3A_145 : i32
      %scan3A_147 = arith.constant 1 : i32
      %scan3A_148:2 = scf.for %scan3A_693 = %scan3A_144 to %scan3A_146 step %scan3A_147 iter_args(%scan3A_694 = %scan3A_138#0, %scan3A_695 = %scan3A_138#1) -> (vector<16xf32>, vector<16xi32>)  : i32 {
        %mul3A_696 = arith.constant 16 : i32
        %mul3A_697 = arith.muli %scan3A_693, %mul3A_696 : i32
        %get3A_698 = arith.constant 12 : i32
        %get3A_699 = arith.index_cast %get3A_698 : i32 to index
        %get3A_700 = arith.index_cast %mul3A_697 : i32 to index
        %get3A_701 = tpu.vector_load %arg7[%get3A_699, %get3A_700] {strides = array<i32>} : memref<16x128xf32, #tpu.memory_space<vmem>>, vector<16xf32>,
        %mul3A_702 = arith.constant 16 : i32
        %mul3A_703 = arith.muli %scan3A_693, %mul3A_702 : i32
        %add3A_704 = arith.addi %mul3A_143, %mul3A_703 : i32
        %iota3A_705 = tpu.iota {dimensions = array<i32: 0>} : vector<16xi32>
        %add3A_706 = vector.broadcast %add3A_704 : i32 to vector<16xi32>
        %add3A_707 = arith.addi %add3A_706, %iota3A_705 : vector<16xi32>
        %masked_sort3A = arith.constant dense<true> : vector<16xi1>
        %masked_sort3A_708, %masked_sort3A_709, %masked_sort3A_710 = tpu.sort %get3A_701, %add3A_707 masked %masked_sort3A : (vector<16xf32>, vector<16xi32>, vector<16xi1>) -> (vector<16xi1>, vector<16xf32>, vector<16xi32>)
        %slice3A_711 = vector.extract_strided_slice %masked_sort3A_709 {offsets = [15], sizes = [1], strides = [1]} : vector<16xf32> to vector<1xf32>
        %squeeze3A_712 = vector.extract %slice3A_711[0] : f32 from vector<1xf32>
        %slice3A_713 = vector.extract_strided_slice %scan3A_694 {offsets = [15], sizes = [1], strides = [1]} : vector<16xf32> to vector<1xf32>
        %squeeze3A_714 = vector.extract %slice3A_713[0] : f32 from vector<1xf32>
        %gt3A = arith.cmpf ogt, %squeeze3A_712, %squeeze3A_714 : f32
        %convert_element_type3A = arith.extui %gt3A : i1 to i32
        %cond3A = arith.constant 0 : i32
        %cond3A_715 = arith.cmpi ne, %convert_element_type3A, %cond3A : i32
        %cond3A_716:2 = scf.if %cond3A_715 -> (vector<16xf32>, vector<16xi32>) {
          %ge3A = arith.cmpf oge, %scan3A_694, %masked_sort3A_709 : vector<16xf32>
          %select_n3A = arith.select %ge3A, %scan3A_694, %masked_sort3A_709 : vector<16xi1>, vector<16xf32>
          %select_n3A_717 = arith.select %ge3A, %scan3A_695, %masked_sort3A_710 : vector<16xi1>, vector<16xi32>
          %masked_sort3A_718 = arith.constant dense<true> : vector<16xi1>
          %masked_sort3A_719, %masked_sort3A_720, %masked_sort3A_721 = tpu.sort %select_n3A, %select_n3A_717 masked %masked_sort3A_718 {descending = true} : (vector<16xf32>, vector<16xi32>, vector<16xi1>) -> (vector<16xi1>, vector<16xf32>, vector<16xi32>)
          scf.yield %masked_sort3A_720, %masked_sort3A_721 : vector<16xf32>, vector<16xi32>
        } else {
          scf.yield %scan3A_694, %scan3A_695 : vector<16xf32>, vector<16xi32>
        }
        scf.yield %cond3A_716#0, %cond3A_716#1 : vector<16xf32>, vector<16xi32>
      }
      %scan3A_149 = arith.constant 8 : i32
      %slice3A_150 = vector.extract_strided_slice %gather3A {offsets = [13], sizes = [1], strides = [1]} : vector<16xi32> to vector<1xi32>
      %squeeze3A_151 = vector.extract %slice3A_150[0] : i32 from vector<1xi32>
      %mul3A_152 = arith.constant 128 : i32
      %mul3A_153 = arith.muli %squeeze3A_151, %mul3A_152 : i32
      %scan3A_154 = arith.constant 0 : i32
      %scan3A_155 = arith.constant 8 : i32
      %scan3A_156 = arith.addi %scan3A_154, %scan3A_155 : i32
      %scan3A_157 = arith.constant 1 : i32
      %scan3A_158:2 = scf.for %scan3A_693 = %scan3A_154 to %scan3A_156 step %scan3A_157 iter_args(%scan3A_694 = %scan3A_148#0, %scan3A_695 = %scan3A_148#1) -> (vector<16xf32>, vector<16xi32>)  : i32 {
        %mul3A_696 = arith.constant 16 : i32
        %mul3A_697 = arith.muli %scan3A_693, %mul3A_696 : i32
        %get3A_698 = arith.constant 13 : i32
        %get3A_699 = arith.index_cast %get3A_698 : i32 to index
        %get3A_700 = arith.index_cast %mul3A_697 : i32 to index
        %get3A_701 = tpu.vector_load %arg7[%get3A_699, %get3A_700] {strides = array<i32>} : memref<16x128xf32, #tpu.memory_space<vmem>>, vector<16xf32>,
        %mul3A_702 = arith.constant 16 : i32
        %mul3A_703 = arith.muli %scan3A_693, %mul3A_702 : i32
        %add3A_704 = arith.addi %mul3A_153, %mul3A_703 : i32
        %iota3A_705 = tpu.iota {dimensions = array<i32: 0>} : vector<16xi32>
        %add3A_706 = vector.broadcast %add3A_704 : i32 to vector<16xi32>
        %add3A_707 = arith.addi %add3A_706, %iota3A_705 : vector<16xi32>
        %masked_sort3A = arith.constant dense<true> : vector<16xi1>
        %masked_sort3A_708, %masked_sort3A_709, %masked_sort3A_710 = tpu.sort %get3A_701, %add3A_707 masked %masked_sort3A : (vector<16xf32>, vector<16xi32>, vector<16xi1>) -> (vector<16xi1>, vector<16xf32>, vector<16xi32>)
        %slice3A_711 = vector.extract_strided_slice %masked_sort3A_709 {offsets = [15], sizes = [1], strides = [1]} : vector<16xf32> to vector<1xf32>
        %squeeze3A_712 = vector.extract %slice3A_711[0] : f32 from vector<1xf32>
        %slice3A_713 = vector.extract_strided_slice %scan3A_694 {offsets = [15], sizes = [1], strides = [1]} : vector<16xf32> to vector<1xf32>
        %squeeze3A_714 = vector.extract %slice3A_713[0] : f32 from vector<1xf32>
        %gt3A = arith.cmpf ogt, %squeeze3A_712, %squeeze3A_714 : f32
        %convert_element_type3A = arith.extui %gt3A : i1 to i32
        %cond3A = arith.constant 0 : i32
        %cond3A_715 = arith.cmpi ne, %convert_element_type3A, %cond3A : i32
        %cond3A_716:2 = scf.if %cond3A_715 -> (vector<16xf32>, vector<16xi32>) {
          %ge3A = arith.cmpf oge, %scan3A_694, %masked_sort3A_709 : vector<16xf32>
          %select_n3A = arith.select %ge3A, %scan3A_694, %masked_sort3A_709 : vector<16xi1>, vector<16xf32>
          %select_n3A_717 = arith.select %ge3A, %scan3A_695, %masked_sort3A_710 : vector<16xi1>, vector<16xi32>
          %masked_sort3A_718 = arith.constant dense<true> : vector<16xi1>
          %masked_sort3A_719, %masked_sort3A_720, %masked_sort3A_721 = tpu.sort %select_n3A, %select_n3A_717 masked %masked_sort3A_718 {descending = true} : (vector<16xf32>, vector<16xi32>, vector<16xi1>) -> (vector<16xi1>, vector<16xf32>, vector<16xi32>)
          scf.yield %masked_sort3A_720, %masked_sort3A_721 : vector<16xf32>, vector<16xi32>
        } else {
          scf.yield %scan3A_694, %scan3A_695 : vector<16xf32>, vector<16xi32>
        }
        scf.yield %cond3A_716#0, %cond3A_716#1 : vector<16xf32>, vector<16xi32>
      }
      %scan3A_159 = arith.constant 8 : i32
      %slice3A_160 = vector.extract_strided_slice %gather3A {offsets = [14], sizes = [1], strides = [1]} : vector<16xi32> to vector<1xi32>
      %squeeze3A_161 = vector.extract %slice3A_160[0] : i32 from vector<1xi32>
      %mul3A_162 = arith.constant 128 : i32
      %mul3A_163 = arith.muli %squeeze3A_161, %mul3A_162 : i32
      %scan3A_164 = arith.constant 0 : i32
      %scan3A_165 = arith.constant 8 : i32
      %scan3A_166 = arith.addi %scan3A_164, %scan3A_165 : i32
      %scan3A_167 = arith.constant 1 : i32
      %scan3A_168:2 = scf.for %scan3A_693 = %scan3A_164 to %scan3A_166 step %scan3A_167 iter_args(%scan3A_694 = %scan3A_158#0, %scan3A_695 = %scan3A_158#1) -> (vector<16xf32>, vector<16xi32>)  : i32 {
        %mul3A_696 = arith.constant 16 : i32
        %mul3A_697 = arith.muli %scan3A_693, %mul3A_696 : i32
        %get3A_698 = arith.constant 14 : i32
        %get3A_699 = arith.index_cast %get3A_698 : i32 to index
        %get3A_700 = arith.index_cast %mul3A_697 : i32 to index
        %get3A_701 = tpu.vector_load %arg7[%get3A_699, %get3A_700] {strides = array<i32>} : memref<16x128xf32, #tpu.memory_space<vmem>>, vector<16xf32>,
        %mul3A_702 = arith.constant 16 : i32
        %mul3A_703 = arith.muli %scan3A_693, %mul3A_702 : i32
        %add3A_704 = arith.addi %mul3A_163, %mul3A_703 : i32
        %iota3A_705 = tpu.iota {dimensions = array<i32: 0>} : vector<16xi32>
        %add3A_706 = vector.broadcast %add3A_704 : i32 to vector<16xi32>
        %add3A_707 = arith.addi %add3A_706, %iota3A_705 : vector<16xi32>
        %masked_sort3A = arith.constant dense<true> : vector<16xi1>
        %masked_sort3A_708, %masked_sort3A_709, %masked_sort3A_710 = tpu.sort %get3A_701, %add3A_707 masked %masked_sort3A : (vector<16xf32>, vector<16xi32>, vector<16xi1>) -> (vector<16xi1>, vector<16xf32>, vector<16xi32>)
        %slice3A_711 = vector.extract_strided_slice %masked_sort3A_709 {offsets = [15], sizes = [1], strides = [1]} : vector<16xf32> to vector<1xf32>
        %squeeze3A_712 = vector.extract %slice3A_711[0] : f32 from vector<1xf32>
        %slice3A_713 = vector.extract_strided_slice %scan3A_694 {offsets = [15], sizes = [1], strides = [1]} : vector<16xf32> to vector<1xf32>
        %squeeze3A_714 = vector.extract %slice3A_713[0] : f32 from vector<1xf32>
        %gt3A = arith.cmpf ogt, %squeeze3A_712, %squeeze3A_714 : f32
        %convert_element_type3A = arith.extui %gt3A : i1 to i32
        %cond3A = arith.constant 0 : i32
        %cond3A_715 = arith.cmpi ne, %convert_element_type3A, %cond3A : i32
        %cond3A_716:2 = scf.if %cond3A_715 -> (vector<16xf32>, vector<16xi32>) {
          %ge3A = arith.cmpf oge, %scan3A_694, %masked_sort3A_709 : vector<16xf32>
          %select_n3A = arith.select %ge3A, %scan3A_694, %masked_sort3A_709 : vector<16xi1>, vector<16xf32>
          %select_n3A_717 = arith.select %ge3A, %scan3A_695, %masked_sort3A_710 : vector<16xi1>, vector<16xi32>
          %masked_sort3A_718 = arith.constant dense<true> : vector<16xi1>
          %masked_sort3A_719, %masked_sort3A_720, %masked_sort3A_721 = tpu.sort %select_n3A, %select_n3A_717 masked %masked_sort3A_718 {descending = true} : (vector<16xf32>, vector<16xi32>, vector<16xi1>) -> (vector<16xi1>, vector<16xf32>, vector<16xi32>)
          scf.yield %masked_sort3A_720, %masked_sort3A_721 : vector<16xf32>, vector<16xi32>
        } else {
          scf.yield %scan3A_694, %scan3A_695 : vector<16xf32>, vector<16xi32>
        }
        scf.yield %cond3A_716#0, %cond3A_716#1 : vector<16xf32>, vector<16xi32>
      }
      %scan3A_169 = arith.constant 8 : i32
      %slice3A_170 = vector.extract_strided_slice %gather3A {offsets = [15], sizes = [1], strides = [1]} : vector<16xi32> to vector<1xi32>
      %squeeze3A_171 = vector.extract %slice3A_170[0] : i32 from vector<1xi32>
      %mul3A_172 = arith.constant 128 : i32
      %mul3A_173 = arith.muli %squeeze3A_171, %mul3A_172 : i32
      %scan3A_174 = arith.constant 0 : i32
      %scan3A_175 = arith.constant 8 : i32
      %scan3A_176 = arith.addi %scan3A_174, %scan3A_175 : i32
      %scan3A_177 = arith.constant 1 : i32
      %scan3A_178:2 = scf.for %scan3A_693 = %scan3A_174 to %scan3A_176 step %scan3A_177 iter_args(%scan3A_694 = %scan3A_168#0, %scan3A_695 = %scan3A_168#1) -> (vector<16xf32>, vector<16xi32>)  : i32 {
        %mul3A_696 = arith.constant 16 : i32
        %mul3A_697 = arith.muli %scan3A_693, %mul3A_696 : i32
        %get3A_698 = arith.constant 15 : i32
        %get3A_699 = arith.index_cast %get3A_698 : i32 to index
        %get3A_700 = arith.index_cast %mul3A_697 : i32 to index
        %get3A_701 = tpu.vector_load %arg7[%get3A_699, %get3A_700] {strides = array<i32>} : memref<16x128xf32, #tpu.memory_space<vmem>>, vector<16xf32>,
        %mul3A_702 = arith.constant 16 : i32
        %mul3A_703 = arith.muli %scan3A_693, %mul3A_702 : i32
        %add3A_704 = arith.addi %mul3A_173, %mul3A_703 : i32
        %iota3A_705 = tpu.iota {dimensions = array<i32: 0>} : vector<16xi32>
        %add3A_706 = vector.broadcast %add3A_704 : i32 to vector<16xi32>
        %add3A_707 = arith.addi %add3A_706, %iota3A_705 : vector<16xi32>
        %masked_sort3A = arith.constant dense<true> : vector<16xi1>
        %masked_sort3A_708, %masked_sort3A_709, %masked_sort3A_710 = tpu.sort %get3A_701, %add3A_707 masked %masked_sort3A : (vector<16xf32>, vector<16xi32>, vector<16xi1>) -> (vector<16xi1>, vector<16xf32>, vector<16xi32>)
        %slice3A_711 = vector.extract_strided_slice %masked_sort3A_709 {offsets = [15], sizes = [1], strides = [1]} : vector<16xf32> to vector<1xf32>
        %squeeze3A_712 = vector.extract %slice3A_711[0] : f32 from vector<1xf32>
        %slice3A_713 = vector.extract_strided_slice %scan3A_694 {offsets = [15], sizes = [1], strides = [1]} : vector<16xf32> to vector<1xf32>
        %squeeze3A_714 = vector.extract %slice3A_713[0] : f32 from vector<1xf32>
        %gt3A = arith.cmpf ogt, %squeeze3A_712, %squeeze3A_714 : f32
        %convert_element_type3A = arith.extui %gt3A : i1 to i32
        %cond3A = arith.constant 0 : i32
        %cond3A_715 = arith.cmpi ne, %convert_element_type3A, %cond3A : i32
        %cond3A_716:2 = scf.if %cond3A_715 -> (vector<16xf32>, vector<16xi32>) {
          %ge3A = arith.cmpf oge, %scan3A_694, %masked_sort3A_709 : vector<16xf32>
          %select_n3A = arith.select %ge3A, %scan3A_694, %masked_sort3A_709 : vector<16xi1>, vector<16xf32>
          %select_n3A_717 = arith.select %ge3A, %scan3A_695, %masked_sort3A_710 : vector<16xi1>, vector<16xi32>
          %masked_sort3A_718 = arith.constant dense<true> : vector<16xi1>
          %masked_sort3A_719, %masked_sort3A_720, %masked_sort3A_721 = tpu.sort %select_n3A, %select_n3A_717 masked %masked_sort3A_718 {descending = true} : (vector<16xf32>, vector<16xi32>, vector<16xi1>) -> (vector<16xi1>, vector<16xf32>, vector<16xi32>)
          scf.yield %masked_sort3A_720, %masked_sort3A_721 : vector<16xf32>, vector<16xi32>
        } else {
          scf.yield %scan3A_694, %scan3A_695 : vector<16xf32>, vector<16xi32>
        }
        scf.yield %cond3A_716#0, %cond3A_716#1 : vector<16xf32>, vector<16xi32>
      }
      %scan3A_179 = arith.constant 8 : i32
      %slice3A_180 = vector.extract_strided_slice %scan3A_178#0 {offsets = [0], sizes = [1], strides = [1]} : vector<16xf32> to vector<1xf32>
      %squeeze3A_181 = vector.extract %slice3A_180[0] : f32 from vector<1xf32>
      %sub3A = vector.broadcast %squeeze3A_181 : f32 to vector<16xf32>
      %sub3A_182 = arith.subf %scan3A_178#0, %sub3A : vector<16xf32>
      %mul3A_183 = arith.constant 1.000000e+01 : f32
      %mul3A_184 = vector.broadcast %mul3A_183 : f32 to vector<16xf32>
      %mul3A_185 = arith.mulf %sub3A_182, %mul3A_184 : vector<16xf32>
      %exp3A = math.exp %mul3A_185 : vector<16xf32>
      %broadcast_in_dim3A_186 = arith.constant true
      %broadcast_in_dim3A_187 = vector.broadcast %broadcast_in_dim3A_186 : i1 to vector<16xi1>
      %masked_cumsum3A = tpu.scan <sum>, %exp3A masked %broadcast_in_dim3A_187 : vector<16xf32>, vector<16xi1> -> vector<16xf32>
      %slice3A_188 = vector.extract_strided_slice %masked_cumsum3A {offsets = [15], sizes = [1], strides = [1]} : vector<16xf32> to vector<1xf32>
      %squeeze3A_189 = vector.extract %slice3A_188[0] : f32 from vector<1xf32>
      %div3A = vector.broadcast %squeeze3A_189 : f32 to vector<16xf32>
      %div3A_190 = arith.divf %exp3A, %div3A : vector<16xf32>
      %dma_start3A_191 = arith.constant 0 : i32
      %dma_start3A_192 = arith.constant 0 : i32
      %dma_start3A_193 = tpu.memref_slice %arg4[%dma_start3A_191, %dma_start3A_192] : memref<100000x128xf32, #tpu.memory_space<hbm>> -> memref<100000x128xf32, #tpu.memory_space<hbm>>
      tpu.enqueue_indirect_dma source(%dma_start3A_193 : memref<100000x128xf32, #tpu.memory_space<hbm>>) target(%arg8 : memref<16x128xf32, #tpu.memory_space<vmem>>) offsets(%scan3A_178#1 : vector<16xi32>) semaphore(%arg10 : memref<!tpu.dma_semaphore, #tpu.memory_space<semaphore_mem>>)
      %dma_wait3A_194 = arith.constant 0 : i32
      %dma_wait3A_195 = arith.constant 0 : i32
      %dma_wait3A_196 = tpu.memref_slice %arg4[%dma_wait3A_194, %dma_wait3A_195] : memref<100000x128xf32, #tpu.memory_space<hbm>> -> memref<100000x128xf32, #tpu.memory_space<hbm>>
      tpu.wait_indirect_dma semaphore(%arg10 : memref<!tpu.dma_semaphore, #tpu.memory_space<semaphore_mem>>) src(%dma_wait3A_196 : memref<100000x128xf32, #tpu.memory_space<hbm>>) dst(%arg8 : memref<16x128xf32, #tpu.memory_space<vmem>>)
      %broadcast_in_dim3A_197 = arith.constant 0.000000e+00 : f32
      %broadcast_in_dim3A_198 = vector.broadcast %broadcast_in_dim3A_197 : f32 to vector<16xf32>
      %broadcast_in_dim3A_199 = arith.constant 0.000000e+00 : f32
      %broadcast_in_dim3A_200 = vector.broadcast %broadcast_in_dim3A_199 : f32 to vector<16xf32>
      %broadcast_in_dim3A_201 = arith.constant 0.000000e+00 : f32
      %broadcast_in_dim3A_202 = vector.broadcast %broadcast_in_dim3A_201 : f32 to vector<16xf32>
      %broadcast_in_dim3A_203 = arith.constant 0.000000e+00 : f32
      %broadcast_in_dim3A_204 = vector.broadcast %broadcast_in_dim3A_203 : f32 to vector<16xf32>
      %slice3A_205 = vector.extract_strided_slice %div3A_190 {offsets = [0], sizes = [1], strides = [1]} : vector<16xf32> to vector<1xf32>
      %squeeze3A_206 = vector.extract %slice3A_205[0] : f32 from vector<1xf32>
      %get3A = arith.constant 0 : i32
      %get3A_207 = arith.index_cast %get3A : i32 to index
      %get3A_208 = arith.constant 0 : index
      %get3A_209 = tpu.vector_load %arg8[%get3A_207, %get3A_208] {strides = array<i32>} : memref<16x128xf32, #tpu.memory_space<vmem>>, vector<16xf32>,
      %mul3A_210 = vector.broadcast %squeeze3A_206 : f32 to vector<16xf32>
      %mul3A_211 = arith.mulf %mul3A_210, %get3A_209 : vector<16xf32>
      %add3A_212 = arith.addf %broadcast_in_dim3A_198, %mul3A_211 : vector<16xf32>
      %get3A_213 = arith.constant 0 : i32
      %get3A_214 = arith.index_cast %get3A_213 : i32 to index
      %get3A_215 = arith.constant 16 : index
      %get3A_216 = tpu.vector_load %arg8[%get3A_214, %get3A_215] {strides = array<i32>} : memref<16x128xf32, #tpu.memory_space<vmem>>, vector<16xf32>,
      %mul3A_217 = vector.broadcast %squeeze3A_206 : f32 to vector<16xf32>
      %mul3A_218 = arith.mulf %mul3A_217, %get3A_216 : vector<16xf32>
      %add3A_219 = arith.addf %broadcast_in_dim3A_200, %mul3A_218 : vector<16xf32>
      %get3A_220 = arith.constant 0 : i32
      %get3A_221 = arith.index_cast %get3A_220 : i32 to index
      %get3A_222 = arith.constant 32 : index
      %get3A_223 = tpu.vector_load %arg8[%get3A_221, %get3A_222] {strides = array<i32>} : memref<16x128xf32, #tpu.memory_space<vmem>>, vector<16xf32>,
      %mul3A_224 = vector.broadcast %squeeze3A_206 : f32 to vector<16xf32>
      %mul3A_225 = arith.mulf %mul3A_224, %get3A_223 : vector<16xf32>
      %add3A_226 = arith.addf %broadcast_in_dim3A_202, %mul3A_225 : vector<16xf32>
      %get3A_227 = arith.constant 0 : i32
      %get3A_228 = arith.index_cast %get3A_227 : i32 to index
      %get3A_229 = arith.constant 48 : index
      %get3A_230 = tpu.vector_load %arg8[%get3A_228, %get3A_229] {strides = array<i32>} : memref<16x128xf32, #tpu.memory_space<vmem>>, vector<16xf32>,
      %mul3A_231 = vector.broadcast %squeeze3A_206 : f32 to vector<16xf32>
      %mul3A_232 = arith.mulf %mul3A_231, %get3A_230 : vector<16xf32>
      %add3A_233 = arith.addf %broadcast_in_dim3A_204, %mul3A_232 : vector<16xf32>
      %slice3A_234 = vector.extract_strided_slice %div3A_190 {offsets = [1], sizes = [1], strides = [1]} : vector<16xf32> to vector<1xf32>
      %squeeze3A_235 = vector.extract %slice3A_234[0] : f32 from vector<1xf32>
      %get3A_236 = arith.constant 1 : i32
      %get3A_237 = arith.index_cast %get3A_236 : i32 to index
      %get3A_238 = arith.constant 0 : index
      %get3A_239 = tpu.vector_load %arg8[%get3A_237, %get3A_238] {strides = array<i32>} : memref<16x128xf32, #tpu.memory_space<vmem>>, vector<16xf32>,
      %mul3A_240 = vector.broadcast %squeeze3A_235 : f32 to vector<16xf32>
      %mul3A_241 = arith.mulf %mul3A_240, %get3A_239 : vector<16xf32>
      %add3A_242 = arith.addf %add3A_212, %mul3A_241 : vector<16xf32>
      %get3A_243 = arith.constant 1 : i32
      %get3A_244 = arith.index_cast %get3A_243 : i32 to index
      %get3A_245 = arith.constant 16 : index
      %get3A_246 = tpu.vector_load %arg8[%get3A_244, %get3A_245] {strides = array<i32>} : memref<16x128xf32, #tpu.memory_space<vmem>>, vector<16xf32>,
      %mul3A_247 = vector.broadcast %squeeze3A_235 : f32 to vector<16xf32>
      %mul3A_248 = arith.mulf %mul3A_247, %get3A_246 : vector<16xf32>
      %add3A_249 = arith.addf %add3A_219, %mul3A_248 : vector<16xf32>
      %get3A_250 = arith.constant 1 : i32
      %get3A_251 = arith.index_cast %get3A_250 : i32 to index
      %get3A_252 = arith.constant 32 : index
      %get3A_253 = tpu.vector_load %arg8[%get3A_251, %get3A_252] {strides = array<i32>} : memref<16x128xf32, #tpu.memory_space<vmem>>, vector<16xf32>,
      %mul3A_254 = vector.broadcast %squeeze3A_235 : f32 to vector<16xf32>
      %mul3A_255 = arith.mulf %mul3A_254, %get3A_253 : vector<16xf32>
      %add3A_256 = arith.addf %add3A_226, %mul3A_255 : vector<16xf32>
      %get3A_257 = arith.constant 1 : i32
      %get3A_258 = arith.index_cast %get3A_257 : i32 to index
      %get3A_259 = arith.constant 48 : index
      %get3A_260 = tpu.vector_load %arg8[%get3A_258, %get3A_259] {strides = array<i32>} : memref<16x128xf32, #tpu.memory_space<vmem>>, vector<16xf32>,
      %mul3A_261 = vector.broadcast %squeeze3A_235 : f32 to vector<16xf32>
      %mul3A_262 = arith.mulf %mul3A_261, %get3A_260 : vector<16xf32>
      %add3A_263 = arith.addf %add3A_233, %mul3A_262 : vector<16xf32>
      %slice3A_264 = vector.extract_strided_slice %div3A_190 {offsets = [2], sizes = [1], strides = [1]} : vector<16xf32> to vector<1xf32>
      %squeeze3A_265 = vector.extract %slice3A_264[0] : f32 from vector<1xf32>
      %get3A_266 = arith.constant 2 : i32
      %get3A_267 = arith.index_cast %get3A_266 : i32 to index
      %get3A_268 = arith.constant 0 : index
      %get3A_269 = tpu.vector_load %arg8[%get3A_267, %get3A_268] {strides = array<i32>} : memref<16x128xf32, #tpu.memory_space<vmem>>, vector<16xf32>,
      %mul3A_270 = vector.broadcast %squeeze3A_265 : f32 to vector<16xf32>
      %mul3A_271 = arith.mulf %mul3A_270, %get3A_269 : vector<16xf32>
      %add3A_272 = arith.addf %add3A_242, %mul3A_271 : vector<16xf32>
      %get3A_273 = arith.constant 2 : i32
      %get3A_274 = arith.index_cast %get3A_273 : i32 to index
      %get3A_275 = arith.constant 16 : index
      %get3A_276 = tpu.vector_load %arg8[%get3A_274, %get3A_275] {strides = array<i32>} : memref<16x128xf32, #tpu.memory_space<vmem>>, vector<16xf32>,
      %mul3A_277 = vector.broadcast %squeeze3A_265 : f32 to vector<16xf32>
      %mul3A_278 = arith.mulf %mul3A_277, %get3A_276 : vector<16xf32>
      %add3A_279 = arith.addf %add3A_249, %mul3A_278 : vector<16xf32>
      %get3A_280 = arith.constant 2 : i32
      %get3A_281 = arith.index_cast %get3A_280 : i32 to index
      %get3A_282 = arith.constant 32 : index
      %get3A_283 = tpu.vector_load %arg8[%get3A_281, %get3A_282] {strides = array<i32>} : memref<16x128xf32, #tpu.memory_space<vmem>>, vector<16xf32>,
      %mul3A_284 = vector.broadcast %squeeze3A_265 : f32 to vector<16xf32>
      %mul3A_285 = arith.mulf %mul3A_284, %get3A_283 : vector<16xf32>
      %add3A_286 = arith.addf %add3A_256, %mul3A_285 : vector<16xf32>
      %get3A_287 = arith.constant 2 : i32
      %get3A_288 = arith.index_cast %get3A_287 : i32 to index
      %get3A_289 = arith.constant 48 : index
      %get3A_290 = tpu.vector_load %arg8[%get3A_288, %get3A_289] {strides = array<i32>} : memref<16x128xf32, #tpu.memory_space<vmem>>, vector<16xf32>,
      %mul3A_291 = vector.broadcast %squeeze3A_265 : f32 to vector<16xf32>
      %mul3A_292 = arith.mulf %mul3A_291, %get3A_290 : vector<16xf32>
      %add3A_293 = arith.addf %add3A_263, %mul3A_292 : vector<16xf32>
      %slice3A_294 = vector.extract_strided_slice %div3A_190 {offsets = [3], sizes = [1], strides = [1]} : vector<16xf32> to vector<1xf32>
      %squeeze3A_295 = vector.extract %slice3A_294[0] : f32 from vector<1xf32>
      %get3A_296 = arith.constant 3 : i32
      %get3A_297 = arith.index_cast %get3A_296 : i32 to index
      %get3A_298 = arith.constant 0 : index
      %get3A_299 = tpu.vector_load %arg8[%get3A_297, %get3A_298] {strides = array<i32>} : memref<16x128xf32, #tpu.memory_space<vmem>>, vector<16xf32>,
      %mul3A_300 = vector.broadcast %squeeze3A_295 : f32 to vector<16xf32>
      %mul3A_301 = arith.mulf %mul3A_300, %get3A_299 : vector<16xf32>
      %add3A_302 = arith.addf %add3A_272, %mul3A_301 : vector<16xf32>
      %get3A_303 = arith.constant 3 : i32
      %get3A_304 = arith.index_cast %get3A_303 : i32 to index
      %get3A_305 = arith.constant 16 : index
      %get3A_306 = tpu.vector_load %arg8[%get3A_304, %get3A_305] {strides = array<i32>} : memref<16x128xf32, #tpu.memory_space<vmem>>, vector<16xf32>,
      %mul3A_307 = vector.broadcast %squeeze3A_295 : f32 to vector<16xf32>
      %mul3A_308 = arith.mulf %mul3A_307, %get3A_306 : vector<16xf32>
      %add3A_309 = arith.addf %add3A_279, %mul3A_308 : vector<16xf32>
      %get3A_310 = arith.constant 3 : i32
      %get3A_311 = arith.index_cast %get3A_310 : i32 to index
      %get3A_312 = arith.constant 32 : index
      %get3A_313 = tpu.vector_load %arg8[%get3A_311, %get3A_312] {strides = array<i32>} : memref<16x128xf32, #tpu.memory_space<vmem>>, vector<16xf32>,
      %mul3A_314 = vector.broadcast %squeeze3A_295 : f32 to vector<16xf32>
      %mul3A_315 = arith.mulf %mul3A_314, %get3A_313 : vector<16xf32>
      %add3A_316 = arith.addf %add3A_286, %mul3A_315 : vector<16xf32>
      %get3A_317 = arith.constant 3 : i32
      %get3A_318 = arith.index_cast %get3A_317 : i32 to index
      %get3A_319 = arith.constant 48 : index
      %get3A_320 = tpu.vector_load %arg8[%get3A_318, %get3A_319] {strides = array<i32>} : memref<16x128xf32, #tpu.memory_space<vmem>>, vector<16xf32>,
      %mul3A_321 = vector.broadcast %squeeze3A_295 : f32 to vector<16xf32>
      %mul3A_322 = arith.mulf %mul3A_321, %get3A_320 : vector<16xf32>
      %add3A_323 = arith.addf %add3A_293, %mul3A_322 : vector<16xf32>
      %slice3A_324 = vector.extract_strided_slice %div3A_190 {offsets = [4], sizes = [1], strides = [1]} : vector<16xf32> to vector<1xf32>
      %squeeze3A_325 = vector.extract %slice3A_324[0] : f32 from vector<1xf32>
      %get3A_326 = arith.constant 4 : i32
      %get3A_327 = arith.index_cast %get3A_326 : i32 to index
      %get3A_328 = arith.constant 0 : index
      %get3A_329 = tpu.vector_load %arg8[%get3A_327, %get3A_328] {strides = array<i32>} : memref<16x128xf32, #tpu.memory_space<vmem>>, vector<16xf32>,
      %mul3A_330 = vector.broadcast %squeeze3A_325 : f32 to vector<16xf32>
      %mul3A_331 = arith.mulf %mul3A_330, %get3A_329 : vector<16xf32>
      %add3A_332 = arith.addf %add3A_302, %mul3A_331 : vector<16xf32>
      %get3A_333 = arith.constant 4 : i32
      %get3A_334 = arith.index_cast %get3A_333 : i32 to index
      %get3A_335 = arith.constant 16 : index
      %get3A_336 = tpu.vector_load %arg8[%get3A_334, %get3A_335] {strides = array<i32>} : memref<16x128xf32, #tpu.memory_space<vmem>>, vector<16xf32>,
      %mul3A_337 = vector.broadcast %squeeze3A_325 : f32 to vector<16xf32>
      %mul3A_338 = arith.mulf %mul3A_337, %get3A_336 : vector<16xf32>
      %add3A_339 = arith.addf %add3A_309, %mul3A_338 : vector<16xf32>
      %get3A_340 = arith.constant 4 : i32
      %get3A_341 = arith.index_cast %get3A_340 : i32 to index
      %get3A_342 = arith.constant 32 : index
      %get3A_343 = tpu.vector_load %arg8[%get3A_341, %get3A_342] {strides = array<i32>} : memref<16x128xf32, #tpu.memory_space<vmem>>, vector<16xf32>,
      %mul3A_344 = vector.broadcast %squeeze3A_325 : f32 to vector<16xf32>
      %mul3A_345 = arith.mulf %mul3A_344, %get3A_343 : vector<16xf32>
      %add3A_346 = arith.addf %add3A_316, %mul3A_345 : vector<16xf32>
      %get3A_347 = arith.constant 4 : i32
      %get3A_348 = arith.index_cast %get3A_347 : i32 to index
      %get3A_349 = arith.constant 48 : index
      %get3A_350 = tpu.vector_load %arg8[%get3A_348, %get3A_349] {strides = array<i32>} : memref<16x128xf32, #tpu.memory_space<vmem>>, vector<16xf32>,
      %mul3A_351 = vector.broadcast %squeeze3A_325 : f32 to vector<16xf32>
      %mul3A_352 = arith.mulf %mul3A_351, %get3A_350 : vector<16xf32>
      %add3A_353 = arith.addf %add3A_323, %mul3A_352 : vector<16xf32>
      %slice3A_354 = vector.extract_strided_slice %div3A_190 {offsets = [5], sizes = [1], strides = [1]} : vector<16xf32> to vector<1xf32>
      %squeeze3A_355 = vector.extract %slice3A_354[0] : f32 from vector<1xf32>
      %get3A_356 = arith.constant 5 : i32
      %get3A_357 = arith.index_cast %get3A_356 : i32 to index
      %get3A_358 = arith.constant 0 : index
      %get3A_359 = tpu.vector_load %arg8[%get3A_357, %get3A_358] {strides = array<i32>} : memref<16x128xf32, #tpu.memory_space<vmem>>, vector<16xf32>,
      %mul3A_360 = vector.broadcast %squeeze3A_355 : f32 to vector<16xf32>
      %mul3A_361 = arith.mulf %mul3A_360, %get3A_359 : vector<16xf32>
      %add3A_362 = arith.addf %add3A_332, %mul3A_361 : vector<16xf32>
      %get3A_363 = arith.constant 5 : i32
      %get3A_364 = arith.index_cast %get3A_363 : i32 to index
      %get3A_365 = arith.constant 16 : index
      %get3A_366 = tpu.vector_load %arg8[%get3A_364, %get3A_365] {strides = array<i32>} : memref<16x128xf32, #tpu.memory_space<vmem>>, vector<16xf32>,
      %mul3A_367 = vector.broadcast %squeeze3A_355 : f32 to vector<16xf32>
      %mul3A_368 = arith.mulf %mul3A_367, %get3A_366 : vector<16xf32>
      %add3A_369 = arith.addf %add3A_339, %mul3A_368 : vector<16xf32>
      %get3A_370 = arith.constant 5 : i32
      %get3A_371 = arith.index_cast %get3A_370 : i32 to index
      %get3A_372 = arith.constant 32 : index
      %get3A_373 = tpu.vector_load %arg8[%get3A_371, %get3A_372] {strides = array<i32>} : memref<16x128xf32, #tpu.memory_space<vmem>>, vector<16xf32>,
      %mul3A_374 = vector.broadcast %squeeze3A_355 : f32 to vector<16xf32>
      %mul3A_375 = arith.mulf %mul3A_374, %get3A_373 : vector<16xf32>
      %add3A_376 = arith.addf %add3A_346, %mul3A_375 : vector<16xf32>
      %get3A_377 = arith.constant 5 : i32
      %get3A_378 = arith.index_cast %get3A_377 : i32 to index
      %get3A_379 = arith.constant 48 : index
      %get3A_380 = tpu.vector_load %arg8[%get3A_378, %get3A_379] {strides = array<i32>} : memref<16x128xf32, #tpu.memory_space<vmem>>, vector<16xf32>,
      %mul3A_381 = vector.broadcast %squeeze3A_355 : f32 to vector<16xf32>
      %mul3A_382 = arith.mulf %mul3A_381, %get3A_380 : vector<16xf32>
      %add3A_383 = arith.addf %add3A_353, %mul3A_382 : vector<16xf32>
      %slice3A_384 = vector.extract_strided_slice %div3A_190 {offsets = [6], sizes = [1], strides = [1]} : vector<16xf32> to vector<1xf32>
      %squeeze3A_385 = vector.extract %slice3A_384[0] : f32 from vector<1xf32>
      %get3A_386 = arith.constant 6 : i32
      %get3A_387 = arith.index_cast %get3A_386 : i32 to index
      %get3A_388 = arith.constant 0 : index
      %get3A_389 = tpu.vector_load %arg8[%get3A_387, %get3A_388] {strides = array<i32>} : memref<16x128xf32, #tpu.memory_space<vmem>>, vector<16xf32>,
      %mul3A_390 = vector.broadcast %squeeze3A_385 : f32 to vector<16xf32>
      %mul3A_391 = arith.mulf %mul3A_390, %get3A_389 : vector<16xf32>
      %add3A_392 = arith.addf %add3A_362, %mul3A_391 : vector<16xf32>
      %get3A_393 = arith.constant 6 : i32
      %get3A_394 = arith.index_cast %get3A_393 : i32 to index
      %get3A_395 = arith.constant 16 : index
      %get3A_396 = tpu.vector_load %arg8[%get3A_394, %get3A_395] {strides = array<i32>} : memref<16x128xf32, #tpu.memory_space<vmem>>, vector<16xf32>,
      %mul3A_397 = vector.broadcast %squeeze3A_385 : f32 to vector<16xf32>
      %mul3A_398 = arith.mulf %mul3A_397, %get3A_396 : vector<16xf32>
      %add3A_399 = arith.addf %add3A_369, %mul3A_398 : vector<16xf32>
      %get3A_400 = arith.constant 6 : i32
      %get3A_401 = arith.index_cast %get3A_400 : i32 to index
      %get3A_402 = arith.constant 32 : index
      %get3A_403 = tpu.vector_load %arg8[%get3A_401, %get3A_402] {strides = array<i32>} : memref<16x128xf32, #tpu.memory_space<vmem>>, vector<16xf32>,
      %mul3A_404 = vector.broadcast %squeeze3A_385 : f32 to vector<16xf32>
      %mul3A_405 = arith.mulf %mul3A_404, %get3A_403 : vector<16xf32>
      %add3A_406 = arith.addf %add3A_376, %mul3A_405 : vector<16xf32>
      %get3A_407 = arith.constant 6 : i32
      %get3A_408 = arith.index_cast %get3A_407 : i32 to index
      %get3A_409 = arith.constant 48 : index
      %get3A_410 = tpu.vector_load %arg8[%get3A_408, %get3A_409] {strides = array<i32>} : memref<16x128xf32, #tpu.memory_space<vmem>>, vector<16xf32>,
      %mul3A_411 = vector.broadcast %squeeze3A_385 : f32 to vector<16xf32>
      %mul3A_412 = arith.mulf %mul3A_411, %get3A_410 : vector<16xf32>
      %add3A_413 = arith.addf %add3A_383, %mul3A_412 : vector<16xf32>
      %slice3A_414 = vector.extract_strided_slice %div3A_190 {offsets = [7], sizes = [1], strides = [1]} : vector<16xf32> to vector<1xf32>
      %squeeze3A_415 = vector.extract %slice3A_414[0] : f32 from vector<1xf32>
      %get3A_416 = arith.constant 7 : i32
      %get3A_417 = arith.index_cast %get3A_416 : i32 to index
      %get3A_418 = arith.constant 0 : index
      %get3A_419 = tpu.vector_load %arg8[%get3A_417, %get3A_418] {strides = array<i32>} : memref<16x128xf32, #tpu.memory_space<vmem>>, vector<16xf32>,
      %mul3A_420 = vector.broadcast %squeeze3A_415 : f32 to vector<16xf32>
      %mul3A_421 = arith.mulf %mul3A_420, %get3A_419 : vector<16xf32>
      %add3A_422 = arith.addf %add3A_392, %mul3A_421 : vector<16xf32>
      %get3A_423 = arith.constant 7 : i32
      %get3A_424 = arith.index_cast %get3A_423 : i32 to index
      %get3A_425 = arith.constant 16 : index
      %get3A_426 = tpu.vector_load %arg8[%get3A_424, %get3A_425] {strides = array<i32>} : memref<16x128xf32, #tpu.memory_space<vmem>>, vector<16xf32>,
      %mul3A_427 = vector.broadcast %squeeze3A_415 : f32 to vector<16xf32>
      %mul3A_428 = arith.mulf %mul3A_427, %get3A_426 : vector<16xf32>
      %add3A_429 = arith.addf %add3A_399, %mul3A_428 : vector<16xf32>
      %get3A_430 = arith.constant 7 : i32
      %get3A_431 = arith.index_cast %get3A_430 : i32 to index
      %get3A_432 = arith.constant 32 : index
      %get3A_433 = tpu.vector_load %arg8[%get3A_431, %get3A_432] {strides = array<i32>} : memref<16x128xf32, #tpu.memory_space<vmem>>, vector<16xf32>,
      %mul3A_434 = vector.broadcast %squeeze3A_415 : f32 to vector<16xf32>
      %mul3A_435 = arith.mulf %mul3A_434, %get3A_433 : vector<16xf32>
      %add3A_436 = arith.addf %add3A_406, %mul3A_435 : vector<16xf32>
      %get3A_437 = arith.constant 7 : i32
      %get3A_438 = arith.index_cast %get3A_437 : i32 to index
      %get3A_439 = arith.constant 48 : index
      %get3A_440 = tpu.vector_load %arg8[%get3A_438, %get3A_439] {strides = array<i32>} : memref<16x128xf32, #tpu.memory_space<vmem>>, vector<16xf32>,
      %mul3A_441 = vector.broadcast %squeeze3A_415 : f32 to vector<16xf32>
      %mul3A_442 = arith.mulf %mul3A_441, %get3A_440 : vector<16xf32>
      %add3A_443 = arith.addf %add3A_413, %mul3A_442 : vector<16xf32>
      %slice3A_444 = vector.extract_strided_slice %div3A_190 {offsets = [8], sizes = [1], strides = [1]} : vector<16xf32> to vector<1xf32>
      %squeeze3A_445 = vector.extract %slice3A_444[0] : f32 from vector<1xf32>
      %get3A_446 = arith.constant 8 : i32
      %get3A_447 = arith.index_cast %get3A_446 : i32 to index
      %get3A_448 = arith.constant 0 : index
      %get3A_449 = tpu.vector_load %arg8[%get3A_447, %get3A_448] {strides = array<i32>} : memref<16x128xf32, #tpu.memory_space<vmem>>, vector<16xf32>,
      %mul3A_450 = vector.broadcast %squeeze3A_445 : f32 to vector<16xf32>
      %mul3A_451 = arith.mulf %mul3A_450, %get3A_449 : vector<16xf32>
      %add3A_452 = arith.addf %add3A_422, %mul3A_451 : vector<16xf32>
      %get3A_453 = arith.constant 8 : i32
      %get3A_454 = arith.index_cast %get3A_453 : i32 to index
      %get3A_455 = arith.constant 16 : index
      %get3A_456 = tpu.vector_load %arg8[%get3A_454, %get3A_455] {strides = array<i32>} : memref<16x128xf32, #tpu.memory_space<vmem>>, vector<16xf32>,
      %mul3A_457 = vector.broadcast %squeeze3A_445 : f32 to vector<16xf32>
      %mul3A_458 = arith.mulf %mul3A_457, %get3A_456 : vector<16xf32>
      %add3A_459 = arith.addf %add3A_429, %mul3A_458 : vector<16xf32>
      %get3A_460 = arith.constant 8 : i32
      %get3A_461 = arith.index_cast %get3A_460 : i32 to index
      %get3A_462 = arith.constant 32 : index
      %get3A_463 = tpu.vector_load %arg8[%get3A_461, %get3A_462] {strides = array<i32>} : memref<16x128xf32, #tpu.memory_space<vmem>>, vector<16xf32>,
      %mul3A_464 = vector.broadcast %squeeze3A_445 : f32 to vector<16xf32>
      %mul3A_465 = arith.mulf %mul3A_464, %get3A_463 : vector<16xf32>
      %add3A_466 = arith.addf %add3A_436, %mul3A_465 : vector<16xf32>
      %get3A_467 = arith.constant 8 : i32
      %get3A_468 = arith.index_cast %get3A_467 : i32 to index
      %get3A_469 = arith.constant 48 : index
      %get3A_470 = tpu.vector_load %arg8[%get3A_468, %get3A_469] {strides = array<i32>} : memref<16x128xf32, #tpu.memory_space<vmem>>, vector<16xf32>,
      %mul3A_471 = vector.broadcast %squeeze3A_445 : f32 to vector<16xf32>
      %mul3A_472 = arith.mulf %mul3A_471, %get3A_470 : vector<16xf32>
      %add3A_473 = arith.addf %add3A_443, %mul3A_472 : vector<16xf32>
      %slice3A_474 = vector.extract_strided_slice %div3A_190 {offsets = [9], sizes = [1], strides = [1]} : vector<16xf32> to vector<1xf32>
      %squeeze3A_475 = vector.extract %slice3A_474[0] : f32 from vector<1xf32>
      %get3A_476 = arith.constant 9 : i32
      %get3A_477 = arith.index_cast %get3A_476 : i32 to index
      %get3A_478 = arith.constant 0 : index
      %get3A_479 = tpu.vector_load %arg8[%get3A_477, %get3A_478] {strides = array<i32>} : memref<16x128xf32, #tpu.memory_space<vmem>>, vector<16xf32>,
      %mul3A_480 = vector.broadcast %squeeze3A_475 : f32 to vector<16xf32>
      %mul3A_481 = arith.mulf %mul3A_480, %get3A_479 : vector<16xf32>
      %add3A_482 = arith.addf %add3A_452, %mul3A_481 : vector<16xf32>
      %get3A_483 = arith.constant 9 : i32
      %get3A_484 = arith.index_cast %get3A_483 : i32 to index
      %get3A_485 = arith.constant 16 : index
      %get3A_486 = tpu.vector_load %arg8[%get3A_484, %get3A_485] {strides = array<i32>} : memref<16x128xf32, #tpu.memory_space<vmem>>, vector<16xf32>,
      %mul3A_487 = vector.broadcast %squeeze3A_475 : f32 to vector<16xf32>
      %mul3A_488 = arith.mulf %mul3A_487, %get3A_486 : vector<16xf32>
      %add3A_489 = arith.addf %add3A_459, %mul3A_488 : vector<16xf32>
      %get3A_490 = arith.constant 9 : i32
      %get3A_491 = arith.index_cast %get3A_490 : i32 to index
      %get3A_492 = arith.constant 32 : index
      %get3A_493 = tpu.vector_load %arg8[%get3A_491, %get3A_492] {strides = array<i32>} : memref<16x128xf32, #tpu.memory_space<vmem>>, vector<16xf32>,
      %mul3A_494 = vector.broadcast %squeeze3A_475 : f32 to vector<16xf32>
      %mul3A_495 = arith.mulf %mul3A_494, %get3A_493 : vector<16xf32>
      %add3A_496 = arith.addf %add3A_466, %mul3A_495 : vector<16xf32>
      %get3A_497 = arith.constant 9 : i32
      %get3A_498 = arith.index_cast %get3A_497 : i32 to index
      %get3A_499 = arith.constant 48 : index
      %get3A_500 = tpu.vector_load %arg8[%get3A_498, %get3A_499] {strides = array<i32>} : memref<16x128xf32, #tpu.memory_space<vmem>>, vector<16xf32>,
      %mul3A_501 = vector.broadcast %squeeze3A_475 : f32 to vector<16xf32>
      %mul3A_502 = arith.mulf %mul3A_501, %get3A_500 : vector<16xf32>
      %add3A_503 = arith.addf %add3A_473, %mul3A_502 : vector<16xf32>
      %slice3A_504 = vector.extract_strided_slice %div3A_190 {offsets = [10], sizes = [1], strides = [1]} : vector<16xf32> to vector<1xf32>
      %squeeze3A_505 = vector.extract %slice3A_504[0] : f32 from vector<1xf32>
      %get3A_506 = arith.constant 10 : i32
      %get3A_507 = arith.index_cast %get3A_506 : i32 to index
      %get3A_508 = arith.constant 0 : index
      %get3A_509 = tpu.vector_load %arg8[%get3A_507, %get3A_508] {strides = array<i32>} : memref<16x128xf32, #tpu.memory_space<vmem>>, vector<16xf32>,
      %mul3A_510 = vector.broadcast %squeeze3A_505 : f32 to vector<16xf32>
      %mul3A_511 = arith.mulf %mul3A_510, %get3A_509 : vector<16xf32>
      %add3A_512 = arith.addf %add3A_482, %mul3A_511 : vector<16xf32>
      %get3A_513 = arith.constant 10 : i32
      %get3A_514 = arith.index_cast %get3A_513 : i32 to index
      %get3A_515 = arith.constant 16 : index
      %get3A_516 = tpu.vector_load %arg8[%get3A_514, %get3A_515] {strides = array<i32>} : memref<16x128xf32, #tpu.memory_space<vmem>>, vector<16xf32>,
      %mul3A_517 = vector.broadcast %squeeze3A_505 : f32 to vector<16xf32>
      %mul3A_518 = arith.mulf %mul3A_517, %get3A_516 : vector<16xf32>
      %add3A_519 = arith.addf %add3A_489, %mul3A_518 : vector<16xf32>
      %get3A_520 = arith.constant 10 : i32
      %get3A_521 = arith.index_cast %get3A_520 : i32 to index
      %get3A_522 = arith.constant 32 : index
      %get3A_523 = tpu.vector_load %arg8[%get3A_521, %get3A_522] {strides = array<i32>} : memref<16x128xf32, #tpu.memory_space<vmem>>, vector<16xf32>,
      %mul3A_524 = vector.broadcast %squeeze3A_505 : f32 to vector<16xf32>
      %mul3A_525 = arith.mulf %mul3A_524, %get3A_523 : vector<16xf32>
      %add3A_526 = arith.addf %add3A_496, %mul3A_525 : vector<16xf32>
      %get3A_527 = arith.constant 10 : i32
      %get3A_528 = arith.index_cast %get3A_527 : i32 to index
      %get3A_529 = arith.constant 48 : index
      %get3A_530 = tpu.vector_load %arg8[%get3A_528, %get3A_529] {strides = array<i32>} : memref<16x128xf32, #tpu.memory_space<vmem>>, vector<16xf32>,
      %mul3A_531 = vector.broadcast %squeeze3A_505 : f32 to vector<16xf32>
      %mul3A_532 = arith.mulf %mul3A_531, %get3A_530 : vector<16xf32>
      %add3A_533 = arith.addf %add3A_503, %mul3A_532 : vector<16xf32>
      %slice3A_534 = vector.extract_strided_slice %div3A_190 {offsets = [11], sizes = [1], strides = [1]} : vector<16xf32> to vector<1xf32>
      %squeeze3A_535 = vector.extract %slice3A_534[0] : f32 from vector<1xf32>
      %get3A_536 = arith.constant 11 : i32
      %get3A_537 = arith.index_cast %get3A_536 : i32 to index
      %get3A_538 = arith.constant 0 : index
      %get3A_539 = tpu.vector_load %arg8[%get3A_537, %get3A_538] {strides = array<i32>} : memref<16x128xf32, #tpu.memory_space<vmem>>, vector<16xf32>,
      %mul3A_540 = vector.broadcast %squeeze3A_535 : f32 to vector<16xf32>
      %mul3A_541 = arith.mulf %mul3A_540, %get3A_539 : vector<16xf32>
      %add3A_542 = arith.addf %add3A_512, %mul3A_541 : vector<16xf32>
      %get3A_543 = arith.constant 11 : i32
      %get3A_544 = arith.index_cast %get3A_543 : i32 to index
      %get3A_545 = arith.constant 16 : index
      %get3A_546 = tpu.vector_load %arg8[%get3A_544, %get3A_545] {strides = array<i32>} : memref<16x128xf32, #tpu.memory_space<vmem>>, vector<16xf32>,
      %mul3A_547 = vector.broadcast %squeeze3A_535 : f32 to vector<16xf32>
      %mul3A_548 = arith.mulf %mul3A_547, %get3A_546 : vector<16xf32>
      %add3A_549 = arith.addf %add3A_519, %mul3A_548 : vector<16xf32>
      %get3A_550 = arith.constant 11 : i32
      %get3A_551 = arith.index_cast %get3A_550 : i32 to index
      %get3A_552 = arith.constant 32 : index
      %get3A_553 = tpu.vector_load %arg8[%get3A_551, %get3A_552] {strides = array<i32>} : memref<16x128xf32, #tpu.memory_space<vmem>>, vector<16xf32>,
      %mul3A_554 = vector.broadcast %squeeze3A_535 : f32 to vector<16xf32>
      %mul3A_555 = arith.mulf %mul3A_554, %get3A_553 : vector<16xf32>
      %add3A_556 = arith.addf %add3A_526, %mul3A_555 : vector<16xf32>
      %get3A_557 = arith.constant 11 : i32
      %get3A_558 = arith.index_cast %get3A_557 : i32 to index
      %get3A_559 = arith.constant 48 : index
      %get3A_560 = tpu.vector_load %arg8[%get3A_558, %get3A_559] {strides = array<i32>} : memref<16x128xf32, #tpu.memory_space<vmem>>, vector<16xf32>,
      %mul3A_561 = vector.broadcast %squeeze3A_535 : f32 to vector<16xf32>
      %mul3A_562 = arith.mulf %mul3A_561, %get3A_560 : vector<16xf32>
      %add3A_563 = arith.addf %add3A_533, %mul3A_562 : vector<16xf32>
      %slice3A_564 = vector.extract_strided_slice %div3A_190 {offsets = [12], sizes = [1], strides = [1]} : vector<16xf32> to vector<1xf32>
      %squeeze3A_565 = vector.extract %slice3A_564[0] : f32 from vector<1xf32>
      %get3A_566 = arith.constant 12 : i32
      %get3A_567 = arith.index_cast %get3A_566 : i32 to index
      %get3A_568 = arith.constant 0 : index
      %get3A_569 = tpu.vector_load %arg8[%get3A_567, %get3A_568] {strides = array<i32>} : memref<16x128xf32, #tpu.memory_space<vmem>>, vector<16xf32>,
      %mul3A_570 = vector.broadcast %squeeze3A_565 : f32 to vector<16xf32>
      %mul3A_571 = arith.mulf %mul3A_570, %get3A_569 : vector<16xf32>
      %add3A_572 = arith.addf %add3A_542, %mul3A_571 : vector<16xf32>
      %get3A_573 = arith.constant 12 : i32
      %get3A_574 = arith.index_cast %get3A_573 : i32 to index
      %get3A_575 = arith.constant 16 : index
      %get3A_576 = tpu.vector_load %arg8[%get3A_574, %get3A_575] {strides = array<i32>} : memref<16x128xf32, #tpu.memory_space<vmem>>, vector<16xf32>,
      %mul3A_577 = vector.broadcast %squeeze3A_565 : f32 to vector<16xf32>
      %mul3A_578 = arith.mulf %mul3A_577, %get3A_576 : vector<16xf32>
      %add3A_579 = arith.addf %add3A_549, %mul3A_578 : vector<16xf32>
      %get3A_580 = arith.constant 12 : i32
      %get3A_581 = arith.index_cast %get3A_580 : i32 to index
      %get3A_582 = arith.constant 32 : index
      %get3A_583 = tpu.vector_load %arg8[%get3A_581, %get3A_582] {strides = array<i32>} : memref<16x128xf32, #tpu.memory_space<vmem>>, vector<16xf32>,
      %mul3A_584 = vector.broadcast %squeeze3A_565 : f32 to vector<16xf32>
      %mul3A_585 = arith.mulf %mul3A_584, %get3A_583 : vector<16xf32>
      %add3A_586 = arith.addf %add3A_556, %mul3A_585 : vector<16xf32>
      %get3A_587 = arith.constant 12 : i32
      %get3A_588 = arith.index_cast %get3A_587 : i32 to index
      %get3A_589 = arith.constant 48 : index
      %get3A_590 = tpu.vector_load %arg8[%get3A_588, %get3A_589] {strides = array<i32>} : memref<16x128xf32, #tpu.memory_space<vmem>>, vector<16xf32>,
      %mul3A_591 = vector.broadcast %squeeze3A_565 : f32 to vector<16xf32>
      %mul3A_592 = arith.mulf %mul3A_591, %get3A_590 : vector<16xf32>
      %add3A_593 = arith.addf %add3A_563, %mul3A_592 : vector<16xf32>
      %slice3A_594 = vector.extract_strided_slice %div3A_190 {offsets = [13], sizes = [1], strides = [1]} : vector<16xf32> to vector<1xf32>
      %squeeze3A_595 = vector.extract %slice3A_594[0] : f32 from vector<1xf32>
      %get3A_596 = arith.constant 13 : i32
      %get3A_597 = arith.index_cast %get3A_596 : i32 to index
      %get3A_598 = arith.constant 0 : index
      %get3A_599 = tpu.vector_load %arg8[%get3A_597, %get3A_598] {strides = array<i32>} : memref<16x128xf32, #tpu.memory_space<vmem>>, vector<16xf32>,
      %mul3A_600 = vector.broadcast %squeeze3A_595 : f32 to vector<16xf32>
      %mul3A_601 = arith.mulf %mul3A_600, %get3A_599 : vector<16xf32>
      %add3A_602 = arith.addf %add3A_572, %mul3A_601 : vector<16xf32>
      %get3A_603 = arith.constant 13 : i32
      %get3A_604 = arith.index_cast %get3A_603 : i32 to index
      %get3A_605 = arith.constant 16 : index
      %get3A_606 = tpu.vector_load %arg8[%get3A_604, %get3A_605] {strides = array<i32>} : memref<16x128xf32, #tpu.memory_space<vmem>>, vector<16xf32>,
      %mul3A_607 = vector.broadcast %squeeze3A_595 : f32 to vector<16xf32>
      %mul3A_608 = arith.mulf %mul3A_607, %get3A_606 : vector<16xf32>
      %add3A_609 = arith.addf %add3A_579, %mul3A_608 : vector<16xf32>
      %get3A_610 = arith.constant 13 : i32
      %get3A_611 = arith.index_cast %get3A_610 : i32 to index
      %get3A_612 = arith.constant 32 : index
      %get3A_613 = tpu.vector_load %arg8[%get3A_611, %get3A_612] {strides = array<i32>} : memref<16x128xf32, #tpu.memory_space<vmem>>, vector<16xf32>,
      %mul3A_614 = vector.broadcast %squeeze3A_595 : f32 to vector<16xf32>
      %mul3A_615 = arith.mulf %mul3A_614, %get3A_613 : vector<16xf32>
      %add3A_616 = arith.addf %add3A_586, %mul3A_615 : vector<16xf32>
      %get3A_617 = arith.constant 13 : i32
      %get3A_618 = arith.index_cast %get3A_617 : i32 to index
      %get3A_619 = arith.constant 48 : index
      %get3A_620 = tpu.vector_load %arg8[%get3A_618, %get3A_619] {strides = array<i32>} : memref<16x128xf32, #tpu.memory_space<vmem>>, vector<16xf32>,
      %mul3A_621 = vector.broadcast %squeeze3A_595 : f32 to vector<16xf32>
      %mul3A_622 = arith.mulf %mul3A_621, %get3A_620 : vector<16xf32>
      %add3A_623 = arith.addf %add3A_593, %mul3A_622 : vector<16xf32>
      %slice3A_624 = vector.extract_strided_slice %div3A_190 {offsets = [14], sizes = [1], strides = [1]} : vector<16xf32> to vector<1xf32>
      %squeeze3A_625 = vector.extract %slice3A_624[0] : f32 from vector<1xf32>
      %get3A_626 = arith.constant 14 : i32
      %get3A_627 = arith.index_cast %get3A_626 : i32 to index
      %get3A_628 = arith.constant 0 : index
      %get3A_629 = tpu.vector_load %arg8[%get3A_627, %get3A_628] {strides = array<i32>} : memref<16x128xf32, #tpu.memory_space<vmem>>, vector<16xf32>,
      %mul3A_630 = vector.broadcast %squeeze3A_625 : f32 to vector<16xf32>
      %mul3A_631 = arith.mulf %mul3A_630, %get3A_629 : vector<16xf32>
      %add3A_632 = arith.addf %add3A_602, %mul3A_631 : vector<16xf32>
      %get3A_633 = arith.constant 14 : i32
      %get3A_634 = arith.index_cast %get3A_633 : i32 to index
      %get3A_635 = arith.constant 16 : index
      %get3A_636 = tpu.vector_load %arg8[%get3A_634, %get3A_635] {strides = array<i32>} : memref<16x128xf32, #tpu.memory_space<vmem>>, vector<16xf32>,
      %mul3A_637 = vector.broadcast %squeeze3A_625 : f32 to vector<16xf32>
      %mul3A_638 = arith.mulf %mul3A_637, %get3A_636 : vector<16xf32>
      %add3A_639 = arith.addf %add3A_609, %mul3A_638 : vector<16xf32>
      %get3A_640 = arith.constant 14 : i32
      %get3A_641 = arith.index_cast %get3A_640 : i32 to index
      %get3A_642 = arith.constant 32 : index
      %get3A_643 = tpu.vector_load %arg8[%get3A_641, %get3A_642] {strides = array<i32>} : memref<16x128xf32, #tpu.memory_space<vmem>>, vector<16xf32>,
      %mul3A_644 = vector.broadcast %squeeze3A_625 : f32 to vector<16xf32>
      %mul3A_645 = arith.mulf %mul3A_644, %get3A_643 : vector<16xf32>
      %add3A_646 = arith.addf %add3A_616, %mul3A_645 : vector<16xf32>
      %get3A_647 = arith.constant 14 : i32
      %get3A_648 = arith.index_cast %get3A_647 : i32 to index
      %get3A_649 = arith.constant 48 : index
      %get3A_650 = tpu.vector_load %arg8[%get3A_648, %get3A_649] {strides = array<i32>} : memref<16x128xf32, #tpu.memory_space<vmem>>, vector<16xf32>,
      %mul3A_651 = vector.broadcast %squeeze3A_625 : f32 to vector<16xf32>
      %mul3A_652 = arith.mulf %mul3A_651, %get3A_650 : vector<16xf32>
      %add3A_653 = arith.addf %add3A_623, %mul3A_652 : vector<16xf32>
      %slice3A_654 = vector.extract_strided_slice %div3A_190 {offsets = [15], sizes = [1], strides = [1]} : vector<16xf32> to vector<1xf32>
      %squeeze3A_655 = vector.extract %slice3A_654[0] : f32 from vector<1xf32>
      %get3A_656 = arith.constant 15 : i32
      %get3A_657 = arith.index_cast %get3A_656 : i32 to index
      %get3A_658 = arith.constant 0 : index
      %get3A_659 = tpu.vector_load %arg8[%get3A_657, %get3A_658] {strides = array<i32>} : memref<16x128xf32, #tpu.memory_space<vmem>>, vector<16xf32>,
      %mul3A_660 = vector.broadcast %squeeze3A_655 : f32 to vector<16xf32>
      %mul3A_661 = arith.mulf %mul3A_660, %get3A_659 : vector<16xf32>
      %add3A_662 = arith.addf %add3A_632, %mul3A_661 : vector<16xf32>
      %get3A_663 = arith.constant 15 : i32
      %get3A_664 = arith.index_cast %get3A_663 : i32 to index
      %get3A_665 = arith.constant 16 : index
      %get3A_666 = tpu.vector_load %arg8[%get3A_664, %get3A_665] {strides = array<i32>} : memref<16x128xf32, #tpu.memory_space<vmem>>, vector<16xf32>,
      %mul3A_667 = vector.broadcast %squeeze3A_655 : f32 to vector<16xf32>
      %mul3A_668 = arith.mulf %mul3A_667, %get3A_666 : vector<16xf32>
      %add3A_669 = arith.addf %add3A_639, %mul3A_668 : vector<16xf32>
      %get3A_670 = arith.constant 15 : i32
      %get3A_671 = arith.index_cast %get3A_670 : i32 to index
      %get3A_672 = arith.constant 32 : index
      %get3A_673 = tpu.vector_load %arg8[%get3A_671, %get3A_672] {strides = array<i32>} : memref<16x128xf32, #tpu.memory_space<vmem>>, vector<16xf32>,
      %mul3A_674 = vector.broadcast %squeeze3A_655 : f32 to vector<16xf32>
      %mul3A_675 = arith.mulf %mul3A_674, %get3A_673 : vector<16xf32>
      %add3A_676 = arith.addf %add3A_646, %mul3A_675 : vector<16xf32>
      %get3A_677 = arith.constant 15 : i32
      %get3A_678 = arith.index_cast %get3A_677 : i32 to index
      %get3A_679 = arith.constant 48 : index
      %get3A_680 = tpu.vector_load %arg8[%get3A_678, %get3A_679] {strides = array<i32>} : memref<16x128xf32, #tpu.memory_space<vmem>>, vector<16xf32>,
      %mul3A_681 = vector.broadcast %squeeze3A_655 : f32 to vector<16xf32>
      %mul3A_682 = arith.mulf %mul3A_681, %get3A_680 : vector<16xf32>
      %add3A_683 = arith.addf %add3A_653, %mul3A_682 : vector<16xf32>
      %swap3A = arith.constant 0 : index
      %swap3A_684 = tpu.vector_load %arg9[%swap3A] {strides = array<i32>} : memref<64xf32, #tpu.memory_space<vmem>>, vector<16xf32>,
      tpu.vector_store %arg9[%swap3A], %add3A_662 {strides = array<i32>} : memref<64xf32, #tpu.memory_space<vmem>>, vector<16xf32>,
      %swap3A_685 = arith.constant 16 : index
      %swap3A_686 = tpu.vector_load %arg9[%swap3A_685] {strides = array<i32>} : memref<64xf32, #tpu.memory_space<vmem>>, vector<16xf32>,
      tpu.vector_store %arg9[%swap3A_685], %add3A_669 {strides = array<i32>} : memref<64xf32, #tpu.memory_space<vmem>>, vector<16xf32>,
      %swap3A_687 = arith.constant 32 : index
      %swap3A_688 = tpu.vector_load %arg9[%swap3A_687] {strides = array<i32>} : memref<64xf32, #tpu.memory_space<vmem>>, vector<16xf32>,
      tpu.vector_store %arg9[%swap3A_687], %add3A_676 {strides = array<i32>} : memref<64xf32, #tpu.memory_space<vmem>>, vector<16xf32>,
      %swap3A_689 = arith.constant 48 : index
      %swap3A_690 = tpu.vector_load %arg9[%swap3A_689] {strides = array<i32>} : memref<64xf32, #tpu.memory_space<vmem>>, vector<16xf32>,
      tpu.vector_store %arg9[%swap3A_689], %add3A_683 {strides = array<i32>} : memref<64xf32, #tpu.memory_space<vmem>>, vector<16xf32>,
      %mul3A_691 = arith.constant 64 : i32
      %mul3A_692 = arith.muli %add3A_9, %mul3A_691 : i32
      "tpu.region"() ({
        %run_scoped3A = tpu.sem_alloc : memref<!tpu.dma_semaphore, #tpu.memory_space<semaphore_mem>>
        %dma_start3A_693 = tpu.memref_slice %arg5[%mul3A_692] : memref<65536xf32, #tpu.memory_space<hbm>> -> memref<64xf32, #tpu.memory_space<hbm>>
        %dma_start3A_694 = tpu.memref_slice %arg5[%mul3A_692] : memref<65536xf32, #tpu.memory_space<hbm>> -> memref<64xf32, #tpu.memory_space<hbm>>
        tpu.enqueue_dma source(%arg9 : memref<64xf32, #tpu.memory_space<vmem>>) target(%dma_start3A_694 : memref<64xf32, #tpu.memory_space<hbm>>) target_semaphore(%run_scoped3A : memref<!tpu.dma_semaphore, #tpu.memory_space<semaphore_mem>>)
        %dma_wait3A_695 = tpu.memref_slice %arg5[%mul3A_692] : memref<65536xf32, #tpu.memory_space<hbm>> -> memref<64xf32, #tpu.memory_space<hbm>>
        %dma_wait3A_696 = tpu.memref_slice %arg5[%mul3A_692] : memref<65536xf32, #tpu.memory_space<hbm>> -> memref<64xf32, #tpu.memory_space<hbm>>
        tpu.wait_dma2 semaphore(%run_scoped3A : memref<!tpu.dma_semaphore, #tpu.memory_space<semaphore_mem>>) src(%arg9 : memref<64xf32, #tpu.memory_space<vmem>>) dst(%dma_wait3A_696 : memref<64xf32, #tpu.memory_space<hbm>>)
        tpu.yield
      }) : () -> ()
    }
    %scan3A_5 = arith.constant 32 : i32
    return
  }
}

module attributes {stable_mosaic.version = 14 : i64} {
  func.func @_dist_body(%arg0: i32, %arg1: memref<1024x64xf32, #tpu.memory_space<vmem>>, %arg2: memref<2048x64xf32, #tpu.memory_space<vmem>>, %arg3: memref<1024x16x128xf32, #tpu.memory_space<vmem>>, %arg4: memref<16x1024xf32, #tpu.memory_space<vmem>>) attributes {dimension_semantics = [#tpu.dimension_semantics<arbitrary>], iteration_bounds = array<i64: 50>, scalar_prefetch = 0 : i64, scratch_operands = 0 : i64, tpu.core_type = #tpu.core_type<tc>, window_params = [{pipeline_mode = #tpu.pipeline_mode<synchronous>, transform_indices = @transform_0, window_bounds = array<i64: 1024, 64>}, {transform_indices = @transform_1, window_bounds = array<i64: 2048, 64>}, {transform_indices = @transform_2, window_bounds = array<i64: 1024, 16, 128>}, {transform_indices = @transform_3, window_bounds = array<i64: 16, 1024>}]} {
    %get3A = arith.constant 0 : index
    %get3A_0 = arith.constant 0 : index
    %get3A_1 = vector.load %arg1[%get3A, %get3A_0] : memref<1024x64xf32, #tpu.memory_space<vmem>>, vector<1024x64xf32>
    %get3A_2 = arith.constant 0 : index
    %get3A_3 = arith.constant 0 : index
    %get3A_4 = vector.load %arg2[%get3A_2, %get3A_3] : memref<2048x64xf32, #tpu.memory_space<vmem>>, vector<2048x64xf32>
    %dot_general3A = arith.constant dense<0.000000e+00> : vector<1024x2048xf32>
    %dot_general3A_5 = tpu.matmul %get3A_1, %get3A_4, %dot_general3A {dimension_numbers = #tpu.dot_dimension_numbers<[1], [1], [0], [0], [0, 0, 1, 0], [], []>, transpose_lhs_hint = false} : vector<1024x64xf32>, vector<2048x64xf32>, vector<1024x2048xf32> -> vector<1024x2048xf32>
    %mul3A = arith.mulf %get3A_4, %get3A_4 : vector<2048x64xf32>
    %reduce_sum3A = arith.constant dense<0.000000e+00> : vector<2048xf32>
    %reduce_sum3A_6 = vector.multi_reduction <add>, %mul3A, %reduce_sum3A [1] : vector<2048x64xf32> to vector<2048xf32>
    %broadcast_in_dim3A = vector.shape_cast %reduce_sum3A_6 : vector<2048xf32> to vector<1x2048xf32>
    %mul3A_7 = arith.constant 2.000000e+00 : f32
    %mul3A_8 = vector.broadcast %mul3A_7 : f32 to vector<1024x2048xf32>
    %mul3A_9 = arith.mulf %mul3A_8, %dot_general3A_5 : vector<1024x2048xf32>
    %sub3A = vector.broadcast %broadcast_in_dim3A : vector<1x2048xf32> to vector<1024x2048xf32>
    %sub3A_10 = arith.subf %mul3A_9, %sub3A : vector<1024x2048xf32>
    %mul3A_11 = arith.constant 2048 : i32
    %mul3A_12 = arith.muli %arg0, %mul3A_11 : i32
    %iota3A = tpu.iota {dimensions = array<i32: 1>} : vector<1x2048xi32>
    %add3A = vector.broadcast %mul3A_12 : i32 to vector<1x2048xi32>
    %add3A_13 = arith.addi %add3A, %iota3A : vector<1x2048xi32>
    %lt3A = arith.constant 100000 : i32
    %lt3A_14 = vector.broadcast %lt3A : i32 to vector<1x2048xi32>
    %lt3A_15 = arith.cmpi slt, %add3A_13, %lt3A_14 : vector<1x2048xi32>
    %jit3A = arith.constant -3.000000e+38 : f32
    %broadcast_in_dim3A_16 = vector.shape_cast %lt3A_15 : vector<1x2048xi1> to vector<1x2048xi1>
    %broadcast_in_dim3A_17 = vector.broadcast %broadcast_in_dim3A_16 : vector<1x2048xi1> to vector<1024x2048xi1>
    %broadcast_in_dim3A_18 = vector.broadcast %jit3A : f32 to vector<1024x2048xf32>
    %select_n3A = arith.select %broadcast_in_dim3A_17, %sub3A_10, %broadcast_in_dim3A_18 : vector<1024x2048xi1>, vector<1024x2048xf32>
    %reshape3A = vector.shape_cast %select_n3A : vector<1024x2048xf32> to vector<1024x16x128xf32>
    %swap3A = arith.constant 0 : index
    %swap3A_19 = arith.constant 0 : index
    %swap3A_20 = arith.constant 0 : index
    %swap3A_21 = vector.load %arg3[%swap3A, %swap3A_19, %swap3A_20] : memref<1024x16x128xf32, #tpu.memory_space<vmem>>, vector<1024x16x128xf32>
    tpu.vector_store %arg3[%swap3A, %swap3A_19, %swap3A_20], %reshape3A {strides = array<i32>} : memref<1024x16x128xf32, #tpu.memory_space<vmem>>, vector<1024x16x128xf32>,
    %broadcast_in_dim3A_22 = arith.constant -3.000000e+38 : f32
    %broadcast_in_dim3A_23 = vector.broadcast %broadcast_in_dim3A_22 : f32 to vector<1024x16xf32>
    %iota3A_24 = tpu.iota {dimensions = array<i32: 1>} : vector<1x16xi32>
    %slice3A = vector.extract_strided_slice %select_n3A {offsets = [0, 0], sizes = [1024, 128], strides = [1, 1]} : vector<1024x2048xf32> to vector<1024x128xf32>
    %reduce_max3A = arith.constant dense<0xFF800000> : vector<1024xf32>
    %reduce_max3A_25 = vector.multi_reduction <maximumf>, %slice3A, %reduce_max3A [1] : vector<1024x128xf32> to vector<1024xf32>
    %broadcast_in_dim3A_26 = vector.shape_cast %reduce_max3A_25 : vector<1024xf32> to vector<1024x1xf32>
    %eq3A = arith.constant 0 : i32
    %eq3A_27 = vector.broadcast %eq3A : i32 to vector<1x16xi32>
    %eq3A_28 = arith.cmpi eq, %iota3A_24, %eq3A_27 : vector<1x16xi32>
    %broadcast_in_dim3A_29 = vector.shape_cast %eq3A_28 : vector<1x16xi1> to vector<1x16xi1>
    %broadcast_in_dim3A_30 = vector.broadcast %broadcast_in_dim3A_29 : vector<1x16xi1> to vector<1024x16xi1>
    %broadcast_in_dim3A_31 = vector.shape_cast %broadcast_in_dim3A_26 : vector<1024x1xf32> to vector<1024x1xf32>
    %broadcast_in_dim3A_32 = vector.broadcast %broadcast_in_dim3A_31 : vector<1024x1xf32> to vector<1024x16xf32>
    %select_n3A_33 = arith.select %broadcast_in_dim3A_30, %broadcast_in_dim3A_32, %broadcast_in_dim3A_23 : vector<1024x16xi1>, vector<1024x16xf32>
    %slice3A_34 = vector.extract_strided_slice %select_n3A {offsets = [0, 128], sizes = [1024, 128], strides = [1, 1]} : vector<1024x2048xf32> to vector<1024x128xf32>
    %reduce_max3A_35 = arith.constant dense<0xFF800000> : vector<1024xf32>
    %reduce_max3A_36 = vector.multi_reduction <maximumf>, %slice3A_34, %reduce_max3A_35 [1] : vector<1024x128xf32> to vector<1024xf32>
    %broadcast_in_dim3A_37 = vector.shape_cast %reduce_max3A_36 : vector<1024xf32> to vector<1024x1xf32>
    %eq3A_38 = arith.constant 1 : i32
    %eq3A_39 = vector.broadcast %eq3A_38 : i32 to vector<1x16xi32>
    %eq3A_40 = arith.cmpi eq, %iota3A_24, %eq3A_39 : vector<1x16xi32>
    %broadcast_in_dim3A_41 = vector.shape_cast %eq3A_40 : vector<1x16xi1> to vector<1x16xi1>
    %broadcast_in_dim3A_42 = vector.broadcast %broadcast_in_dim3A_41 : vector<1x16xi1> to vector<1024x16xi1>
    %broadcast_in_dim3A_43 = vector.shape_cast %broadcast_in_dim3A_37 : vector<1024x1xf32> to vector<1024x1xf32>
    %broadcast_in_dim3A_44 = vector.broadcast %broadcast_in_dim3A_43 : vector<1024x1xf32> to vector<1024x16xf32>
    %select_n3A_45 = arith.select %broadcast_in_dim3A_42, %broadcast_in_dim3A_44, %select_n3A_33 : vector<1024x16xi1>, vector<1024x16xf32>
    %slice3A_46 = vector.extract_strided_slice %select_n3A {offsets = [0, 256], sizes = [1024, 128], strides = [1, 1]} : vector<1024x2048xf32> to vector<1024x128xf32>
    %reduce_max3A_47 = arith.constant dense<0xFF800000> : vector<1024xf32>
    %reduce_max3A_48 = vector.multi_reduction <maximumf>, %slice3A_46, %reduce_max3A_47 [1] : vector<1024x128xf32> to vector<1024xf32>
    %broadcast_in_dim3A_49 = vector.shape_cast %reduce_max3A_48 : vector<1024xf32> to vector<1024x1xf32>
    %eq3A_50 = arith.constant 2 : i32
    %eq3A_51 = vector.broadcast %eq3A_50 : i32 to vector<1x16xi32>
    %eq3A_52 = arith.cmpi eq, %iota3A_24, %eq3A_51 : vector<1x16xi32>
    %broadcast_in_dim3A_53 = vector.shape_cast %eq3A_52 : vector<1x16xi1> to vector<1x16xi1>
    %broadcast_in_dim3A_54 = vector.broadcast %broadcast_in_dim3A_53 : vector<1x16xi1> to vector<1024x16xi1>
    %broadcast_in_dim3A_55 = vector.shape_cast %broadcast_in_dim3A_49 : vector<1024x1xf32> to vector<1024x1xf32>
    %broadcast_in_dim3A_56 = vector.broadcast %broadcast_in_dim3A_55 : vector<1024x1xf32> to vector<1024x16xf32>
    %select_n3A_57 = arith.select %broadcast_in_dim3A_54, %broadcast_in_dim3A_56, %select_n3A_45 : vector<1024x16xi1>, vector<1024x16xf32>
    %slice3A_58 = vector.extract_strided_slice %select_n3A {offsets = [0, 384], sizes = [1024, 128], strides = [1, 1]} : vector<1024x2048xf32> to vector<1024x128xf32>
    %reduce_max3A_59 = arith.constant dense<0xFF800000> : vector<1024xf32>
    %reduce_max3A_60 = vector.multi_reduction <maximumf>, %slice3A_58, %reduce_max3A_59 [1] : vector<1024x128xf32> to vector<1024xf32>
    %broadcast_in_dim3A_61 = vector.shape_cast %reduce_max3A_60 : vector<1024xf32> to vector<1024x1xf32>
    %eq3A_62 = arith.constant 3 : i32
    %eq3A_63 = vector.broadcast %eq3A_62 : i32 to vector<1x16xi32>
    %eq3A_64 = arith.cmpi eq, %iota3A_24, %eq3A_63 : vector<1x16xi32>
    %broadcast_in_dim3A_65 = vector.shape_cast %eq3A_64 : vector<1x16xi1> to vector<1x16xi1>
    %broadcast_in_dim3A_66 = vector.broadcast %broadcast_in_dim3A_65 : vector<1x16xi1> to vector<1024x16xi1>
    %broadcast_in_dim3A_67 = vector.shape_cast %broadcast_in_dim3A_61 : vector<1024x1xf32> to vector<1024x1xf32>
    %broadcast_in_dim3A_68 = vector.broadcast %broadcast_in_dim3A_67 : vector<1024x1xf32> to vector<1024x16xf32>
    %select_n3A_69 = arith.select %broadcast_in_dim3A_66, %broadcast_in_dim3A_68, %select_n3A_57 : vector<1024x16xi1>, vector<1024x16xf32>
    %slice3A_70 = vector.extract_strided_slice %select_n3A {offsets = [0, 512], sizes = [1024, 128], strides = [1, 1]} : vector<1024x2048xf32> to vector<1024x128xf32>
    %reduce_max3A_71 = arith.constant dense<0xFF800000> : vector<1024xf32>
    %reduce_max3A_72 = vector.multi_reduction <maximumf>, %slice3A_70, %reduce_max3A_71 [1] : vector<1024x128xf32> to vector<1024xf32>
    %broadcast_in_dim3A_73 = vector.shape_cast %reduce_max3A_72 : vector<1024xf32> to vector<1024x1xf32>
    %eq3A_74 = arith.constant 4 : i32
    %eq3A_75 = vector.broadcast %eq3A_74 : i32 to vector<1x16xi32>
    %eq3A_76 = arith.cmpi eq, %iota3A_24, %eq3A_75 : vector<1x16xi32>
    %broadcast_in_dim3A_77 = vector.shape_cast %eq3A_76 : vector<1x16xi1> to vector<1x16xi1>
    %broadcast_in_dim3A_78 = vector.broadcast %broadcast_in_dim3A_77 : vector<1x16xi1> to vector<1024x16xi1>
    %broadcast_in_dim3A_79 = vector.shape_cast %broadcast_in_dim3A_73 : vector<1024x1xf32> to vector<1024x1xf32>
    %broadcast_in_dim3A_80 = vector.broadcast %broadcast_in_dim3A_79 : vector<1024x1xf32> to vector<1024x16xf32>
    %select_n3A_81 = arith.select %broadcast_in_dim3A_78, %broadcast_in_dim3A_80, %select_n3A_69 : vector<1024x16xi1>, vector<1024x16xf32>
    %slice3A_82 = vector.extract_strided_slice %select_n3A {offsets = [0, 640], sizes = [1024, 128], strides = [1, 1]} : vector<1024x2048xf32> to vector<1024x128xf32>
    %reduce_max3A_83 = arith.constant dense<0xFF800000> : vector<1024xf32>
    %reduce_max3A_84 = vector.multi_reduction <maximumf>, %slice3A_82, %reduce_max3A_83 [1] : vector<1024x128xf32> to vector<1024xf32>
    %broadcast_in_dim3A_85 = vector.shape_cast %reduce_max3A_84 : vector<1024xf32> to vector<1024x1xf32>
    %eq3A_86 = arith.constant 5 : i32
    %eq3A_87 = vector.broadcast %eq3A_86 : i32 to vector<1x16xi32>
    %eq3A_88 = arith.cmpi eq, %iota3A_24, %eq3A_87 : vector<1x16xi32>
    %broadcast_in_dim3A_89 = vector.shape_cast %eq3A_88 : vector<1x16xi1> to vector<1x16xi1>
    %broadcast_in_dim3A_90 = vector.broadcast %broadcast_in_dim3A_89 : vector<1x16xi1> to vector<1024x16xi1>
    %broadcast_in_dim3A_91 = vector.shape_cast %broadcast_in_dim3A_85 : vector<1024x1xf32> to vector<1024x1xf32>
    %broadcast_in_dim3A_92 = vector.broadcast %broadcast_in_dim3A_91 : vector<1024x1xf32> to vector<1024x16xf32>
    %select_n3A_93 = arith.select %broadcast_in_dim3A_90, %broadcast_in_dim3A_92, %select_n3A_81 : vector<1024x16xi1>, vector<1024x16xf32>
    %slice3A_94 = vector.extract_strided_slice %select_n3A {offsets = [0, 768], sizes = [1024, 128], strides = [1, 1]} : vector<1024x2048xf32> to vector<1024x128xf32>
    %reduce_max3A_95 = arith.constant dense<0xFF800000> : vector<1024xf32>
    %reduce_max3A_96 = vector.multi_reduction <maximumf>, %slice3A_94, %reduce_max3A_95 [1] : vector<1024x128xf32> to vector<1024xf32>
    %broadcast_in_dim3A_97 = vector.shape_cast %reduce_max3A_96 : vector<1024xf32> to vector<1024x1xf32>
    %eq3A_98 = arith.constant 6 : i32
    %eq3A_99 = vector.broadcast %eq3A_98 : i32 to vector<1x16xi32>
    %eq3A_100 = arith.cmpi eq, %iota3A_24, %eq3A_99 : vector<1x16xi32>
    %broadcast_in_dim3A_101 = vector.shape_cast %eq3A_100 : vector<1x16xi1> to vector<1x16xi1>
    %broadcast_in_dim3A_102 = vector.broadcast %broadcast_in_dim3A_101 : vector<1x16xi1> to vector<1024x16xi1>
    %broadcast_in_dim3A_103 = vector.shape_cast %broadcast_in_dim3A_97 : vector<1024x1xf32> to vector<1024x1xf32>
    %broadcast_in_dim3A_104 = vector.broadcast %broadcast_in_dim3A_103 : vector<1024x1xf32> to vector<1024x16xf32>
    %select_n3A_105 = arith.select %broadcast_in_dim3A_102, %broadcast_in_dim3A_104, %select_n3A_93 : vector<1024x16xi1>, vector<1024x16xf32>
    %slice3A_106 = vector.extract_strided_slice %select_n3A {offsets = [0, 896], sizes = [1024, 128], strides = [1, 1]} : vector<1024x2048xf32> to vector<1024x128xf32>
    %reduce_max3A_107 = arith.constant dense<0xFF800000> : vector<1024xf32>
    %reduce_max3A_108 = vector.multi_reduction <maximumf>, %slice3A_106, %reduce_max3A_107 [1] : vector<1024x128xf32> to vector<1024xf32>
    %broadcast_in_dim3A_109 = vector.shape_cast %reduce_max3A_108 : vector<1024xf32> to vector<1024x1xf32>
    %eq3A_110 = arith.constant 7 : i32
    %eq3A_111 = vector.broadcast %eq3A_110 : i32 to vector<1x16xi32>
    %eq3A_112 = arith.cmpi eq, %iota3A_24, %eq3A_111 : vector<1x16xi32>
    %broadcast_in_dim3A_113 = vector.shape_cast %eq3A_112 : vector<1x16xi1> to vector<1x16xi1>
    %broadcast_in_dim3A_114 = vector.broadcast %broadcast_in_dim3A_113 : vector<1x16xi1> to vector<1024x16xi1>
    %broadcast_in_dim3A_115 = vector.shape_cast %broadcast_in_dim3A_109 : vector<1024x1xf32> to vector<1024x1xf32>
    %broadcast_in_dim3A_116 = vector.broadcast %broadcast_in_dim3A_115 : vector<1024x1xf32> to vector<1024x16xf32>
    %select_n3A_117 = arith.select %broadcast_in_dim3A_114, %broadcast_in_dim3A_116, %select_n3A_105 : vector<1024x16xi1>, vector<1024x16xf32>
    %slice3A_118 = vector.extract_strided_slice %select_n3A {offsets = [0, 1024], sizes = [1024, 128], strides = [1, 1]} : vector<1024x2048xf32> to vector<1024x128xf32>
    %reduce_max3A_119 = arith.constant dense<0xFF800000> : vector<1024xf32>
    %reduce_max3A_120 = vector.multi_reduction <maximumf>, %slice3A_118, %reduce_max3A_119 [1] : vector<1024x128xf32> to vector<1024xf32>
    %broadcast_in_dim3A_121 = vector.shape_cast %reduce_max3A_120 : vector<1024xf32> to vector<1024x1xf32>
    %eq3A_122 = arith.constant 8 : i32
    %eq3A_123 = vector.broadcast %eq3A_122 : i32 to vector<1x16xi32>
    %eq3A_124 = arith.cmpi eq, %iota3A_24, %eq3A_123 : vector<1x16xi32>
    %broadcast_in_dim3A_125 = vector.shape_cast %eq3A_124 : vector<1x16xi1> to vector<1x16xi1>
    %broadcast_in_dim3A_126 = vector.broadcast %broadcast_in_dim3A_125 : vector<1x16xi1> to vector<1024x16xi1>
    %broadcast_in_dim3A_127 = vector.shape_cast %broadcast_in_dim3A_121 : vector<1024x1xf32> to vector<1024x1xf32>
    %broadcast_in_dim3A_128 = vector.broadcast %broadcast_in_dim3A_127 : vector<1024x1xf32> to vector<1024x16xf32>
    %select_n3A_129 = arith.select %broadcast_in_dim3A_126, %broadcast_in_dim3A_128, %select_n3A_117 : vector<1024x16xi1>, vector<1024x16xf32>
    %slice3A_130 = vector.extract_strided_slice %select_n3A {offsets = [0, 1152], sizes = [1024, 128], strides = [1, 1]} : vector<1024x2048xf32> to vector<1024x128xf32>
    %reduce_max3A_131 = arith.constant dense<0xFF800000> : vector<1024xf32>
    %reduce_max3A_132 = vector.multi_reduction <maximumf>, %slice3A_130, %reduce_max3A_131 [1] : vector<1024x128xf32> to vector<1024xf32>
    %broadcast_in_dim3A_133 = vector.shape_cast %reduce_max3A_132 : vector<1024xf32> to vector<1024x1xf32>
    %eq3A_134 = arith.constant 9 : i32
    %eq3A_135 = vector.broadcast %eq3A_134 : i32 to vector<1x16xi32>
    %eq3A_136 = arith.cmpi eq, %iota3A_24, %eq3A_135 : vector<1x16xi32>
    %broadcast_in_dim3A_137 = vector.shape_cast %eq3A_136 : vector<1x16xi1> to vector<1x16xi1>
    %broadcast_in_dim3A_138 = vector.broadcast %broadcast_in_dim3A_137 : vector<1x16xi1> to vector<1024x16xi1>
    %broadcast_in_dim3A_139 = vector.shape_cast %broadcast_in_dim3A_133 : vector<1024x1xf32> to vector<1024x1xf32>
    %broadcast_in_dim3A_140 = vector.broadcast %broadcast_in_dim3A_139 : vector<1024x1xf32> to vector<1024x16xf32>
    %select_n3A_141 = arith.select %broadcast_in_dim3A_138, %broadcast_in_dim3A_140, %select_n3A_129 : vector<1024x16xi1>, vector<1024x16xf32>
    %slice3A_142 = vector.extract_strided_slice %select_n3A {offsets = [0, 1280], sizes = [1024, 128], strides = [1, 1]} : vector<1024x2048xf32> to vector<1024x128xf32>
    %reduce_max3A_143 = arith.constant dense<0xFF800000> : vector<1024xf32>
    %reduce_max3A_144 = vector.multi_reduction <maximumf>, %slice3A_142, %reduce_max3A_143 [1] : vector<1024x128xf32> to vector<1024xf32>
    %broadcast_in_dim3A_145 = vector.shape_cast %reduce_max3A_144 : vector<1024xf32> to vector<1024x1xf32>
    %eq3A_146 = arith.constant 10 : i32
    %eq3A_147 = vector.broadcast %eq3A_146 : i32 to vector<1x16xi32>
    %eq3A_148 = arith.cmpi eq, %iota3A_24, %eq3A_147 : vector<1x16xi32>
    %broadcast_in_dim3A_149 = vector.shape_cast %eq3A_148 : vector<1x16xi1> to vector<1x16xi1>
    %broadcast_in_dim3A_150 = vector.broadcast %broadcast_in_dim3A_149 : vector<1x16xi1> to vector<1024x16xi1>
    %broadcast_in_dim3A_151 = vector.shape_cast %broadcast_in_dim3A_145 : vector<1024x1xf32> to vector<1024x1xf32>
    %broadcast_in_dim3A_152 = vector.broadcast %broadcast_in_dim3A_151 : vector<1024x1xf32> to vector<1024x16xf32>
    %select_n3A_153 = arith.select %broadcast_in_dim3A_150, %broadcast_in_dim3A_152, %select_n3A_141 : vector<1024x16xi1>, vector<1024x16xf32>
    %slice3A_154 = vector.extract_strided_slice %select_n3A {offsets = [0, 1408], sizes = [1024, 128], strides = [1, 1]} : vector<1024x2048xf32> to vector<1024x128xf32>
    %reduce_max3A_155 = arith.constant dense<0xFF800000> : vector<1024xf32>
    %reduce_max3A_156 = vector.multi_reduction <maximumf>, %slice3A_154, %reduce_max3A_155 [1] : vector<1024x128xf32> to vector<1024xf32>
    %broadcast_in_dim3A_157 = vector.shape_cast %reduce_max3A_156 : vector<1024xf32> to vector<1024x1xf32>
    %eq3A_158 = arith.constant 11 : i32
    %eq3A_159 = vector.broadcast %eq3A_158 : i32 to vector<1x16xi32>
    %eq3A_160 = arith.cmpi eq, %iota3A_24, %eq3A_159 : vector<1x16xi32>
    %broadcast_in_dim3A_161 = vector.shape_cast %eq3A_160 : vector<1x16xi1> to vector<1x16xi1>
    %broadcast_in_dim3A_162 = vector.broadcast %broadcast_in_dim3A_161 : vector<1x16xi1> to vector<1024x16xi1>
    %broadcast_in_dim3A_163 = vector.shape_cast %broadcast_in_dim3A_157 : vector<1024x1xf32> to vector<1024x1xf32>
    %broadcast_in_dim3A_164 = vector.broadcast %broadcast_in_dim3A_163 : vector<1024x1xf32> to vector<1024x16xf32>
    %select_n3A_165 = arith.select %broadcast_in_dim3A_162, %broadcast_in_dim3A_164, %select_n3A_153 : vector<1024x16xi1>, vector<1024x16xf32>
    %slice3A_166 = vector.extract_strided_slice %select_n3A {offsets = [0, 1536], sizes = [1024, 128], strides = [1, 1]} : vector<1024x2048xf32> to vector<1024x128xf32>
    %reduce_max3A_167 = arith.constant dense<0xFF800000> : vector<1024xf32>
    %reduce_max3A_168 = vector.multi_reduction <maximumf>, %slice3A_166, %reduce_max3A_167 [1] : vector<1024x128xf32> to vector<1024xf32>
    %broadcast_in_dim3A_169 = vector.shape_cast %reduce_max3A_168 : vector<1024xf32> to vector<1024x1xf32>
    %eq3A_170 = arith.constant 12 : i32
    %eq3A_171 = vector.broadcast %eq3A_170 : i32 to vector<1x16xi32>
    %eq3A_172 = arith.cmpi eq, %iota3A_24, %eq3A_171 : vector<1x16xi32>
    %broadcast_in_dim3A_173 = vector.shape_cast %eq3A_172 : vector<1x16xi1> to vector<1x16xi1>
    %broadcast_in_dim3A_174 = vector.broadcast %broadcast_in_dim3A_173 : vector<1x16xi1> to vector<1024x16xi1>
    %broadcast_in_dim3A_175 = vector.shape_cast %broadcast_in_dim3A_169 : vector<1024x1xf32> to vector<1024x1xf32>
    %broadcast_in_dim3A_176 = vector.broadcast %broadcast_in_dim3A_175 : vector<1024x1xf32> to vector<1024x16xf32>
    %select_n3A_177 = arith.select %broadcast_in_dim3A_174, %broadcast_in_dim3A_176, %select_n3A_165 : vector<1024x16xi1>, vector<1024x16xf32>
    %slice3A_178 = vector.extract_strided_slice %select_n3A {offsets = [0, 1664], sizes = [1024, 128], strides = [1, 1]} : vector<1024x2048xf32> to vector<1024x128xf32>
    %reduce_max3A_179 = arith.constant dense<0xFF800000> : vector<1024xf32>
    %reduce_max3A_180 = vector.multi_reduction <maximumf>, %slice3A_178, %reduce_max3A_179 [1] : vector<1024x128xf32> to vector<1024xf32>
    %broadcast_in_dim3A_181 = vector.shape_cast %reduce_max3A_180 : vector<1024xf32> to vector<1024x1xf32>
    %eq3A_182 = arith.constant 13 : i32
    %eq3A_183 = vector.broadcast %eq3A_182 : i32 to vector<1x16xi32>
    %eq3A_184 = arith.cmpi eq, %iota3A_24, %eq3A_183 : vector<1x16xi32>
    %broadcast_in_dim3A_185 = vector.shape_cast %eq3A_184 : vector<1x16xi1> to vector<1x16xi1>
    %broadcast_in_dim3A_186 = vector.broadcast %broadcast_in_dim3A_185 : vector<1x16xi1> to vector<1024x16xi1>
    %broadcast_in_dim3A_187 = vector.shape_cast %broadcast_in_dim3A_181 : vector<1024x1xf32> to vector<1024x1xf32>
    %broadcast_in_dim3A_188 = vector.broadcast %broadcast_in_dim3A_187 : vector<1024x1xf32> to vector<1024x16xf32>
    %select_n3A_189 = arith.select %broadcast_in_dim3A_186, %broadcast_in_dim3A_188, %select_n3A_177 : vector<1024x16xi1>, vector<1024x16xf32>
    %slice3A_190 = vector.extract_strided_slice %select_n3A {offsets = [0, 1792], sizes = [1024, 128], strides = [1, 1]} : vector<1024x2048xf32> to vector<1024x128xf32>
    %reduce_max3A_191 = arith.constant dense<0xFF800000> : vector<1024xf32>
    %reduce_max3A_192 = vector.multi_reduction <maximumf>, %slice3A_190, %reduce_max3A_191 [1] : vector<1024x128xf32> to vector<1024xf32>
    %broadcast_in_dim3A_193 = vector.shape_cast %reduce_max3A_192 : vector<1024xf32> to vector<1024x1xf32>
    %eq3A_194 = arith.constant 14 : i32
    %eq3A_195 = vector.broadcast %eq3A_194 : i32 to vector<1x16xi32>
    %eq3A_196 = arith.cmpi eq, %iota3A_24, %eq3A_195 : vector<1x16xi32>
    %broadcast_in_dim3A_197 = vector.shape_cast %eq3A_196 : vector<1x16xi1> to vector<1x16xi1>
    %broadcast_in_dim3A_198 = vector.broadcast %broadcast_in_dim3A_197 : vector<1x16xi1> to vector<1024x16xi1>
    %broadcast_in_dim3A_199 = vector.shape_cast %broadcast_in_dim3A_193 : vector<1024x1xf32> to vector<1024x1xf32>
    %broadcast_in_dim3A_200 = vector.broadcast %broadcast_in_dim3A_199 : vector<1024x1xf32> to vector<1024x16xf32>
    %select_n3A_201 = arith.select %broadcast_in_dim3A_198, %broadcast_in_dim3A_200, %select_n3A_189 : vector<1024x16xi1>, vector<1024x16xf32>
    %slice3A_202 = vector.extract_strided_slice %select_n3A {offsets = [0, 1920], sizes = [1024, 128], strides = [1, 1]} : vector<1024x2048xf32> to vector<1024x128xf32>
    %reduce_max3A_203 = arith.constant dense<0xFF800000> : vector<1024xf32>
    %reduce_max3A_204 = vector.multi_reduction <maximumf>, %slice3A_202, %reduce_max3A_203 [1] : vector<1024x128xf32> to vector<1024xf32>
    %broadcast_in_dim3A_205 = vector.shape_cast %reduce_max3A_204 : vector<1024xf32> to vector<1024x1xf32>
    %eq3A_206 = arith.constant 15 : i32
    %eq3A_207 = vector.broadcast %eq3A_206 : i32 to vector<1x16xi32>
    %eq3A_208 = arith.cmpi eq, %iota3A_24, %eq3A_207 : vector<1x16xi32>
    %broadcast_in_dim3A_209 = vector.shape_cast %eq3A_208 : vector<1x16xi1> to vector<1x16xi1>
    %broadcast_in_dim3A_210 = vector.broadcast %broadcast_in_dim3A_209 : vector<1x16xi1> to vector<1024x16xi1>
    %broadcast_in_dim3A_211 = vector.shape_cast %broadcast_in_dim3A_205 : vector<1024x1xf32> to vector<1024x1xf32>
    %broadcast_in_dim3A_212 = vector.broadcast %broadcast_in_dim3A_211 : vector<1024x1xf32> to vector<1024x16xf32>
    %select_n3A_213 = arith.select %broadcast_in_dim3A_210, %broadcast_in_dim3A_212, %select_n3A_201 : vector<1024x16xi1>, vector<1024x16xf32>
    %transpose3A = tpu.transpose %select_n3A_213, [1, 0] : vector<1024x16xf32> -> vector<16x1024xf32>
    %swap3A_214 = arith.constant 0 : index
    %swap3A_215 = arith.constant 0 : index
    %swap3A_216 = vector.load %arg4[%swap3A_214, %swap3A_215] : memref<16x1024xf32, #tpu.memory_space<vmem>>, vector<16x1024xf32>
    tpu.vector_store %arg4[%swap3A_214, %swap3A_215], %transpose3A {strides = array<i32>} : memref<16x1024xf32, #tpu.memory_space<vmem>>, vector<16x1024xf32>,
    return
  }
  func.func @transform_0(%arg0: i32) -> (i32, i32) {
    %c0_i32 = arith.constant 0 : i32
    %c0_i32_0 = arith.constant 0 : i32
    %c0_i32_1 = arith.constant 0 : i32
    return %c0_i32, %c0_i32_0 : i32, i32
  }
  func.func @transform_1(%arg0: i32) -> (i32, i32) {
    %c0_i32 = arith.constant 0 : i32
    %c0_i32_0 = arith.constant 0 : i32
    return %arg0, %c0_i32 : i32, i32
  }
  func.func @transform_2(%arg0: i32) -> (i32, i32, i32) {
    %c0_i32 = arith.constant 0 : i32
    %c0_i32_0 = arith.constant 0 : i32
    %c0_i32_1 = arith.constant 0 : i32
    return %c0_i32, %arg0, %c0_i32_0 : i32, i32, i32
  }
  func.func @transform_3(%arg0: i32) -> (i32, i32) {
    %c0_i32 = arith.constant 0 : i32
    %c0_i32_0 = arith.constant 0 : i32
    return %arg0, %c0_i32 : i32, i32
  }
}

module attributes {stable_mosaic.version = 14 : i64} {
  func.func @_toppart_body(%arg0: memref<800x1024xf32, #tpu.memory_space<vmem>>, %arg1: memref<16x1024xi32, #tpu.memory_space<vmem>>) attributes {dimension_semantics = [], scalar_prefetch = 0 : i64, scratch_operands = 0 : i64, tpu.core_type = #tpu.core_type<tc>} {
    %get3A = arith.constant 0 : index
    %get3A_0 = arith.constant 0 : index
    %get3A_1 = vector.load %arg0[%get3A, %get3A_0] : memref<800x1024xf32, #tpu.memory_space<vmem>>, vector<800x1024xf32>
    %iota3A = tpu.iota {dimensions = array<i32: 0>} : vector<800x1024xi32>
    %iota3A_2 = tpu.iota {dimensions = array<i32: 0>} : vector<16x1024xi32>
    %broadcast_in_dim3A = arith.constant 0 : i32
    %broadcast_in_dim3A_3 = vector.broadcast %broadcast_in_dim3A : i32 to vector<16x1024xi32>
    %reduce_max3A = arith.constant dense<0xFF800000> : vector<1024xf32>
    %reduce_max3A_4 = vector.multi_reduction <maximumf>, %get3A_1, %reduce_max3A [0] : vector<800x1024xf32> to vector<1024xf32>
    %broadcast_in_dim3A_5 = vector.shape_cast %reduce_max3A_4 : vector<1024xf32> to vector<1x1024xf32>
    %eq3A = vector.broadcast %broadcast_in_dim3A_5 : vector<1x1024xf32> to vector<800x1024xf32>
    %eq3A_6 = arith.cmpf oeq, %get3A_1, %eq3A : vector<800x1024xf32>
    %jit3A = arith.constant 1073741824 : i32
    %broadcast_in_dim3A_7 = vector.broadcast %jit3A : i32 to vector<800x1024xi32>
    %select_n3A = arith.select %eq3A_6, %iota3A, %broadcast_in_dim3A_7 : vector<800x1024xi1>, vector<800x1024xi32>
    %reduce_min3A = arith.constant dense<2147483647> : vector<1024xi32>
    %reduce_min3A_8 = vector.multi_reduction <minsi>, %select_n3A, %reduce_min3A [0] : vector<800x1024xi32> to vector<1024xi32>
    %broadcast_in_dim3A_9 = vector.shape_cast %reduce_min3A_8 : vector<1024xi32> to vector<1x1024xi32>
    %eq3A_10 = vector.broadcast %broadcast_in_dim3A_9 : vector<1x1024xi32> to vector<800x1024xi32>
    %eq3A_11 = arith.cmpi eq, %iota3A, %eq3A_10 : vector<800x1024xi32>
    %jit3A_12 = arith.constant -3.000000e+38 : f32
    %broadcast_in_dim3A_13 = vector.broadcast %jit3A_12 : f32 to vector<800x1024xf32>
    %select_n3A_14 = arith.select %eq3A_11, %broadcast_in_dim3A_13, %get3A_1 : vector<800x1024xi1>, vector<800x1024xf32>
    %eq3A_15 = arith.constant 0 : i32
    %eq3A_16 = vector.broadcast %eq3A_15 : i32 to vector<16x1024xi32>
    %eq3A_17 = arith.cmpi eq, %iota3A_2, %eq3A_16 : vector<16x1024xi32>
    %broadcast_in_dim3A_18 = vector.shape_cast %broadcast_in_dim3A_9 : vector<1x1024xi32> to vector<1x1024xi32>
    %broadcast_in_dim3A_19 = vector.broadcast %broadcast_in_dim3A_18 : vector<1x1024xi32> to vector<16x1024xi32>
    %select_n3A_20 = arith.select %eq3A_17, %broadcast_in_dim3A_19, %broadcast_in_dim3A_3 : vector<16x1024xi1>, vector<16x1024xi32>
    %reduce_max3A_21 = arith.constant dense<0xFF800000> : vector<1024xf32>
    %reduce_max3A_22 = vector.multi_reduction <maximumf>, %select_n3A_14, %reduce_max3A_21 [0] : vector<800x1024xf32> to vector<1024xf32>
    %broadcast_in_dim3A_23 = vector.shape_cast %reduce_max3A_22 : vector<1024xf32> to vector<1x1024xf32>
    %eq3A_24 = vector.broadcast %broadcast_in_dim3A_23 : vector<1x1024xf32> to vector<800x1024xf32>
    %eq3A_25 = arith.cmpf oeq, %select_n3A_14, %eq3A_24 : vector<800x1024xf32>
    %jit3A_26 = arith.constant 1073741824 : i32
    %broadcast_in_dim3A_27 = vector.broadcast %jit3A_26 : i32 to vector<800x1024xi32>
    %select_n3A_28 = arith.select %eq3A_25, %iota3A, %broadcast_in_dim3A_27 : vector<800x1024xi1>, vector<800x1024xi32>
    %reduce_min3A_29 = arith.constant dense<2147483647> : vector<1024xi32>
    %reduce_min3A_30 = vector.multi_reduction <minsi>, %select_n3A_28, %reduce_min3A_29 [0] : vector<800x1024xi32> to vector<1024xi32>
    %broadcast_in_dim3A_31 = vector.shape_cast %reduce_min3A_30 : vector<1024xi32> to vector<1x1024xi32>
    %eq3A_32 = vector.broadcast %broadcast_in_dim3A_31 : vector<1x1024xi32> to vector<800x1024xi32>
    %eq3A_33 = arith.cmpi eq, %iota3A, %eq3A_32 : vector<800x1024xi32>
    %jit3A_34 = arith.constant -3.000000e+38 : f32
    %broadcast_in_dim3A_35 = vector.broadcast %jit3A_34 : f32 to vector<800x1024xf32>
    %select_n3A_36 = arith.select %eq3A_33, %broadcast_in_dim3A_35, %select_n3A_14 : vector<800x1024xi1>, vector<800x1024xf32>
    %eq3A_37 = arith.constant 1 : i32
    %eq3A_38 = vector.broadcast %eq3A_37 : i32 to vector<16x1024xi32>
    %eq3A_39 = arith.cmpi eq, %iota3A_2, %eq3A_38 : vector<16x1024xi32>
    %broadcast_in_dim3A_40 = vector.shape_cast %broadcast_in_dim3A_31 : vector<1x1024xi32> to vector<1x1024xi32>
    %broadcast_in_dim3A_41 = vector.broadcast %broadcast_in_dim3A_40 : vector<1x1024xi32> to vector<16x1024xi32>
    %select_n3A_42 = arith.select %eq3A_39, %broadcast_in_dim3A_41, %select_n3A_20 : vector<16x1024xi1>, vector<16x1024xi32>
    %reduce_max3A_43 = arith.constant dense<0xFF800000> : vector<1024xf32>
    %reduce_max3A_44 = vector.multi_reduction <maximumf>, %select_n3A_36, %reduce_max3A_43 [0] : vector<800x1024xf32> to vector<1024xf32>
    %broadcast_in_dim3A_45 = vector.shape_cast %reduce_max3A_44 : vector<1024xf32> to vector<1x1024xf32>
    %eq3A_46 = vector.broadcast %broadcast_in_dim3A_45 : vector<1x1024xf32> to vector<800x1024xf32>
    %eq3A_47 = arith.cmpf oeq, %select_n3A_36, %eq3A_46 : vector<800x1024xf32>
    %jit3A_48 = arith.constant 1073741824 : i32
    %broadcast_in_dim3A_49 = vector.broadcast %jit3A_48 : i32 to vector<800x1024xi32>
    %select_n3A_50 = arith.select %eq3A_47, %iota3A, %broadcast_in_dim3A_49 : vector<800x1024xi1>, vector<800x1024xi32>
    %reduce_min3A_51 = arith.constant dense<2147483647> : vector<1024xi32>
    %reduce_min3A_52 = vector.multi_reduction <minsi>, %select_n3A_50, %reduce_min3A_51 [0] : vector<800x1024xi32> to vector<1024xi32>
    %broadcast_in_dim3A_53 = vector.shape_cast %reduce_min3A_52 : vector<1024xi32> to vector<1x1024xi32>
    %eq3A_54 = vector.broadcast %broadcast_in_dim3A_53 : vector<1x1024xi32> to vector<800x1024xi32>
    %eq3A_55 = arith.cmpi eq, %iota3A, %eq3A_54 : vector<800x1024xi32>
    %jit3A_56 = arith.constant -3.000000e+38 : f32
    %broadcast_in_dim3A_57 = vector.broadcast %jit3A_56 : f32 to vector<800x1024xf32>
    %select_n3A_58 = arith.select %eq3A_55, %broadcast_in_dim3A_57, %select_n3A_36 : vector<800x1024xi1>, vector<800x1024xf32>
    %eq3A_59 = arith.constant 2 : i32
    %eq3A_60 = vector.broadcast %eq3A_59 : i32 to vector<16x1024xi32>
    %eq3A_61 = arith.cmpi eq, %iota3A_2, %eq3A_60 : vector<16x1024xi32>
    %broadcast_in_dim3A_62 = vector.shape_cast %broadcast_in_dim3A_53 : vector<1x1024xi32> to vector<1x1024xi32>
    %broadcast_in_dim3A_63 = vector.broadcast %broadcast_in_dim3A_62 : vector<1x1024xi32> to vector<16x1024xi32>
    %select_n3A_64 = arith.select %eq3A_61, %broadcast_in_dim3A_63, %select_n3A_42 : vector<16x1024xi1>, vector<16x1024xi32>
    %reduce_max3A_65 = arith.constant dense<0xFF800000> : vector<1024xf32>
    %reduce_max3A_66 = vector.multi_reduction <maximumf>, %select_n3A_58, %reduce_max3A_65 [0] : vector<800x1024xf32> to vector<1024xf32>
    %broadcast_in_dim3A_67 = vector.shape_cast %reduce_max3A_66 : vector<1024xf32> to vector<1x1024xf32>
    %eq3A_68 = vector.broadcast %broadcast_in_dim3A_67 : vector<1x1024xf32> to vector<800x1024xf32>
    %eq3A_69 = arith.cmpf oeq, %select_n3A_58, %eq3A_68 : vector<800x1024xf32>
    %jit3A_70 = arith.constant 1073741824 : i32
    %broadcast_in_dim3A_71 = vector.broadcast %jit3A_70 : i32 to vector<800x1024xi32>
    %select_n3A_72 = arith.select %eq3A_69, %iota3A, %broadcast_in_dim3A_71 : vector<800x1024xi1>, vector<800x1024xi32>
    %reduce_min3A_73 = arith.constant dense<2147483647> : vector<1024xi32>
    %reduce_min3A_74 = vector.multi_reduction <minsi>, %select_n3A_72, %reduce_min3A_73 [0] : vector<800x1024xi32> to vector<1024xi32>
    %broadcast_in_dim3A_75 = vector.shape_cast %reduce_min3A_74 : vector<1024xi32> to vector<1x1024xi32>
    %eq3A_76 = vector.broadcast %broadcast_in_dim3A_75 : vector<1x1024xi32> to vector<800x1024xi32>
    %eq3A_77 = arith.cmpi eq, %iota3A, %eq3A_76 : vector<800x1024xi32>
    %jit3A_78 = arith.constant -3.000000e+38 : f32
    %broadcast_in_dim3A_79 = vector.broadcast %jit3A_78 : f32 to vector<800x1024xf32>
    %select_n3A_80 = arith.select %eq3A_77, %broadcast_in_dim3A_79, %select_n3A_58 : vector<800x1024xi1>, vector<800x1024xf32>
    %eq3A_81 = arith.constant 3 : i32
    %eq3A_82 = vector.broadcast %eq3A_81 : i32 to vector<16x1024xi32>
    %eq3A_83 = arith.cmpi eq, %iota3A_2, %eq3A_82 : vector<16x1024xi32>
    %broadcast_in_dim3A_84 = vector.shape_cast %broadcast_in_dim3A_75 : vector<1x1024xi32> to vector<1x1024xi32>
    %broadcast_in_dim3A_85 = vector.broadcast %broadcast_in_dim3A_84 : vector<1x1024xi32> to vector<16x1024xi32>
    %select_n3A_86 = arith.select %eq3A_83, %broadcast_in_dim3A_85, %select_n3A_64 : vector<16x1024xi1>, vector<16x1024xi32>
    %reduce_max3A_87 = arith.constant dense<0xFF800000> : vector<1024xf32>
    %reduce_max3A_88 = vector.multi_reduction <maximumf>, %select_n3A_80, %reduce_max3A_87 [0] : vector<800x1024xf32> to vector<1024xf32>
    %broadcast_in_dim3A_89 = vector.shape_cast %reduce_max3A_88 : vector<1024xf32> to vector<1x1024xf32>
    %eq3A_90 = vector.broadcast %broadcast_in_dim3A_89 : vector<1x1024xf32> to vector<800x1024xf32>
    %eq3A_91 = arith.cmpf oeq, %select_n3A_80, %eq3A_90 : vector<800x1024xf32>
    %jit3A_92 = arith.constant 1073741824 : i32
    %broadcast_in_dim3A_93 = vector.broadcast %jit3A_92 : i32 to vector<800x1024xi32>
    %select_n3A_94 = arith.select %eq3A_91, %iota3A, %broadcast_in_dim3A_93 : vector<800x1024xi1>, vector<800x1024xi32>
    %reduce_min3A_95 = arith.constant dense<2147483647> : vector<1024xi32>
    %reduce_min3A_96 = vector.multi_reduction <minsi>, %select_n3A_94, %reduce_min3A_95 [0] : vector<800x1024xi32> to vector<1024xi32>
    %broadcast_in_dim3A_97 = vector.shape_cast %reduce_min3A_96 : vector<1024xi32> to vector<1x1024xi32>
    %eq3A_98 = vector.broadcast %broadcast_in_dim3A_97 : vector<1x1024xi32> to vector<800x1024xi32>
    %eq3A_99 = arith.cmpi eq, %iota3A, %eq3A_98 : vector<800x1024xi32>
    %jit3A_100 = arith.constant -3.000000e+38 : f32
    %broadcast_in_dim3A_101 = vector.broadcast %jit3A_100 : f32 to vector<800x1024xf32>
    %select_n3A_102 = arith.select %eq3A_99, %broadcast_in_dim3A_101, %select_n3A_80 : vector<800x1024xi1>, vector<800x1024xf32>
    %eq3A_103 = arith.constant 4 : i32
    %eq3A_104 = vector.broadcast %eq3A_103 : i32 to vector<16x1024xi32>
    %eq3A_105 = arith.cmpi eq, %iota3A_2, %eq3A_104 : vector<16x1024xi32>
    %broadcast_in_dim3A_106 = vector.shape_cast %broadcast_in_dim3A_97 : vector<1x1024xi32> to vector<1x1024xi32>
    %broadcast_in_dim3A_107 = vector.broadcast %broadcast_in_dim3A_106 : vector<1x1024xi32> to vector<16x1024xi32>
    %select_n3A_108 = arith.select %eq3A_105, %broadcast_in_dim3A_107, %select_n3A_86 : vector<16x1024xi1>, vector<16x1024xi32>
    %reduce_max3A_109 = arith.constant dense<0xFF800000> : vector<1024xf32>
    %reduce_max3A_110 = vector.multi_reduction <maximumf>, %select_n3A_102, %reduce_max3A_109 [0] : vector<800x1024xf32> to vector<1024xf32>
    %broadcast_in_dim3A_111 = vector.shape_cast %reduce_max3A_110 : vector<1024xf32> to vector<1x1024xf32>
    %eq3A_112 = vector.broadcast %broadcast_in_dim3A_111 : vector<1x1024xf32> to vector<800x1024xf32>
    %eq3A_113 = arith.cmpf oeq, %select_n3A_102, %eq3A_112 : vector<800x1024xf32>
    %jit3A_114 = arith.constant 1073741824 : i32
    %broadcast_in_dim3A_115 = vector.broadcast %jit3A_114 : i32 to vector<800x1024xi32>
    %select_n3A_116 = arith.select %eq3A_113, %iota3A, %broadcast_in_dim3A_115 : vector<800x1024xi1>, vector<800x1024xi32>
    %reduce_min3A_117 = arith.constant dense<2147483647> : vector<1024xi32>
    %reduce_min3A_118 = vector.multi_reduction <minsi>, %select_n3A_116, %reduce_min3A_117 [0] : vector<800x1024xi32> to vector<1024xi32>
    %broadcast_in_dim3A_119 = vector.shape_cast %reduce_min3A_118 : vector<1024xi32> to vector<1x1024xi32>
    %eq3A_120 = vector.broadcast %broadcast_in_dim3A_119 : vector<1x1024xi32> to vector<800x1024xi32>
    %eq3A_121 = arith.cmpi eq, %iota3A, %eq3A_120 : vector<800x1024xi32>
    %jit3A_122 = arith.constant -3.000000e+38 : f32
    %broadcast_in_dim3A_123 = vector.broadcast %jit3A_122 : f32 to vector<800x1024xf32>
    %select_n3A_124 = arith.select %eq3A_121, %broadcast_in_dim3A_123, %select_n3A_102 : vector<800x1024xi1>, vector<800x1024xf32>
    %eq3A_125 = arith.constant 5 : i32
    %eq3A_126 = vector.broadcast %eq3A_125 : i32 to vector<16x1024xi32>
    %eq3A_127 = arith.cmpi eq, %iota3A_2, %eq3A_126 : vector<16x1024xi32>
    %broadcast_in_dim3A_128 = vector.shape_cast %broadcast_in_dim3A_119 : vector<1x1024xi32> to vector<1x1024xi32>
    %broadcast_in_dim3A_129 = vector.broadcast %broadcast_in_dim3A_128 : vector<1x1024xi32> to vector<16x1024xi32>
    %select_n3A_130 = arith.select %eq3A_127, %broadcast_in_dim3A_129, %select_n3A_108 : vector<16x1024xi1>, vector<16x1024xi32>
    %reduce_max3A_131 = arith.constant dense<0xFF800000> : vector<1024xf32>
    %reduce_max3A_132 = vector.multi_reduction <maximumf>, %select_n3A_124, %reduce_max3A_131 [0] : vector<800x1024xf32> to vector<1024xf32>
    %broadcast_in_dim3A_133 = vector.shape_cast %reduce_max3A_132 : vector<1024xf32> to vector<1x1024xf32>
    %eq3A_134 = vector.broadcast %broadcast_in_dim3A_133 : vector<1x1024xf32> to vector<800x1024xf32>
    %eq3A_135 = arith.cmpf oeq, %select_n3A_124, %eq3A_134 : vector<800x1024xf32>
    %jit3A_136 = arith.constant 1073741824 : i32
    %broadcast_in_dim3A_137 = vector.broadcast %jit3A_136 : i32 to vector<800x1024xi32>
    %select_n3A_138 = arith.select %eq3A_135, %iota3A, %broadcast_in_dim3A_137 : vector<800x1024xi1>, vector<800x1024xi32>
    %reduce_min3A_139 = arith.constant dense<2147483647> : vector<1024xi32>
    %reduce_min3A_140 = vector.multi_reduction <minsi>, %select_n3A_138, %reduce_min3A_139 [0] : vector<800x1024xi32> to vector<1024xi32>
    %broadcast_in_dim3A_141 = vector.shape_cast %reduce_min3A_140 : vector<1024xi32> to vector<1x1024xi32>
    %eq3A_142 = vector.broadcast %broadcast_in_dim3A_141 : vector<1x1024xi32> to vector<800x1024xi32>
    %eq3A_143 = arith.cmpi eq, %iota3A, %eq3A_142 : vector<800x1024xi32>
    %jit3A_144 = arith.constant -3.000000e+38 : f32
    %broadcast_in_dim3A_145 = vector.broadcast %jit3A_144 : f32 to vector<800x1024xf32>
    %select_n3A_146 = arith.select %eq3A_143, %broadcast_in_dim3A_145, %select_n3A_124 : vector<800x1024xi1>, vector<800x1024xf32>
    %eq3A_147 = arith.constant 6 : i32
    %eq3A_148 = vector.broadcast %eq3A_147 : i32 to vector<16x1024xi32>
    %eq3A_149 = arith.cmpi eq, %iota3A_2, %eq3A_148 : vector<16x1024xi32>
    %broadcast_in_dim3A_150 = vector.shape_cast %broadcast_in_dim3A_141 : vector<1x1024xi32> to vector<1x1024xi32>
    %broadcast_in_dim3A_151 = vector.broadcast %broadcast_in_dim3A_150 : vector<1x1024xi32> to vector<16x1024xi32>
    %select_n3A_152 = arith.select %eq3A_149, %broadcast_in_dim3A_151, %select_n3A_130 : vector<16x1024xi1>, vector<16x1024xi32>
    %reduce_max3A_153 = arith.constant dense<0xFF800000> : vector<1024xf32>
    %reduce_max3A_154 = vector.multi_reduction <maximumf>, %select_n3A_146, %reduce_max3A_153 [0] : vector<800x1024xf32> to vector<1024xf32>
    %broadcast_in_dim3A_155 = vector.shape_cast %reduce_max3A_154 : vector<1024xf32> to vector<1x1024xf32>
    %eq3A_156 = vector.broadcast %broadcast_in_dim3A_155 : vector<1x1024xf32> to vector<800x1024xf32>
    %eq3A_157 = arith.cmpf oeq, %select_n3A_146, %eq3A_156 : vector<800x1024xf32>
    %jit3A_158 = arith.constant 1073741824 : i32
    %broadcast_in_dim3A_159 = vector.broadcast %jit3A_158 : i32 to vector<800x1024xi32>
    %select_n3A_160 = arith.select %eq3A_157, %iota3A, %broadcast_in_dim3A_159 : vector<800x1024xi1>, vector<800x1024xi32>
    %reduce_min3A_161 = arith.constant dense<2147483647> : vector<1024xi32>
    %reduce_min3A_162 = vector.multi_reduction <minsi>, %select_n3A_160, %reduce_min3A_161 [0] : vector<800x1024xi32> to vector<1024xi32>
    %broadcast_in_dim3A_163 = vector.shape_cast %reduce_min3A_162 : vector<1024xi32> to vector<1x1024xi32>
    %eq3A_164 = vector.broadcast %broadcast_in_dim3A_163 : vector<1x1024xi32> to vector<800x1024xi32>
    %eq3A_165 = arith.cmpi eq, %iota3A, %eq3A_164 : vector<800x1024xi32>
    %jit3A_166 = arith.constant -3.000000e+38 : f32
    %broadcast_in_dim3A_167 = vector.broadcast %jit3A_166 : f32 to vector<800x1024xf32>
    %select_n3A_168 = arith.select %eq3A_165, %broadcast_in_dim3A_167, %select_n3A_146 : vector<800x1024xi1>, vector<800x1024xf32>
    %eq3A_169 = arith.constant 7 : i32
    %eq3A_170 = vector.broadcast %eq3A_169 : i32 to vector<16x1024xi32>
    %eq3A_171 = arith.cmpi eq, %iota3A_2, %eq3A_170 : vector<16x1024xi32>
    %broadcast_in_dim3A_172 = vector.shape_cast %broadcast_in_dim3A_163 : vector<1x1024xi32> to vector<1x1024xi32>
    %broadcast_in_dim3A_173 = vector.broadcast %broadcast_in_dim3A_172 : vector<1x1024xi32> to vector<16x1024xi32>
    %select_n3A_174 = arith.select %eq3A_171, %broadcast_in_dim3A_173, %select_n3A_152 : vector<16x1024xi1>, vector<16x1024xi32>
    %reduce_max3A_175 = arith.constant dense<0xFF800000> : vector<1024xf32>
    %reduce_max3A_176 = vector.multi_reduction <maximumf>, %select_n3A_168, %reduce_max3A_175 [0] : vector<800x1024xf32> to vector<1024xf32>
    %broadcast_in_dim3A_177 = vector.shape_cast %reduce_max3A_176 : vector<1024xf32> to vector<1x1024xf32>
    %eq3A_178 = vector.broadcast %broadcast_in_dim3A_177 : vector<1x1024xf32> to vector<800x1024xf32>
    %eq3A_179 = arith.cmpf oeq, %select_n3A_168, %eq3A_178 : vector<800x1024xf32>
    %jit3A_180 = arith.constant 1073741824 : i32
    %broadcast_in_dim3A_181 = vector.broadcast %jit3A_180 : i32 to vector<800x1024xi32>
    %select_n3A_182 = arith.select %eq3A_179, %iota3A, %broadcast_in_dim3A_181 : vector<800x1024xi1>, vector<800x1024xi32>
    %reduce_min3A_183 = arith.constant dense<2147483647> : vector<1024xi32>
    %reduce_min3A_184 = vector.multi_reduction <minsi>, %select_n3A_182, %reduce_min3A_183 [0] : vector<800x1024xi32> to vector<1024xi32>
    %broadcast_in_dim3A_185 = vector.shape_cast %reduce_min3A_184 : vector<1024xi32> to vector<1x1024xi32>
    %eq3A_186 = vector.broadcast %broadcast_in_dim3A_185 : vector<1x1024xi32> to vector<800x1024xi32>
    %eq3A_187 = arith.cmpi eq, %iota3A, %eq3A_186 : vector<800x1024xi32>
    %jit3A_188 = arith.constant -3.000000e+38 : f32
    %broadcast_in_dim3A_189 = vector.broadcast %jit3A_188 : f32 to vector<800x1024xf32>
    %select_n3A_190 = arith.select %eq3A_187, %broadcast_in_dim3A_189, %select_n3A_168 : vector<800x1024xi1>, vector<800x1024xf32>
    %eq3A_191 = arith.constant 8 : i32
    %eq3A_192 = vector.broadcast %eq3A_191 : i32 to vector<16x1024xi32>
    %eq3A_193 = arith.cmpi eq, %iota3A_2, %eq3A_192 : vector<16x1024xi32>
    %broadcast_in_dim3A_194 = vector.shape_cast %broadcast_in_dim3A_185 : vector<1x1024xi32> to vector<1x1024xi32>
    %broadcast_in_dim3A_195 = vector.broadcast %broadcast_in_dim3A_194 : vector<1x1024xi32> to vector<16x1024xi32>
    %select_n3A_196 = arith.select %eq3A_193, %broadcast_in_dim3A_195, %select_n3A_174 : vector<16x1024xi1>, vector<16x1024xi32>
    %reduce_max3A_197 = arith.constant dense<0xFF800000> : vector<1024xf32>
    %reduce_max3A_198 = vector.multi_reduction <maximumf>, %select_n3A_190, %reduce_max3A_197 [0] : vector<800x1024xf32> to vector<1024xf32>
    %broadcast_in_dim3A_199 = vector.shape_cast %reduce_max3A_198 : vector<1024xf32> to vector<1x1024xf32>
    %eq3A_200 = vector.broadcast %broadcast_in_dim3A_199 : vector<1x1024xf32> to vector<800x1024xf32>
    %eq3A_201 = arith.cmpf oeq, %select_n3A_190, %eq3A_200 : vector<800x1024xf32>
    %jit3A_202 = arith.constant 1073741824 : i32
    %broadcast_in_dim3A_203 = vector.broadcast %jit3A_202 : i32 to vector<800x1024xi32>
    %select_n3A_204 = arith.select %eq3A_201, %iota3A, %broadcast_in_dim3A_203 : vector<800x1024xi1>, vector<800x1024xi32>
    %reduce_min3A_205 = arith.constant dense<2147483647> : vector<1024xi32>
    %reduce_min3A_206 = vector.multi_reduction <minsi>, %select_n3A_204, %reduce_min3A_205 [0] : vector<800x1024xi32> to vector<1024xi32>
    %broadcast_in_dim3A_207 = vector.shape_cast %reduce_min3A_206 : vector<1024xi32> to vector<1x1024xi32>
    %eq3A_208 = vector.broadcast %broadcast_in_dim3A_207 : vector<1x1024xi32> to vector<800x1024xi32>
    %eq3A_209 = arith.cmpi eq, %iota3A, %eq3A_208 : vector<800x1024xi32>
    %jit3A_210 = arith.constant -3.000000e+38 : f32
    %broadcast_in_dim3A_211 = vector.broadcast %jit3A_210 : f32 to vector<800x1024xf32>
    %select_n3A_212 = arith.select %eq3A_209, %broadcast_in_dim3A_211, %select_n3A_190 : vector<800x1024xi1>, vector<800x1024xf32>
    %eq3A_213 = arith.constant 9 : i32
    %eq3A_214 = vector.broadcast %eq3A_213 : i32 to vector<16x1024xi32>
    %eq3A_215 = arith.cmpi eq, %iota3A_2, %eq3A_214 : vector<16x1024xi32>
    %broadcast_in_dim3A_216 = vector.shape_cast %broadcast_in_dim3A_207 : vector<1x1024xi32> to vector<1x1024xi32>
    %broadcast_in_dim3A_217 = vector.broadcast %broadcast_in_dim3A_216 : vector<1x1024xi32> to vector<16x1024xi32>
    %select_n3A_218 = arith.select %eq3A_215, %broadcast_in_dim3A_217, %select_n3A_196 : vector<16x1024xi1>, vector<16x1024xi32>
    %reduce_max3A_219 = arith.constant dense<0xFF800000> : vector<1024xf32>
    %reduce_max3A_220 = vector.multi_reduction <maximumf>, %select_n3A_212, %reduce_max3A_219 [0] : vector<800x1024xf32> to vector<1024xf32>
    %broadcast_in_dim3A_221 = vector.shape_cast %reduce_max3A_220 : vector<1024xf32> to vector<1x1024xf32>
    %eq3A_222 = vector.broadcast %broadcast_in_dim3A_221 : vector<1x1024xf32> to vector<800x1024xf32>
    %eq3A_223 = arith.cmpf oeq, %select_n3A_212, %eq3A_222 : vector<800x1024xf32>
    %jit3A_224 = arith.constant 1073741824 : i32
    %broadcast_in_dim3A_225 = vector.broadcast %jit3A_224 : i32 to vector<800x1024xi32>
    %select_n3A_226 = arith.select %eq3A_223, %iota3A, %broadcast_in_dim3A_225 : vector<800x1024xi1>, vector<800x1024xi32>
    %reduce_min3A_227 = arith.constant dense<2147483647> : vector<1024xi32>
    %reduce_min3A_228 = vector.multi_reduction <minsi>, %select_n3A_226, %reduce_min3A_227 [0] : vector<800x1024xi32> to vector<1024xi32>
    %broadcast_in_dim3A_229 = vector.shape_cast %reduce_min3A_228 : vector<1024xi32> to vector<1x1024xi32>
    %eq3A_230 = vector.broadcast %broadcast_in_dim3A_229 : vector<1x1024xi32> to vector<800x1024xi32>
    %eq3A_231 = arith.cmpi eq, %iota3A, %eq3A_230 : vector<800x1024xi32>
    %jit3A_232 = arith.constant -3.000000e+38 : f32
    %broadcast_in_dim3A_233 = vector.broadcast %jit3A_232 : f32 to vector<800x1024xf32>
    %select_n3A_234 = arith.select %eq3A_231, %broadcast_in_dim3A_233, %select_n3A_212 : vector<800x1024xi1>, vector<800x1024xf32>
    %eq3A_235 = arith.constant 10 : i32
    %eq3A_236 = vector.broadcast %eq3A_235 : i32 to vector<16x1024xi32>
    %eq3A_237 = arith.cmpi eq, %iota3A_2, %eq3A_236 : vector<16x1024xi32>
    %broadcast_in_dim3A_238 = vector.shape_cast %broadcast_in_dim3A_229 : vector<1x1024xi32> to vector<1x1024xi32>
    %broadcast_in_dim3A_239 = vector.broadcast %broadcast_in_dim3A_238 : vector<1x1024xi32> to vector<16x1024xi32>
    %select_n3A_240 = arith.select %eq3A_237, %broadcast_in_dim3A_239, %select_n3A_218 : vector<16x1024xi1>, vector<16x1024xi32>
    %reduce_max3A_241 = arith.constant dense<0xFF800000> : vector<1024xf32>
    %reduce_max3A_242 = vector.multi_reduction <maximumf>, %select_n3A_234, %reduce_max3A_241 [0] : vector<800x1024xf32> to vector<1024xf32>
    %broadcast_in_dim3A_243 = vector.shape_cast %reduce_max3A_242 : vector<1024xf32> to vector<1x1024xf32>
    %eq3A_244 = vector.broadcast %broadcast_in_dim3A_243 : vector<1x1024xf32> to vector<800x1024xf32>
    %eq3A_245 = arith.cmpf oeq, %select_n3A_234, %eq3A_244 : vector<800x1024xf32>
    %jit3A_246 = arith.constant 1073741824 : i32
    %broadcast_in_dim3A_247 = vector.broadcast %jit3A_246 : i32 to vector<800x1024xi32>
    %select_n3A_248 = arith.select %eq3A_245, %iota3A, %broadcast_in_dim3A_247 : vector<800x1024xi1>, vector<800x1024xi32>
    %reduce_min3A_249 = arith.constant dense<2147483647> : vector<1024xi32>
    %reduce_min3A_250 = vector.multi_reduction <minsi>, %select_n3A_248, %reduce_min3A_249 [0] : vector<800x1024xi32> to vector<1024xi32>
    %broadcast_in_dim3A_251 = vector.shape_cast %reduce_min3A_250 : vector<1024xi32> to vector<1x1024xi32>
    %eq3A_252 = vector.broadcast %broadcast_in_dim3A_251 : vector<1x1024xi32> to vector<800x1024xi32>
    %eq3A_253 = arith.cmpi eq, %iota3A, %eq3A_252 : vector<800x1024xi32>
    %jit3A_254 = arith.constant -3.000000e+38 : f32
    %broadcast_in_dim3A_255 = vector.broadcast %jit3A_254 : f32 to vector<800x1024xf32>
    %select_n3A_256 = arith.select %eq3A_253, %broadcast_in_dim3A_255, %select_n3A_234 : vector<800x1024xi1>, vector<800x1024xf32>
    %eq3A_257 = arith.constant 11 : i32
    %eq3A_258 = vector.broadcast %eq3A_257 : i32 to vector<16x1024xi32>
    %eq3A_259 = arith.cmpi eq, %iota3A_2, %eq3A_258 : vector<16x1024xi32>
    %broadcast_in_dim3A_260 = vector.shape_cast %broadcast_in_dim3A_251 : vector<1x1024xi32> to vector<1x1024xi32>
    %broadcast_in_dim3A_261 = vector.broadcast %broadcast_in_dim3A_260 : vector<1x1024xi32> to vector<16x1024xi32>
    %select_n3A_262 = arith.select %eq3A_259, %broadcast_in_dim3A_261, %select_n3A_240 : vector<16x1024xi1>, vector<16x1024xi32>
    %reduce_max3A_263 = arith.constant dense<0xFF800000> : vector<1024xf32>
    %reduce_max3A_264 = vector.multi_reduction <maximumf>, %select_n3A_256, %reduce_max3A_263 [0] : vector<800x1024xf32> to vector<1024xf32>
    %broadcast_in_dim3A_265 = vector.shape_cast %reduce_max3A_264 : vector<1024xf32> to vector<1x1024xf32>
    %eq3A_266 = vector.broadcast %broadcast_in_dim3A_265 : vector<1x1024xf32> to vector<800x1024xf32>
    %eq3A_267 = arith.cmpf oeq, %select_n3A_256, %eq3A_266 : vector<800x1024xf32>
    %jit3A_268 = arith.constant 1073741824 : i32
    %broadcast_in_dim3A_269 = vector.broadcast %jit3A_268 : i32 to vector<800x1024xi32>
    %select_n3A_270 = arith.select %eq3A_267, %iota3A, %broadcast_in_dim3A_269 : vector<800x1024xi1>, vector<800x1024xi32>
    %reduce_min3A_271 = arith.constant dense<2147483647> : vector<1024xi32>
    %reduce_min3A_272 = vector.multi_reduction <minsi>, %select_n3A_270, %reduce_min3A_271 [0] : vector<800x1024xi32> to vector<1024xi32>
    %broadcast_in_dim3A_273 = vector.shape_cast %reduce_min3A_272 : vector<1024xi32> to vector<1x1024xi32>
    %eq3A_274 = vector.broadcast %broadcast_in_dim3A_273 : vector<1x1024xi32> to vector<800x1024xi32>
    %eq3A_275 = arith.cmpi eq, %iota3A, %eq3A_274 : vector<800x1024xi32>
    %jit3A_276 = arith.constant -3.000000e+38 : f32
    %broadcast_in_dim3A_277 = vector.broadcast %jit3A_276 : f32 to vector<800x1024xf32>
    %select_n3A_278 = arith.select %eq3A_275, %broadcast_in_dim3A_277, %select_n3A_256 : vector<800x1024xi1>, vector<800x1024xf32>
    %eq3A_279 = arith.constant 12 : i32
    %eq3A_280 = vector.broadcast %eq3A_279 : i32 to vector<16x1024xi32>
    %eq3A_281 = arith.cmpi eq, %iota3A_2, %eq3A_280 : vector<16x1024xi32>
    %broadcast_in_dim3A_282 = vector.shape_cast %broadcast_in_dim3A_273 : vector<1x1024xi32> to vector<1x1024xi32>
    %broadcast_in_dim3A_283 = vector.broadcast %broadcast_in_dim3A_282 : vector<1x1024xi32> to vector<16x1024xi32>
    %select_n3A_284 = arith.select %eq3A_281, %broadcast_in_dim3A_283, %select_n3A_262 : vector<16x1024xi1>, vector<16x1024xi32>
    %reduce_max3A_285 = arith.constant dense<0xFF800000> : vector<1024xf32>
    %reduce_max3A_286 = vector.multi_reduction <maximumf>, %select_n3A_278, %reduce_max3A_285 [0] : vector<800x1024xf32> to vector<1024xf32>
    %broadcast_in_dim3A_287 = vector.shape_cast %reduce_max3A_286 : vector<1024xf32> to vector<1x1024xf32>
    %eq3A_288 = vector.broadcast %broadcast_in_dim3A_287 : vector<1x1024xf32> to vector<800x1024xf32>
    %eq3A_289 = arith.cmpf oeq, %select_n3A_278, %eq3A_288 : vector<800x1024xf32>
    %jit3A_290 = arith.constant 1073741824 : i32
    %broadcast_in_dim3A_291 = vector.broadcast %jit3A_290 : i32 to vector<800x1024xi32>
    %select_n3A_292 = arith.select %eq3A_289, %iota3A, %broadcast_in_dim3A_291 : vector<800x1024xi1>, vector<800x1024xi32>
    %reduce_min3A_293 = arith.constant dense<2147483647> : vector<1024xi32>
    %reduce_min3A_294 = vector.multi_reduction <minsi>, %select_n3A_292, %reduce_min3A_293 [0] : vector<800x1024xi32> to vector<1024xi32>
    %broadcast_in_dim3A_295 = vector.shape_cast %reduce_min3A_294 : vector<1024xi32> to vector<1x1024xi32>
    %eq3A_296 = vector.broadcast %broadcast_in_dim3A_295 : vector<1x1024xi32> to vector<800x1024xi32>
    %eq3A_297 = arith.cmpi eq, %iota3A, %eq3A_296 : vector<800x1024xi32>
    %jit3A_298 = arith.constant -3.000000e+38 : f32
    %broadcast_in_dim3A_299 = vector.broadcast %jit3A_298 : f32 to vector<800x1024xf32>
    %select_n3A_300 = arith.select %eq3A_297, %broadcast_in_dim3A_299, %select_n3A_278 : vector<800x1024xi1>, vector<800x1024xf32>
    %eq3A_301 = arith.constant 13 : i32
    %eq3A_302 = vector.broadcast %eq3A_301 : i32 to vector<16x1024xi32>
    %eq3A_303 = arith.cmpi eq, %iota3A_2, %eq3A_302 : vector<16x1024xi32>
    %broadcast_in_dim3A_304 = vector.shape_cast %broadcast_in_dim3A_295 : vector<1x1024xi32> to vector<1x1024xi32>
    %broadcast_in_dim3A_305 = vector.broadcast %broadcast_in_dim3A_304 : vector<1x1024xi32> to vector<16x1024xi32>
    %select_n3A_306 = arith.select %eq3A_303, %broadcast_in_dim3A_305, %select_n3A_284 : vector<16x1024xi1>, vector<16x1024xi32>
    %reduce_max3A_307 = arith.constant dense<0xFF800000> : vector<1024xf32>
    %reduce_max3A_308 = vector.multi_reduction <maximumf>, %select_n3A_300, %reduce_max3A_307 [0] : vector<800x1024xf32> to vector<1024xf32>
    %broadcast_in_dim3A_309 = vector.shape_cast %reduce_max3A_308 : vector<1024xf32> to vector<1x1024xf32>
    %eq3A_310 = vector.broadcast %broadcast_in_dim3A_309 : vector<1x1024xf32> to vector<800x1024xf32>
    %eq3A_311 = arith.cmpf oeq, %select_n3A_300, %eq3A_310 : vector<800x1024xf32>
    %jit3A_312 = arith.constant 1073741824 : i32
    %broadcast_in_dim3A_313 = vector.broadcast %jit3A_312 : i32 to vector<800x1024xi32>
    %select_n3A_314 = arith.select %eq3A_311, %iota3A, %broadcast_in_dim3A_313 : vector<800x1024xi1>, vector<800x1024xi32>
    %reduce_min3A_315 = arith.constant dense<2147483647> : vector<1024xi32>
    %reduce_min3A_316 = vector.multi_reduction <minsi>, %select_n3A_314, %reduce_min3A_315 [0] : vector<800x1024xi32> to vector<1024xi32>
    %broadcast_in_dim3A_317 = vector.shape_cast %reduce_min3A_316 : vector<1024xi32> to vector<1x1024xi32>
    %eq3A_318 = vector.broadcast %broadcast_in_dim3A_317 : vector<1x1024xi32> to vector<800x1024xi32>
    %eq3A_319 = arith.cmpi eq, %iota3A, %eq3A_318 : vector<800x1024xi32>
    %jit3A_320 = arith.constant -3.000000e+38 : f32
    %broadcast_in_dim3A_321 = vector.broadcast %jit3A_320 : f32 to vector<800x1024xf32>
    %select_n3A_322 = arith.select %eq3A_319, %broadcast_in_dim3A_321, %select_n3A_300 : vector<800x1024xi1>, vector<800x1024xf32>
    %eq3A_323 = arith.constant 14 : i32
    %eq3A_324 = vector.broadcast %eq3A_323 : i32 to vector<16x1024xi32>
    %eq3A_325 = arith.cmpi eq, %iota3A_2, %eq3A_324 : vector<16x1024xi32>
    %broadcast_in_dim3A_326 = vector.shape_cast %broadcast_in_dim3A_317 : vector<1x1024xi32> to vector<1x1024xi32>
    %broadcast_in_dim3A_327 = vector.broadcast %broadcast_in_dim3A_326 : vector<1x1024xi32> to vector<16x1024xi32>
    %select_n3A_328 = arith.select %eq3A_325, %broadcast_in_dim3A_327, %select_n3A_306 : vector<16x1024xi1>, vector<16x1024xi32>
    %reduce_max3A_329 = arith.constant dense<0xFF800000> : vector<1024xf32>
    %reduce_max3A_330 = vector.multi_reduction <maximumf>, %select_n3A_322, %reduce_max3A_329 [0] : vector<800x1024xf32> to vector<1024xf32>
    %broadcast_in_dim3A_331 = vector.shape_cast %reduce_max3A_330 : vector<1024xf32> to vector<1x1024xf32>
    %eq3A_332 = vector.broadcast %broadcast_in_dim3A_331 : vector<1x1024xf32> to vector<800x1024xf32>
    %eq3A_333 = arith.cmpf oeq, %select_n3A_322, %eq3A_332 : vector<800x1024xf32>
    %jit3A_334 = arith.constant 1073741824 : i32
    %broadcast_in_dim3A_335 = vector.broadcast %jit3A_334 : i32 to vector<800x1024xi32>
    %select_n3A_336 = arith.select %eq3A_333, %iota3A, %broadcast_in_dim3A_335 : vector<800x1024xi1>, vector<800x1024xi32>
    %reduce_min3A_337 = arith.constant dense<2147483647> : vector<1024xi32>
    %reduce_min3A_338 = vector.multi_reduction <minsi>, %select_n3A_336, %reduce_min3A_337 [0] : vector<800x1024xi32> to vector<1024xi32>
    %broadcast_in_dim3A_339 = vector.shape_cast %reduce_min3A_338 : vector<1024xi32> to vector<1x1024xi32>
    %eq3A_340 = arith.constant 15 : i32
    %eq3A_341 = vector.broadcast %eq3A_340 : i32 to vector<16x1024xi32>
    %eq3A_342 = arith.cmpi eq, %iota3A_2, %eq3A_341 : vector<16x1024xi32>
    %broadcast_in_dim3A_343 = vector.shape_cast %broadcast_in_dim3A_339 : vector<1x1024xi32> to vector<1x1024xi32>
    %broadcast_in_dim3A_344 = vector.broadcast %broadcast_in_dim3A_343 : vector<1x1024xi32> to vector<16x1024xi32>
    %select_n3A_345 = arith.select %eq3A_342, %broadcast_in_dim3A_344, %select_n3A_328 : vector<16x1024xi1>, vector<16x1024xi32>
    %swap3A = arith.constant 0 : index
    %swap3A_346 = arith.constant 0 : index
    %swap3A_347 = vector.load %arg1[%swap3A, %swap3A_346] : memref<16x1024xi32, #tpu.memory_space<vmem>>, vector<16x1024xi32>
    tpu.vector_store %arg1[%swap3A, %swap3A_346], %select_n3A_345 {strides = array<i32>} : memref<16x1024xi32, #tpu.memory_space<vmem>>, vector<16x1024xi32>,
    return
  }
}

</mosaic_0001>

<sc_bundles>
// kernel: kernel.5.cloned.1.call-start
scs
__scs_entry_jumppad:
0x0: {  	(pc) =	sbr.rel $0x88, $3  }
0x1: {  	(tag) =	ssettag $0x0;
	lr =	simm.s32 $0x1  }
0x2: {  	[smem:$0x3F9E] =	sst lr;
	_ =	strace $0xD0000000  }
0x3: {  	_ = 	snop  }
0x4: {  	_ = 	snop  }
0x5: {  	_ = 	snop  }
0x6: {  	_ = 	snop  }
0x7: {  	_ = 	snop  }
__scs_overlays_trampoline_lowered:
0x8: {  	[smem:$0x3FAD] =	sst s0  }
0x9: {  	[smem:$0x3FAE] =	sst s1  }
0xa: {  	[smem:$0x3FAF] =	sst s2  }
0xb: {  	[smem:$0x3FB0] =	sst s3  }
0xc: {  	[smem:$0x3FB1] =	sst s4  }
0xd: {  	[smem:$0x3FB2] =	sst s5  }
0xe: {  	[smem:$0x3FB3] =	sst s6  }
0xf: {  	[smem:$0x3FB4] =	sst s7  }
0x10: {  	[smem:$0x3FB5] =	sst s8  }
0x11: {  	[smem:$0x3FB6] =	sst s9;
	s0 =	simm.s32 @!p0 $0x0  }
0x12: {  	s1 =	sld [smem:$0x3F9C];
	s0 =	simm.s32 @p0 $0x1  }
0x13: {  	[smem:$0x3FB7] =	sst s0;
	s0 =	simm.s32 @!p1 $0x0  }
0x14: {  	s2 =	sld [smem:$0x3F9B];
	s0 =	simm.s32 @p1 $0x1  }
0x15: {  	[smem:$0x3FB8] =	sst s0;
	s0 =	simm.s32 @!p2 $0x0  }
0x16: {  	s3 =	sld [smem:$0x3FDB];
	s0 =	simm.s32 @p2 $0x1  }
0x17: {  	s4 =	simm.s32 $0x1BF5;
	[smem:$0x3FBA] =	sst s0  }
0x18: {  	s0 =	sld [smem:$0x3F9D];
	_ =	swait.ge [sflag:s4], $0x0  }
0x19: {  	s7 =	sld [smem:$0x3F9E]  }
0x1a: {  	s8 =	sadd.s32 $0xFFFFE003, lr  }
0x1b: {  	s9 =	sadd.s32 $0xFFFFFEF7, lr;
	s5 =	simm.s32 $0xFFFFFFFF;
	p2 =	slt.u32 s8, $0xFFFFF086  }
0x1c: {  	p1 =	slt.u32 s9, $0xF7A;
	s5 =	simm.s32 @!p2 $0x0  }
0x1d: {  	s5 =	simm.s32 @p1 $0x1;
	p0 =	seq.s32 s7, s2  }
0x1e: {  	s7 =	smul.u32 @!p0 $0xF7A, s2;
	p2 =	seq.s32 @!p0 s5, $0x0  }
0x1f: {  	s9 =	smul.u32 $0xF7A, s1;
	s8 =	simm.s32 @!p0 $0x1BF5;
	p2 =	por !p2, p0  }
0x20: {  	[sflag:s8] =	ssyncset.s32 @!p0 $0xFFFFF086;
	s6 =	sadd.s32 @!p0 s3, s7;
	s7 =	simm.s32 @!p0 $0x108  }
0x21: {  	s3 =	sadd.s32 s3, s9;
	s6 =	sadd.s32 @!p0 $0x88, s6;
	s7 =	simm.s32 @p2 $0x1082  }
0x22: {  	[simem:s7], [sflag:s8] =	dma.local @!p0 [hbm:s6], $0xF7A  }
0x23: {  	s9 =	sor.u32 $0xD0000000, s2;
	s6 =	simm.s32 $0x108;
	_ =	swait.ge @!p0 [sflag:s8], $0x0  }
0x24: {  	s3 =	sadd.s32 $0x88, s3;
	s6 =	simm.s32 @!p1 $0x1082;
	[sflag:s4] =	ssyncset.s32 $0xFFFFF086  }
0x25: {  	[simem:s6], [sflag:s4] =	dma.local [hbm:s3], $0xF7A  }
0x26: {  	[smem:$0x3F9E] =	sst s1;
	(tag) =	ssettag s2;
	_ =	strace s9  }
0x27: {  	s1 =	sld [smem:$0x3FAE]  }
0x28: {  	s2 =	sld [smem:$0x3FAF]  }
0x29: {  	s4 =	sld [smem:$0x3FB1]  }
0x2a: {  	p0 =	seq.s32 s5, $0x0;
	s5 =	sld [smem:$0x3FB2]  }
0x2b: {  	s6 =	sld [smem:$0x3FB3]  }
0x2c: {  	s7 =	sld [smem:$0x3FB4]  }
0x2d: {  	s3 =	simm.s32 $0x108;
	s8 =	sld [smem:$0x3FB5]  }
0x2e: {  	s3 =	simm.s32 @!p0 $0x1082;
	s9 =	sld [smem:$0x3FB6]  }
0x2f: {  	lr =	sadd.s32 s0, s3;
	s0 =	sld [smem:$0x3FAD]  }
0x30: {  	s3 =	sld [smem:$0x3FB0]  }
0x31: {  	[smem:$0x3FB9] =	sst s10  }
0x32: {  	s10 =	sld [smem:$0x3FB7];
	_ =	sdelay $0x3  }
0x33: {  	p0 =	seq.s32 s10, $0x1;
	s10 =	sld [smem:$0x3FB9];
	_ =	sdelay $0x3  }
0x34: {  	[smem:$0x3FB9] =	sst s10  }
0x35: {  	s10 =	sld [smem:$0x3FB8];
	_ =	sdelay $0x3  }
0x36: {  	p1 =	seq.s32 s10, $0x1;
	s10 =	sld [smem:$0x3FB9];
	_ =	sdelay $0x3  }
0x37: {  	[smem:$0x3FB9] =	sst s10  }
0x38: {  	s10 =	sld [smem:$0x3FBA]  }
0x39: {  	_ = 	snop;
	(pc) =	sbr.ind lr, $3  }
0x3a: {  	_ = 	snop  }
0x3b: {  	_ = 	snop  }
0x3c: {  	p2 =	seq.s32 s10, $0x1;
	s10 =	sld [smem:$0x3FB9]  }
0x3d: {  	_ =	shalt  }
0x3e: {  	_ =	shalt  }
0x3f: {  	_ =	shalt  }
0x40: {  	_ =	shalt  }
0x41: {  	_ =	shalt  }
0x42: {  	_ =	shalt  }
0x43: {  	_ =	shalt  }
0x44: {  	_ =	shalt  }
0x45: {  	_ =	shalt  }
0x46: {  	_ =	shalt  }
0x47: {  	_ =	shalt  }
0x48: {  	_ =	shalt  }
0x49: {  	_ =	shalt  }
0x4a: {  	_ =	shalt  }
0x4b: {  	_ =	shalt  }
0x4c: {  	_ =	shalt  }
0x4d: {  	_ =	shalt  }
0x4e: {  	_ =	shalt  }
0x4f: {  	_ =	shalt  }
0x50: {  	_ =	shalt  }
0x51: {  	_ =	shalt  }
0x52: {  	_ =	shalt  }
0x53: {  	_ =	shalt  }
0x54: {  	_ =	shalt  }
0x55: {  	_ =	shalt  }
0x56: {  	_ =	shalt  }
0x57: {  	_ =	shalt  }
0x58: {  	_ =	shalt  }
0x59: {  	_ =	shalt  }
0x5a: {  	_ =	shalt  }
0x5b: {  	_ =	shalt  }
0x5c: {  	_ =	shalt  }
0x5d: {  	_ =	shalt  }
0x5e: {  	_ =	shalt  }
0x5f: {  	_ =	shalt  }
0x60: {  	_ =	shalt  }
0x61: {  	_ =	shalt  }
0x62: {  	_ =	shalt  }
0x63: {  	_ =	shalt  }
0x64: {  	_ =	shalt  }
0x65: {  	_ =	shalt  }
0x66: {  	_ =	shalt  }
0x67: {  	_ =	shalt  }
0x68: {  	_ =	shalt  }
0x69: {  	_ =	shalt  }
0x6a: {  	_ =	shalt  }
0x6b: {  	_ =	shalt  }
0x6c: {  	_ =	shalt  }
0x6d: {  	_ =	shalt  }
0x6e: {  	_ =	shalt  }
0x6f: {  	_ =	shalt  }
0x70: {  	_ =	shalt  }
0x71: {  	_ =	shalt  }
0x72: {  	_ =	shalt  }
0x73: {  	_ =	shalt  }
0x74: {  	_ =	shalt  }
0x75: {  	_ =	shalt  }
0x76: {  	_ =	shalt  }
0x77: {  	_ =	shalt  }
0x78: {  	_ =	shalt  }
0x79: {  	_ =	shalt  }
0x7a: {  	_ =	shalt  }
0x7b: {  	_ =	shalt  }
0x7c: {  	_ =	shalt  }
0x7d: {  	_ =	shalt  }
0x7e: {  	_ =	shalt  }
0x7f: {  	_ =	shalt  }
0x80: {  	_ =	shalt  }
0x81: {  	_ =	shalt  }
0x82: {  	_ =	shalt  }
0x83: {  	_ =	shalt  }
0x84: {  	_ =	shalt  }
0x85: {  	_ =	shalt  }
0x86: {  	_ =	shalt  }
0x87: {  	_ =	shalt  }
.Lfunc_end0:
.L_simem_size_0:
called_computation_lowered:
.L_overlay_start_0:
0x88: {  	s2 =	sld [smem:$0x3FD9]  }
0x89: {  	s3 =	sld [smem:$0x3FFE];
	_ =	sdelay $0x1  }
0x8a: {  	s1 =	srdreg.scid  }
0x8b: {  	s0 =	sand.u32 $0x1, s1  }
0x8c: {  	s17 =	sshll.u32 s0, $0xA;
	s2 =	sadd.s32 s3, s2  }
0x8d: {  	s2 =	sadd.s32 s2, s17  }
0x8e: {  	[smem:$0x3FC5] =	sst s2  }
0x8f: {  	_ = 	snop  }
0x90: {  	s2 =	sld [smem:$0x3FD0];
	(tm) =	ssettm $0x1  }
0x91: {  	s18 =	sld [smem:$0x3FFB];
	_ =	sdelay $0x3  }
0x92: {  	_ =	strace s18  }
0x93: {  	s3 =	sld [smem:$0x3FFC];
	_ =	sdelay $0x3  }
0x94: {  	_ =	strace s3  }
0x95: {  	s3 =	sld [smem:$0x3FFD];
	_ =	sdelay $0x3  }
0x96: {  	_ =	strace s3  }
0x97: {  	_ =	strace $0x8FFFFFFF  }
0x98: {  	s19 =	sld [smem:$0x3FDB];
	_ =	sdelay $0x1  }
0x99: {  	s4 =	simm.s32 $_scs_section_size  }
0x9a: {  	s5 =	simm.s32 $_size__tile_overlayer_lowered;
	s6 =	simm.s32 $_tile_overlayer_lowered  }
0x9b: {  	s22 =	simm.s32 $0x1BFF;
	s21 =	sshll.u32 s6, $0x1;
	s3 =	sadd.s32 s4, s19  }
0x9c: {  	s7 =	simm.s32 $0x0;
	s20 =	sshll.u32 s5, $0x1;
	s5 =	sadd.s32 s21, s3  }
0x9d: {  	[timem:s7], [sflag:s22] =	dma.local [hbm:s5], s20  }
0x9e: {  	_ =	swait.ge [sflag:s22], s20  }
0x9f: {  	s4 =	ssub.s32 $0x0, s20;
	[sflag:s22] =	ssyncset.done $0x0  }
0xa0: {  	[sflag:s22] =	ssyncadd.s32 s4;
	_ =	sdelay $0x1  }
0xa1: {  	s23 =	simm.s32 $0x1B8B  }
0xa2: {  	_ =	swait.ge [sflag:s23], $0x1  }
0xa3: {  	[sflag:s23] =	ssyncset.done $0x0  }
0xa4: {  	s25 =	simm.s32 $0x1B8E;
	s24 =	sld [smem:$0x3FFE];
	[sflag:s23] =	ssyncadd.s32 $0xFFFFFFFF  }
0xa5: {  	s26 =	simm.s32 $execute0_lowered;
	[smem:$0x3FD2] =	sst s25  }
0xa6: {  	s5 =	sshll.u32 s26, $0x1;
	_ =	strace $0x80000046;
	[dreg:$0x1] =	wrdreg $0xFFFFFFFF  }
0xa7: {  	s28 =	simm.s32 $_size_execute0_lowered;
	s3 =	sadd.s32 s3, s5;
	[dreg:$0x0] =	wrdreg $0x0  }
0xa8: {  	s5 =	sshll.u32 s28, $0x1;
	[dreg:$0x2] =	wrdreg s3  }
0xa9: {  	[dreg:$0x3] =	wrdreg s5  }
0xaa: {  	[dreg:$0x4] =	wrdreg $0xC0  }
0xab: {  	_ =	task [dreg:s7], $0x5FFFF  }
0xac: {  	[dreg:$0x1] =	wrdreg $0xFFFFFFFF  }
0xad: {  	[dreg:$0x0] =	wrdreg $0x60  }
0xae: {  	[dreg:$0x2] =	wrdreg s24  }
0xaf: {  	[dreg:$0x3] =	wrdreg s2  }
0xb0: {  	[dreg:$0x4] =	wrdreg $0x9  }
0xb1: {  	_ =	task.clear_ibuf [dreg:s7], $0x5FFFF;
	_ =	strace $0x90000046  }
0xb2: {  	s29 =	simm.s32 $0x9;
	_ =	strace $0x80000048  }
0xb3: {  	_ =	swait.ge [sflag:s29], $0x1  }
0xb4: {  	[sflag:s29] =	ssyncadd.s32 $0xFFFFFFFF  }
0xb5: {  	_ =	strace $0x90000048  }
0xb6: {  	_ =	sfence  }
0xb7: {  	s30 =	sld [smem:$0x0];
	_ =	sdelay $0x2  }
0xb8: {  	s31 =	sshll.u32 s1, $0xD;
	s1 =	sshrl.u32 s1, $0x2  }
0xb9: {  	s3 =	sand.u32 $0x4000, s31;
	s1 =	sadd.s32 s1, s30  }
0xba: {  	s0 =	sor.u32 s3, s0;
	s1 =	sshll.u32 s1, $0x11  }
0xbb: {  	s0 =	sor.u32 s1, s0  }
0xbc: {  	s0 =	sadd.s32 $0x8F2B, s0  }
0xbd: {  	[sflag:s0] =	ssyncadd.remote.s32 $0x1  }
0xbe: {  	_ =	sfence.sel $0xFFFF  }
0xbf: {  	[dreg:$0x0] =	wrdreg $0xFFFFFFFF;
	(pc) =	sbr.abs _section_cstart, $3  }
0xc0: {  	[dreg:$0x1] =	wrdreg $0xFFFFFFFF  }
0xc1: {  	_ =	task.clear_ibuf [dreg:s7], $0x2FFFF;
	_ =	strace $0x9FFFFFFF  }
0xc2: {  	(tm) =	ssettm $0x7FFFFFFF  }
0xc3: {  	_ =	shalt  }
tec
execute0_lowered:
.L_overlay_start_1:
0x0: {  	(tag) =	ssettag $0x1  }
0x1: {  	v0 =	vimm.s32 $0x2380;
	vm0 =	vcmask $0x300  }
0x2: {  	v0 =	vsel vm0, $0x0, v0;
	vm0 =	vcmask $0x704  }
0x3: {  	v0 =	vsel vm0, $0x80, v0;
	vm0 =	vcmask $0xB08  }
0x4: {  	v0 =	vsel vm0, $0x100, v0;
	vm0 =	vcmask $0xF0C  }
0x5: {  	v0 =	vsel vm0, $0x180, v0;
	vm0 =	vcmask $0x1310  }
0x6: {  	v0 =	vsel vm0, $0x200, v0;
	vm0 =	vcmask $0x1714  }
0x7: {  	s6 =	rddreg [dreg:$0x0];
	v0 =	vsel vm0, $0x280, v0;
	vm0 =	vcmask $0x1B18  }
0x8: {  	s1 =	rddreg [dreg:$0x1];
	v0 =	vsel vm0, $0x300, v0;
	vm0 =	vcmask $0x1F1C  }
0x9: {  	s0 =	rddreg [dreg:$0x2];
	s2 =	simm.s32 $0x0;
	v0 =	vsel vm0, $0x380, v0;
	vm0 =	vcmask $0x2320  }
0xa: {  	s3 =	srdreg.scid;
	s4 =	stileid.u32;
	s10 =	simm.s32 $0x4000;
	v0 =	vsel vm0, $0x2000, v0;
	vm0 =	vcmask $0x2724  }
0xb: {  	s11 =	simm.s32 $0x1;
	s12 =	simm.s32 $0x4800;
	s13 =	simm.s32 $0x5000;
	v0 =	vsel vm0, $0x2080, v0;
	vm0 =	vcmask $0x2B28  }
0xc: {  	s14 =	simm.s32 $0x0;
	[smem:$0x7FF] =	sst s2;
	s7 =	sand.u32 $0x1, s3;
	v0 =	vsel vm0, $0x2100, v0;
	vm0 =	vcmask $0x2F2C  }
0xd: {  	s3 =	sadd.s32 $0x319000, s6;
	s5 =	sadd.s32 $0x2600, s6;
	s8 =	ssub.s32 $0x2, s7;
	v0 =	vsel vm0, $0x2180, v0;
	vm0 =	vcmask $0x3330  }
0xe: {  	s31 =	sshll.u32 s4, $0x6;
	s6 =	sadd.s32 $0x189800, s6;
	s9 =	sshrl.u32 s8, $0x1;
	v0 =	vsel vm0, $0x2200, v0;
	vm0 =	vcmask $0x3734  }
0xf: {  	_ =	strace $0x80000047;
	s7 =	sshll.u32 s7, $0x5;
	s8 =	ssub.s32 s8, s9;
	v0 =	vsel vm0, $0x2280, v0;
	vm0 =	vcmask $0x3B38  }
0x10: {  	v1 =	vlaneseq.u32;
	s7 =	sor.u32 s7, s31;
	s9 =	simm.s32 $0x2;
	s8 =	smax.u32 s8, $0x1;
	v0 =	vsel vm0, $0x2300, v0;
	vm0 =	vmmov $0xffff  }
.LBB2_1:
0x11: {  	[tilespmem:s2], [sflag:$0x2] =	stream.linear.gather [hbm4b:s5+s2], $0x4000, $0x38;
	[tilespmem:$0x5080] =	vst v63  }
0x12: {  	_ =	swait.ge [sflag:s9], $0x4000  }
0x13: {  	[sflag:s9] =	ssyncset.done $0x0  }
0x14: {  	s15 =	simm.s32 $0x0;
	[sflag:s9] =	ssyncadd.s32 $0xFFFFC000  }
.LBB2_2:
0x15: {  	s16 =	sadd.s32 s7, s15  }
0x16: {  	v2 =	vmov s16  }
0x17: {  	v3 =	vshll.u32 v2, $0x3  }
0x18: {  	v2 =	vand.u32 $0x7F, v2;
	v3 =	vand.u32 $0x7FFFFC00, v3  }
0x19: {  	v2 =	vor.u32 v2, v3  }
0x1a: {  	v2 =	vadd.s32 v0, v2;
	_ =	sdelay $0x3  }
0x1b: {  	s17 =	simm.s32 $0x0  }
0x1c: {  	v2 =	vld.idx.msk [tilespmem:v2+s17+$0x0], $0xffff;
	_ =	sdelay $0x2  }
0x1d: {  	s18 =	smul.u32 $0x320, s16;
	_ =	sdelay $0x1  }
0x1e: {  	v3 =	vadd.s32 s18, v2;
	_ =	sdelay $0x4  }
0x1f: {  	[tilespmem:s10], [sflag:$0x1] =	stream.indirect_vreg.gather [hbm4b:s3+s17], $0x80, v3, vm0, $0xb8;
	[tilespmem:$0x5080] =	vst v63  }
0x20: {  	_ =	swait.ge [sflag:s11], $0x800  }
0x21: {  	(v2sf) =	vpush v2, $0x0;
	_ =	sdelay $0xa  }
0x22: {  	[sflag:s11] =	ssyncset.done $0x0  }
0x23: {  	s28 =	simm.s32 $0x0;
	[sflag:s11] =	ssyncadd.s32 $0xFFFFF800  }
0x24: {  	v3 =	vld [tilespmem:s28+$0x4000];
	_ =	sdelay $0x1  }
0x25: {  	s29 =	spop (v2sf)  }
0x26: {  	s17 =	sshll.u32 s29, $0x7  }
0x27: {  	v4 =	vor.u32 s17, v1  }
0x28: {  	(xrf1) =	vsort.ascd.msk.f32 $0xffff, v3, v4;
	_ =	sdelay $0xb  }
0x29: {  	s30 =	simm.s32 $0x10  }
0x2a: {  	v5 =	vld [tilespmem:s30+$0x4000]  }
0x2b: {  	v6, v7, _ =	vpop (xrf1)  }
0x2c: {  	v4 =	vimm.f32 $-3.000000010e+38;
	(v2sf) =	vpush v6, $0xF  }
0x2d: {  	s17 =	sadd.s32 $0x10, s17;
	(v2sf) =	vpush v4, $0xF  }
0x2e: {  	v3 =	vimm.s32 $0x0;
	v8 =	vor.u32 s17, v1;
	vm1 =	vge.f32 v4, v6  }
0x2f: {  	(xrf1) =	vsort.ascd.msk.f32 $0xffff, v5, v8;
	v5 =	vsel vm1, v4, v6;
	v6 =	vsel vm1, v3, v7  }
0x30: {  	(xrf1) =	vsort.dscd.msk.f32 $0xffff, v5, v6;
	_ =	sdelay $0xa  }
0x31: {  	s31 =	spop (v2sf)  }
0x32: {  	s19 =	simm.s32 $0x20;
	s20 =	spop (v2sf)  }
0x33: {  	v7 =	vld [tilespmem:s19+$0x4000];
	v6, v5, _ =	vpop (xrf1);
	p1 =	sgt.f32 s31, s20  }
0x34: {  	s18 =	simm.s32 $0xC0;
	v9, v8, _ =	vpop (xrf1)  }
.LBB2_3:
0x35: {  	p0 =	sne.s32 s18, $0x1C0;
	(v2sf) =	vpush v6, $0xF;
	v4 =	vpsel p1, v9, v4;
	v3 =	vpsel p1, v8, v3  }
0x36: {  	s17 =	sadd.s32 $0x10, s17;
	(v2sf) =	vpush v4, $0xF  }
0x37: {  	v8 =	vor.u32 s17, v1;
	vm1 =	vge.f32 v4, v6  }
0x38: {  	v6 =	vsel vm1, v4, v6;
	v5 =	vsel vm1, v3, v5;
	(xrf1) =	vsort.ascd.msk.f32 $0xffff, v7, v8  }
0x39: {  	(xrf1) =	vsort.dscd.msk.f32 $0xffff, v6, v5;
	_ =	sdelay $0x9  }
.Ltmp0:
0x3a: {  	(pc) =	sbr.rel @p0 .LBB2_3-.Ltmp0, $4  }
0x3b: {  	s19 =	spop (v2sf)  }
0x3c: {  	s20 =	sshra.s32 s18, $0x2;
	s21 =	spop (v2sf)  }
0x3d: {  	v7 =	vld [tilespmem:s20+$0x4000];
	v6, v5, _ =	vpop (xrf1);
	p1 =	sgt.f32 s19, s21  }
0x3e: {  	s18 =	sadd.s32 $0x40, s18;
	v9, v8, _ =	vpop (xrf1)  }
0x3f: {  	(v2sf) =	vpush v6, $0xF;
	v4 =	vpsel p1, v9, v4  }
0x40: {  	s17 =	sadd.s32 $0x10, s17;
	(v2sf) =	vpush v4, $0xF  }
0x41: {  	v3 =	vpsel p1, v8, v3;
	v8 =	vor.u32 s17, v1;
	vm1 =	vge.f32 v4, v6  }
0x42: {  	v6 =	vsel vm1, v4, v6;
	v5 =	vsel vm1, v3, v5;
	(xrf1) =	vsort.ascd.msk.f32 $0xffff, v7, v8  }
0x43: {  	(xrf1) =	vsort.dscd.msk.f32 $0xffff, v6, v5;
	_ =	sdelay $0xa  }
0x44: {  	s24 =	spop (v2sf)  }
0x45: {  	s18 =	spop (v2sf)  }
0x46: {  	v5, v6, _ =	vpop (xrf1);
	p0 =	sgt.f32 s24, s18  }
0x47: {  	v7, v8, _ =	vpop (xrf1)  }
0x48: {  	(v2sf) =	vpush v5, $0xF;
	v4 =	vpsel p0, v7, v4  }
0x49: {  	(v2sf) =	vpush v4, $0xF  }
0x4a: {  	(v2sf) =	vpush v2, $0x1;
	_ =	sdelay $0xb  }
0x4b: {  	s25 =	simm.s32 $0x0  }
0x4c: {  	v7 =	vld [tilespmem:s25+$0x4080];
	s26 =	spop (v2sf)  }
0x4d: {  	s28 =	spop (v2sf)  }
0x4e: {  	v3 =	vpsel p0, v8, v3;
	vm1 =	vge.f32 v4, v5;
	s19 =	spop (v2sf)  }
0x4f: {  	v5 =	vsel vm1, v4, v5;
	v6 =	vsel vm1, v3, v6;
	s19 =	sshll.u32 s19, $0x7  }
0x50: {  	(xrf1) =	vsort.dscd.msk.f32 $0xffff, v5, v6;
	v5 =	vor.u32 s19, v1  }
0x51: {  	(xrf1) =	vsort.ascd.msk.f32 $0xffff, v7, v5;
	_ =	sdelay $0xb  }
0x52: {  	s20 =	simm.s32 $0x10  }
0x53: {  	p6 =	sgt.f32 s26, s28;
	v5 =	vld [tilespmem:s20+$0x4080];
	v6, v7, _ =	vpop (xrf1)  }
0x54: {  	v8, v9, _ =	vpop (xrf1)  }
0x55: {  	v4 =	vpsel p6, v6, v4;
	(v2sf) =	vpush v8, $0xF  }
0x56: {  	s17 =	sadd.s32 $0x10, s19;
	(v2sf) =	vpush v4, $0xF  }
0x57: {  	v3 =	vpsel p6, v7, v3;
	v6 =	vor.u32 s17, v1;
	vm1 =	vge.f32 v4, v8  }
0x58: {  	(xrf1) =	vsort.ascd.msk.f32 $0xffff, v5, v6;
	v5 =	vsel vm1, v4, v8;
	v6 =	vsel vm1, v3, v9  }
0x59: {  	(xrf1) =	vsort.dscd.msk.f32 $0xffff, v5, v6;
	_ =	sdelay $0xa  }
0x5a: {  	s29 =	spop (v2sf)  }
0x5b: {  	s30 =	simm.s32 $0x20;
	s31 =	spop (v2sf)  }
0x5c: {  	v7 =	vld [tilespmem:s30+$0x4080];
	v6, v5, _ =	vpop (xrf1);
	p1 =	sgt.f32 s29, s31  }
0x5d: {  	s18 =	simm.s32 $0xC0;
	v9, v8, _ =	vpop (xrf1)  }
.LBB2_5:
0x5e: {  	p0 =	sne.s32 s18, $0x1C0;
	(v2sf) =	vpush v6, $0xF;
	v4 =	vpsel p1, v9, v4;
	v3 =	vpsel p1, v8, v3  }
0x5f: {  	s17 =	sadd.s32 $0x10, s17;
	(v2sf) =	vpush v4, $0xF  }
0x60: {  	v8 =	vor.u32 s17, v1;
	vm1 =	vge.f32 v4, v6  }
0x61: {  	v6 =	vsel vm1, v4, v6;
	v5 =	vsel vm1, v3, v5;
	(xrf1) =	vsort.ascd.msk.f32 $0xffff, v7, v8  }
0x62: {  	(xrf1) =	vsort.dscd.msk.f32 $0xffff, v6, v5;
	_ =	sdelay $0x9  }
.Ltmp1:
0x63: {  	(pc) =	sbr.rel @p0 .LBB2_5-.Ltmp1, $4  }
0x64: {  	s19 =	spop (v2sf)  }
0x65: {  	s20 =	sshra.s32 s18, $0x2;
	s21 =	spop (v2sf)  }
0x66: {  	v7 =	vld [tilespmem:s20+$0x4080];
	v6, v5, _ =	vpop (xrf1);
	p1 =	sgt.f32 s19, s21  }
0x67: {  	s18 =	sadd.s32 $0x40, s18;
	v9, v8, _ =	vpop (xrf1)  }
0x68: {  	(v2sf) =	vpush v6, $0xF;
	v4 =	vpsel p1, v9, v4  }
0x69: {  	s17 =	sadd.s32 $0x10, s17;
	(v2sf) =	vpush v4, $0xF  }
0x6a: {  	v3 =	vpsel p1, v8, v3;
	v8 =	vor.u32 s17, v1;
	vm1 =	vge.f32 v4, v6  }
0x6b: {  	v6 =	vsel vm1, v4, v6;
	v5 =	vsel vm1, v3, v5;
	(xrf1) =	vsort.ascd.msk.f32 $0xffff, v7, v8  }
0x6c: {  	(xrf1) =	vsort.dscd.msk.f32 $0xffff, v6, v5;
	_ =	sdelay $0xa  }
0x6d: {  	s24 =	spop (v2sf)  }
0x6e: {  	s18 =	spop (v2sf)  }
0x6f: {  	v5, v6, _ =	vpop (xrf1);
	p0 =	sgt.f32 s24, s18  }
0x70: {  	v7, v8, _ =	vpop (xrf1)  }
0x71: {  	(v2sf) =	vpush v5, $0xF;
	v4 =	vpsel p0, v7, v4  }
0x72: {  	(v2sf) =	vpush v4, $0xF  }
0x73: {  	(v2sf) =	vpush v2, $0x2;
	_ =	sdelay $0xb  }
0x74: {  	s25 =	simm.s32 $0x0  }
0x75: {  	v7 =	vld [tilespmem:s25+$0x4100];
	s26 =	spop (v2sf)  }
0x76: {  	s28 =	spop (v2sf)  }
0x77: {  	v3 =	vpsel p0, v8, v3;
	vm1 =	vge.f32 v4, v5;
	s19 =	spop (v2sf)  }
0x78: {  	v5 =	vsel vm1, v4, v5;
	v6 =	vsel vm1, v3, v6;
	s19 =	sshll.u32 s19, $0x7  }
0x79: {  	(xrf1) =	vsort.dscd.msk.f32 $0xffff, v5, v6;
	v5 =	vor.u32 s19, v1  }
0x7a: {  	(xrf1) =	vsort.ascd.msk.f32 $0xffff, v7, v5;
	_ =	sdelay $0xb  }
0x7b: {  	s20 =	simm.s32 $0x10  }
0x7c: {  	p6 =	sgt.f32 s26, s28;
	v5 =	vld [tilespmem:s20+$0x4100];
	v6, v7, _ =	vpop (xrf1)  }
0x7d: {  	v8, v9, _ =	vpop (xrf1)  }
0x7e: {  	v4 =	vpsel p6, v6, v4;
	(v2sf) =	vpush v8, $0xF  }
0x7f: {  	s17 =	sadd.s32 $0x10, s19;
	(v2sf) =	vpush v4, $0xF  }
0x80: {  	v3 =	vpsel p6, v7, v3;
	v6 =	vor.u32 s17, v1;
	vm1 =	vge.f32 v4, v8  }
0x81: {  	(xrf1) =	vsort.ascd.msk.f32 $0xffff, v5, v6;
	v5 =	vsel vm1, v4, v8;
	v6 =	vsel vm1, v3, v9  }
0x82: {  	(xrf1) =	vsort.dscd.msk.f32 $0xffff, v5, v6;
	_ =	sdelay $0xa  }
0x83: {  	s29 =	spop (v2sf)  }
0x84: {  	s30 =	simm.s32 $0x20;
	s31 =	spop (v2sf)  }
0x85: {  	v7 =	vld [tilespmem:s30+$0x4100];
	v6, v5, _ =	vpop (xrf1);
	p1 =	sgt.f32 s29, s31  }
0x86: {  	s18 =	simm.s32 $0xC0;
	v9, v8, _ =	vpop (xrf1)  }
.LBB2_7:
0x87: {  	p0 =	sne.s32 s18, $0x1C0;
	(v2sf) =	vpush v6, $0xF;
	v4 =	vpsel p1, v9, v4;
	v3 =	vpsel p1, v8, v3  }
0x88: {  	s17 =	sadd.s32 $0x10, s17;
	(v2sf) =	vpush v4, $0xF  }
0x89: {  	v8 =	vor.u32 s17, v1;
	vm1 =	vge.f32 v4, v6  }
0x8a: {  	v6 =	vsel vm1, v4, v6;
	v5 =	vsel vm1, v3, v5;
	(xrf1) =	vsort.ascd.msk.f32 $0xffff, v7, v8  }
0x8b: {  	(xrf1) =	vsort.dscd.msk.f32 $0xffff, v6, v5;
	_ =	sdelay $0x9  }
.Ltmp2:
0x8c: {  	(pc) =	sbr.rel @p0 .LBB2_7-.Ltmp2, $4  }
0x8d: {  	s19 =	spop (v2sf)  }
0x8e: {  	s20 =	sshra.s32 s18, $0x2;
	s21 =	spop (v2sf)  }
0x8f: {  	v7 =	vld [tilespmem:s20+$0x4100];
	v6, v5, _ =	vpop (xrf1);
	p1 =	sgt.f32 s19, s21  }
0x90: {  	s18 =	sadd.s32 $0x40, s18;
	v9, v8, _ =	vpop (xrf1)  }
0x91: {  	(v2sf) =	vpush v6, $0xF;
	v4 =	vpsel p1, v9, v4  }
0x92: {  	s17 =	sadd.s32 $0x10, s17;
	(v2sf) =	vpush v4, $0xF  }
0x93: {  	v3 =	vpsel p1, v8, v3;
	v8 =	vor.u32 s17, v1;
	vm1 =	vge.f32 v4, v6  }
0x94: {  	v6 =	vsel vm1, v4, v6;
	v5 =	vsel vm1, v3, v5;
	(xrf1) =	vsort.ascd.msk.f32 $0xffff, v7, v8  }
0x95: {  	(xrf1) =	vsort.dscd.msk.f32 $0xffff, v6, v5;
	_ =	sdelay $0xa  }
0x96: {  	s24 =	spop (v2sf)  }
0x97: {  	s18 =	spop (v2sf)  }
0x98: {  	v5, v6, _ =	vpop (xrf1);
	p0 =	sgt.f32 s24, s18  }
0x99: {  	v7, v8, _ =	vpop (xrf1)  }
0x9a: {  	(v2sf) =	vpush v5, $0xF;
	v4 =	vpsel p0, v7, v4  }
0x9b: {  	(v2sf) =	vpush v4, $0xF  }
0x9c: {  	(v2sf) =	vpush v2, $0x3;
	_ =	sdelay $0xb  }
0x9d: {  	s25 =	simm.s32 $0x0  }
0x9e: {  	v7 =	vld [tilespmem:s25+$0x4180];
	s26 =	spop (v2sf)  }
0x9f: {  	s28 =	spop (v2sf)  }
0xa0: {  	v3 =	vpsel p0, v8, v3;
	vm1 =	vge.f32 v4, v5;
	s19 =	spop (v2sf)  }
0xa1: {  	v5 =	vsel vm1, v4, v5;
	v6 =	vsel vm1, v3, v6;
	s19 =	sshll.u32 s19, $0x7  }
0xa2: {  	(xrf1) =	vsort.dscd.msk.f32 $0xffff, v5, v6;
	v5 =	vor.u32 s19, v1  }
0xa3: {  	(xrf1) =	vsort.ascd.msk.f32 $0xffff, v7, v5;
	_ =	sdelay $0xb  }
0xa4: {  	s20 =	simm.s32 $0x10  }
0xa5: {  	p6 =	sgt.f32 s26, s28;
	v5 =	vld [tilespmem:s20+$0x4180];
	v6, v7, _ =	vpop (xrf1)  }
0xa6: {  	v8, v9, _ =	vpop (xrf1)  }
0xa7: {  	v4 =	vpsel p6, v6, v4;
	(v2sf) =	vpush v8, $0xF  }
0xa8: {  	s17 =	sadd.s32 $0x10, s19;
	(v2sf) =	vpush v4, $0xF  }
0xa9: {  	v3 =	vpsel p6, v7, v3;
	v6 =	vor.u32 s17, v1;
	vm1 =	vge.f32 v4, v8  }
0xaa: {  	(xrf1) =	vsort.ascd.msk.f32 $0xffff, v5, v6;
	v5 =	vsel vm1, v4, v8;
	v6 =	vsel vm1, v3, v9  }
0xab: {  	(xrf1) =	vsort.dscd.msk.f32 $0xffff, v5, v6;
	_ =	sdelay $0xa  }
0xac: {  	s29 =	spop (v2sf)  }
0xad: {  	s30 =	simm.s32 $0x20;
	s31 =	spop (v2sf)  }
0xae: {  	v7 =	vld [tilespmem:s30+$0x4180];
	v6, v5, _ =	vpop (xrf1);
	p1 =	sgt.f32 s29, s31  }
0xaf: {  	s18 =	simm.s32 $0xC0;
	v9, v8, _ =	vpop (xrf1)  }
.LBB2_9:
0xb0: {  	p0 =	sne.s32 s18, $0x1C0;
	(v2sf) =	vpush v6, $0xF;
	v4 =	vpsel p1, v9, v4;
	v3 =	vpsel p1, v8, v3  }
0xb1: {  	s17 =	sadd.s32 $0x10, s17;
	(v2sf) =	vpush v4, $0xF  }
0xb2: {  	v8 =	vor.u32 s17, v1;
	vm1 =	vge.f32 v4, v6  }
0xb3: {  	v6 =	vsel vm1, v4, v6;
	v5 =	vsel vm1, v3, v5;
	(xrf1) =	vsort.ascd.msk.f32 $0xffff, v7, v8  }
0xb4: {  	(xrf1) =	vsort.dscd.msk.f32 $0xffff, v6, v5;
	_ =	sdelay $0x9  }
.Ltmp3:
0xb5: {  	(pc) =	sbr.rel @p0 .LBB2_9-.Ltmp3, $4  }
0xb6: {  	s19 =	spop (v2sf)  }
0xb7: {  	s20 =	sshra.s32 s18, $0x2;
	s21 =	spop (v2sf)  }
0xb8: {  	v7 =	vld [tilespmem:s20+$0x4180];
	v6, v5, _ =	vpop (xrf1);
	p1 =	sgt.f32 s19, s21  }
0xb9: {  	s18 =	sadd.s32 $0x40, s18;
	v9, v8, _ =	vpop (xrf1)  }
0xba: {  	(v2sf) =	vpush v6, $0xF;
	v4 =	vpsel p1, v9, v4  }
0xbb: {  	s17 =	sadd.s32 $0x10, s17;
	(v2sf) =	vpush v4, $0xF  }
0xbc: {  	v3 =	vpsel p1, v8, v3;
	v8 =	vor.u32 s17, v1;
	vm1 =	vge.f32 v4, v6  }
0xbd: {  	v6 =	vsel vm1, v4, v6;
	v5 =	vsel vm1, v3, v5;
	(xrf1) =	vsort.ascd.msk.f32 $0xffff, v7, v8  }
0xbe: {  	(xrf1) =	vsort.dscd.msk.f32 $0xffff, v6, v5;
	_ =	sdelay $0xa  }
0xbf: {  	s24 =	spop (v2sf)  }
0xc0: {  	s18 =	spop (v2sf)  }
0xc1: {  	v5, v6, _ =	vpop (xrf1);
	p0 =	sgt.f32 s24, s18  }
0xc2: {  	v7, v8, _ =	vpop (xrf1)  }
0xc3: {  	(v2sf) =	vpush v5, $0xF;
	v4 =	vpsel p0, v7, v4  }
0xc4: {  	(v2sf) =	vpush v4, $0xF  }
0xc5: {  	(v2sf) =	vpush v2, $0x4;
	_ =	sdelay $0xb  }
0xc6: {  	s25 =	simm.s32 $0x0  }
0xc7: {  	v7 =	vld [tilespmem:s25+$0x4200];
	s26 =	spop (v2sf)  }
0xc8: {  	s28 =	spop (v2sf)  }
0xc9: {  	v3 =	vpsel p0, v8, v3;
	vm1 =	vge.f32 v4, v5;
	s19 =	spop (v2sf)  }
0xca: {  	v5 =	vsel vm1, v4, v5;
	v6 =	vsel vm1, v3, v6;
	s19 =	sshll.u32 s19, $0x7  }
0xcb: {  	(xrf1) =	vsort.dscd.msk.f32 $0xffff, v5, v6;
	v5 =	vor.u32 s19, v1  }
0xcc: {  	(xrf1) =	vsort.ascd.msk.f32 $0xffff, v7, v5;
	_ =	sdelay $0xb  }
0xcd: {  	s20 =	simm.s32 $0x10  }
0xce: {  	p6 =	sgt.f32 s26, s28;
	v5 =	vld [tilespmem:s20+$0x4200];
	v6, v7, _ =	vpop (xrf1)  }
0xcf: {  	v8, v9, _ =	vpop (xrf1)  }
0xd0: {  	v4 =	vpsel p6, v6, v4;
	(v2sf) =	vpush v8, $0xF  }
0xd1: {  	s17 =	sadd.s32 $0x10, s19;
	(v2sf) =	vpush v4, $0xF  }
0xd2: {  	v3 =	vpsel p6, v7, v3;
	v6 =	vor.u32 s17, v1;
	vm1 =	vge.f32 v4, v8  }
0xd3: {  	(xrf1) =	vsort.ascd.msk.f32 $0xffff, v5, v6;
	v5 =	vsel vm1, v4, v8;
	v6 =	vsel vm1, v3, v9  }
0xd4: {  	(xrf1) =	vsort.dscd.msk.f32 $0xffff, v5, v6;
	_ =	sdelay $0xa  }
0xd5: {  	s29 =	spop (v2sf)  }
0xd6: {  	s30 =	simm.s32 $0x20;
	s31 =	spop (v2sf)  }
0xd7: {  	v7 =	vld [tilespmem:s30+$0x4200];
	v6, v5, _ =	vpop (xrf1);
	p1 =	sgt.f32 s29, s31  }
0xd8: {  	s18 =	simm.s32 $0xC0;
	v9, v8, _ =	vpop (xrf1)  }
.LBB2_11:
0xd9: {  	p0 =	sne.s32 s18, $0x1C0;
	(v2sf) =	vpush v6, $0xF;
	v4 =	vpsel p1, v9, v4;
	v3 =	vpsel p1, v8, v3  }
0xda: {  	s17 =	sadd.s32 $0x10, s17;
	(v2sf) =	vpush v4, $0xF  }
0xdb: {  	v8 =	vor.u32 s17, v1;
	vm1 =	vge.f32 v4, v6  }
0xdc: {  	v6 =	vsel vm1, v4, v6;
	v5 =	vsel vm1, v3, v5;
	(xrf1) =	vsort.ascd.msk.f32 $0xffff, v7, v8  }
0xdd: {  	(xrf1) =	vsort.dscd.msk.f32 $0xffff, v6, v5;
	_ =	sdelay $0x9  }
.Ltmp4:
0xde: {  	(pc) =	sbr.rel @p0 .LBB2_11-.Ltmp4, $4  }
0xdf: {  	s19 =	spop (v2sf)  }
0xe0: {  	s20 =	sshra.s32 s18, $0x2;
	s21 =	spop (v2sf)  }
0xe1: {  	v7 =	vld [tilespmem:s20+$0x4200];
	v6, v5, _ =	vpop (xrf1);
	p1 =	sgt.f32 s19, s21  }
0xe2: {  	s18 =	sadd.s32 $0x40, s18;
	v9, v8, _ =	vpop (xrf1)  }
0xe3: {  	(v2sf) =	vpush v6, $0xF;
	v4 =	vpsel p1, v9, v4  }
0xe4: {  	s17 =	sadd.s32 $0x10, s17;
	(v2sf) =	vpush v4, $0xF  }
0xe5: {  	v3 =	vpsel p1, v8, v3;
	v8 =	vor.u32 s17, v1;
	vm1 =	vge.f32 v4, v6  }
0xe6: {  	v6 =	vsel vm1, v4, v6;
	v5 =	vsel vm1, v3, v5;
	(xrf1) =	vsort.ascd.msk.f32 $0xffff, v7, v8  }
0xe7: {  	(xrf1) =	vsort.dscd.msk.f32 $0xffff, v6, v5;
	_ =	sdelay $0xa  }
0xe8: {  	s24 =	spop (v2sf)  }
0xe9: {  	s18 =	spop (v2sf)  }
0xea: {  	v5, v6, _ =	vpop (xrf1);
	p0 =	sgt.f32 s24, s18  }
0xeb: {  	v7, v8, _ =	vpop (xrf1)  }
0xec: {  	(v2sf) =	vpush v5, $0xF;
	v4 =	vpsel p0, v7, v4  }
0xed: {  	(v2sf) =	vpush v4, $0xF  }
0xee: {  	(v2sf) =	vpush v2, $0x5;
	_ =	sdelay $0xb  }
0xef: {  	s25 =	simm.s32 $0x0  }
0xf0: {  	v7 =	vld [tilespmem:s25+$0x4280];
	s26 =	spop (v2sf)  }
0xf1: {  	s28 =	spop (v2sf)  }
0xf2: {  	v3 =	vpsel p0, v8, v3;
	vm1 =	vge.f32 v4, v5;
	s19 =	spop (v2sf)  }
0xf3: {  	v5 =	vsel vm1, v4, v5;
	v6 =	vsel vm1, v3, v6;
	s19 =	sshll.u32 s19, $0x7  }
0xf4: {  	(xrf1) =	vsort.dscd.msk.f32 $0xffff, v5, v6;
	v5 =	vor.u32 s19, v1  }
0xf5: {  	(xrf1) =	vsort.ascd.msk.f32 $0xffff, v7, v5;
	_ =	sdelay $0xb  }
0xf6: {  	s20 =	simm.s32 $0x10  }
0xf7: {  	p6 =	sgt.f32 s26, s28;
	v5 =	vld [tilespmem:s20+$0x4280];
	v6, v7, _ =	vpop (xrf1)  }
0xf8: {  	v8, v9, _ =	vpop (xrf1)  }
0xf9: {  	v4 =	vpsel p6, v6, v4;
	(v2sf) =	vpush v8, $0xF  }
0xfa: {  	s17 =	sadd.s32 $0x10, s19;
	(v2sf) =	vpush v4, $0xF  }
0xfb: {  	v3 =	vpsel p6, v7, v3;
	v6 =	vor.u32 s17, v1;
	vm1 =	vge.f32 v4, v8  }
0xfc: {  	(xrf1) =	vsort.ascd.msk.f32 $0xffff, v5, v6;
	v5 =	vsel vm1, v4, v8;
	v6 =	vsel vm1, v3, v9  }
0xfd: {  	(xrf1) =	vsort.dscd.msk.f32 $0xffff, v5, v6;
	_ =	sdelay $0xa  }
0xfe: {  	s29 =	spop (v2sf)  }
0xff: {  	s30 =	simm.s32 $0x20;
	s31 =	spop (v2sf)  }
0x100: {  	v7 =	vld [tilespmem:s30+$0x4280];
	v6, v5, _ =	vpop (xrf1);
	p1 =	sgt.f32 s29, s31  }
0x101: {  	s18 =	simm.s32 $0xC0;
	v9, v8, _ =	vpop (xrf1)  }
.LBB2_13:
0x102: {  	p0 =	sne.s32 s18, $0x1C0;
	(v2sf) =	vpush v6, $0xF;
	v4 =	vpsel p1, v9, v4;
	v3 =	vpsel p1, v8, v3  }
0x103: {  	s17 =	sadd.s32 $0x10, s17;
	(v2sf) =	vpush v4, $0xF  }
0x104: {  	v8 =	vor.u32 s17, v1;
	vm1 =	vge.f32 v4, v6  }
0x105: {  	v6 =	vsel vm1, v4, v6;
	v5 =	vsel vm1, v3, v5;
	(xrf1) =	vsort.ascd.msk.f32 $0xffff, v7, v8  }
0x106: {  	(xrf1) =	vsort.dscd.msk.f32 $0xffff, v6, v5;
	_ =	sdelay $0x9  }
.Ltmp5:
0x107: {  	(pc) =	sbr.rel @p0 .LBB2_13-.Ltmp5, $4  }
0x108: {  	s19 =	spop (v2sf)  }
0x109: {  	s20 =	sshra.s32 s18, $0x2;
	s21 =	spop (v2sf)  }
0x10a: {  	v7 =	vld [tilespmem:s20+$0x4280];
	v6, v5, _ =	vpop (xrf1);
	p1 =	sgt.f32 s19, s21  }
0x10b: {  	s18 =	sadd.s32 $0x40, s18;
	v9, v8, _ =	vpop (xrf1)  }
0x10c: {  	(v2sf) =	vpush v6, $0xF;
	v4 =	vpsel p1, v9, v4  }
0x10d: {  	s17 =	sadd.s32 $0x10, s17;
	(v2sf) =	vpush v4, $0xF  }
0x10e: {  	v3 =	vpsel p1, v8, v3;
	v8 =	vor.u32 s17, v1;
	vm1 =	vge.f32 v4, v6  }
0x10f: {  	v6 =	vsel vm1, v4, v6;
	v5 =	vsel vm1, v3, v5;
	(xrf1) =	vsort.ascd.msk.f32 $0xffff, v7, v8  }
0x110: {  	(xrf1) =	vsort.dscd.msk.f32 $0xffff, v6, v5;
	_ =	sdelay $0xa  }
0x111: {  	s24 =	spop (v2sf)  }
0x112: {  	s18 =	spop (v2sf)  }
0x113: {  	v5, v6, _ =	vpop (xrf1);
	p0 =	sgt.f32 s24, s18  }
0x114: {  	v7, v8, _ =	vpop (xrf1)  }
0x115: {  	(v2sf) =	vpush v5, $0xF;
	v4 =	vpsel p0, v7, v4  }
0x116: {  	(v2sf) =	vpush v4, $0xF  }
0x117: {  	(v2sf) =	vpush v2, $0x6;
	_ =	sdelay $0xb  }
0x118: {  	s25 =	simm.s32 $0x0  }
0x119: {  	v7 =	vld [tilespmem:s25+$0x4300];
	s26 =	spop (v2sf)  }
0x11a: {  	s28 =	spop (v2sf)  }
0x11b: {  	v3 =	vpsel p0, v8, v3;
	vm1 =	vge.f32 v4, v5;
	s19 =	spop (v2sf)  }
0x11c: {  	v5 =	vsel vm1, v4, v5;
	v6 =	vsel vm1, v3, v6;
	s19 =	sshll.u32 s19, $0x7  }
0x11d: {  	(xrf1) =	vsort.dscd.msk.f32 $0xffff, v5, v6;
	v5 =	vor.u32 s19, v1  }
0x11e: {  	(xrf1) =	vsort.ascd.msk.f32 $0xffff, v7, v5;
	_ =	sdelay $0xb  }
0x11f: {  	s20 =	simm.s32 $0x10  }
0x120: {  	p6 =	sgt.f32 s26, s28;
	v5 =	vld [tilespmem:s20+$0x4300];
	v6, v7, _ =	vpop (xrf1)  }
0x121: {  	v8, v9, _ =	vpop (xrf1)  }
0x122: {  	v4 =	vpsel p6, v6, v4;
	(v2sf) =	vpush v8, $0xF  }
0x123: {  	s17 =	sadd.s32 $0x10, s19;
	(v2sf) =	vpush v4, $0xF  }
0x124: {  	v3 =	vpsel p6, v7, v3;
	v6 =	vor.u32 s17, v1;
	vm1 =	vge.f32 v4, v8  }
0x125: {  	(xrf1) =	vsort.ascd.msk.f32 $0xffff, v5, v6;
	v5 =	vsel vm1, v4, v8;
	v6 =	vsel vm1, v3, v9  }
0x126: {  	(xrf1) =	vsort.dscd.msk.f32 $0xffff, v5, v6;
	_ =	sdelay $0xa  }
0x127: {  	s29 =	spop (v2sf)  }
0x128: {  	s30 =	simm.s32 $0x20;
	s31 =	spop (v2sf)  }
0x129: {  	v7 =	vld [tilespmem:s30+$0x4300];
	v6, v5, _ =	vpop (xrf1);
	p1 =	sgt.f32 s29, s31  }
0x12a: {  	s18 =	simm.s32 $0xC0;
	v9, v8, _ =	vpop (xrf1)  }
.LBB2_15:
0x12b: {  	p0 =	sne.s32 s18, $0x1C0;
	(v2sf) =	vpush v6, $0xF;
	v4 =	vpsel p1, v9, v4;
	v3 =	vpsel p1, v8, v3  }
0x12c: {  	s17 =	sadd.s32 $0x10, s17;
	(v2sf) =	vpush v4, $0xF  }
0x12d: {  	v8 =	vor.u32 s17, v1;
	vm1 =	vge.f32 v4, v6  }
0x12e: {  	v6 =	vsel vm1, v4, v6;
	v5 =	vsel vm1, v3, v5;
	(xrf1) =	vsort.ascd.msk.f32 $0xffff, v7, v8  }
0x12f: {  	(xrf1) =	vsort.dscd.msk.f32 $0xffff, v6, v5;
	_ =	sdelay $0x9  }
.Ltmp6:
0x130: {  	(pc) =	sbr.rel @p0 .LBB2_15-.Ltmp6, $4  }
0x131: {  	s19 =	spop (v2sf)  }
0x132: {  	s20 =	sshra.s32 s18, $0x2;
	s21 =	spop (v2sf)  }
0x133: {  	v7 =	vld [tilespmem:s20+$0x4300];
	v6, v5, _ =	vpop (xrf1);
	p1 =	sgt.f32 s19, s21  }
0x134: {  	s18 =	sadd.s32 $0x40, s18;
	v9, v8, _ =	vpop (xrf1)  }
0x135: {  	(v2sf) =	vpush v6, $0xF;
	v4 =	vpsel p1, v9, v4  }
0x136: {  	s17 =	sadd.s32 $0x10, s17;
	(v2sf) =	vpush v4, $0xF  }
0x137: {  	v3 =	vpsel p1, v8, v3;
	v8 =	vor.u32 s17, v1;
	vm1 =	vge.f32 v4, v6  }
0x138: {  	v6 =	vsel vm1, v4, v6;
	v5 =	vsel vm1, v3, v5;
	(xrf1) =	vsort.ascd.msk.f32 $0xffff, v7, v8  }
0x139: {  	(xrf1) =	vsort.dscd.msk.f32 $0xffff, v6, v5;
	_ =	sdelay $0xa  }
0x13a: {  	s24 =	spop (v2sf)  }
0x13b: {  	s18 =	spop (v2sf)  }
0x13c: {  	v5, v6, _ =	vpop (xrf1);
	p0 =	sgt.f32 s24, s18  }
0x13d: {  	v7, v8, _ =	vpop (xrf1)  }
0x13e: {  	(v2sf) =	vpush v5, $0xF;
	v4 =	vpsel p0, v7, v4  }
0x13f: {  	(v2sf) =	vpush v4, $0xF  }
0x140: {  	(v2sf) =	vpush v2, $0x7;
	_ =	sdelay $0xb  }
0x141: {  	s25 =	simm.s32 $0x0  }
0x142: {  	v7 =	vld [tilespmem:s25+$0x4380];
	s26 =	spop (v2sf)  }
0x143: {  	s28 =	spop (v2sf)  }
0x144: {  	v3 =	vpsel p0, v8, v3;
	vm1 =	vge.f32 v4, v5;
	s19 =	spop (v2sf)  }
0x145: {  	v5 =	vsel vm1, v4, v5;
	v6 =	vsel vm1, v3, v6;
	s19 =	sshll.u32 s19, $0x7  }
0x146: {  	(xrf1) =	vsort.dscd.msk.f32 $0xffff, v5, v6;
	v5 =	vor.u32 s19, v1  }
0x147: {  	(xrf1) =	vsort.ascd.msk.f32 $0xffff, v7, v5;
	_ =	sdelay $0xb  }
0x148: {  	s20 =	simm.s32 $0x10  }
0x149: {  	p6 =	sgt.f32 s26, s28;
	v5 =	vld [tilespmem:s20+$0x4380];
	v6, v7, _ =	vpop (xrf1)  }
0x14a: {  	v8, v9, _ =	vpop (xrf1)  }
0x14b: {  	v4 =	vpsel p6, v6, v4;
	(v2sf) =	vpush v8, $0xF  }
0x14c: {  	s17 =	sadd.s32 $0x10, s19;
	(v2sf) =	vpush v4, $0xF  }
0x14d: {  	v3 =	vpsel p6, v7, v3;
	v6 =	vor.u32 s17, v1;
	vm1 =	vge.f32 v4, v8  }
0x14e: {  	(xrf1) =	vsort.ascd.msk.f32 $0xffff, v5, v6;
	v5 =	vsel vm1, v4, v8;
	v6 =	vsel vm1, v3, v9  }
0x14f: {  	(xrf1) =	vsort.dscd.msk.f32 $0xffff, v5, v6;
	_ =	sdelay $0xa  }
0x150: {  	s29 =	spop (v2sf)  }
0x151: {  	s30 =	simm.s32 $0x20;
	s31 =	spop (v2sf)  }
0x152: {  	v7 =	vld [tilespmem:s30+$0x4380];
	v6, v5, _ =	vpop (xrf1);
	p1 =	sgt.f32 s29, s31  }
0x153: {  	s18 =	simm.s32 $0xC0;
	v9, v8, _ =	vpop (xrf1)  }
.LBB2_17:
0x154: {  	p0 =	sne.s32 s18, $0x1C0;
	(v2sf) =	vpush v6, $0xF;
	v4 =	vpsel p1, v9, v4;
	v3 =	vpsel p1, v8, v3  }
0x155: {  	s17 =	sadd.s32 $0x10, s17;
	(v2sf) =	vpush v4, $0xF  }
0x156: {  	v8 =	vor.u32 s17, v1;
	vm1 =	vge.f32 v4, v6  }
0x157: {  	v6 =	vsel vm1, v4, v6;
	v5 =	vsel vm1, v3, v5;
	(xrf1) =	vsort.ascd.msk.f32 $0xffff, v7, v8  }
0x158: {  	(xrf1) =	vsort.dscd.msk.f32 $0xffff, v6, v5;
	_ =	sdelay $0x9  }
.Ltmp7:
0x159: {  	(pc) =	sbr.rel @p0 .LBB2_17-.Ltmp7, $4  }
0x15a: {  	s19 =	spop (v2sf)  }
0x15b: {  	s20 =	sshra.s32 s18, $0x2;
	s21 =	spop (v2sf)  }
0x15c: {  	v7 =	vld [tilespmem:s20+$0x4380];
	v6, v5, _ =	vpop (xrf1);
	p1 =	sgt.f32 s19, s21  }
0x15d: {  	s18 =	sadd.s32 $0x40, s18;
	v9, v8, _ =	vpop (xrf1)  }
0x15e: {  	(v2sf) =	vpush v6, $0xF;
	v4 =	vpsel p1, v9, v4  }
0x15f: {  	s17 =	sadd.s32 $0x10, s17;
	(v2sf) =	vpush v4, $0xF  }
0x160: {  	v3 =	vpsel p1, v8, v3;
	v8 =	vor.u32 s17, v1;
	vm1 =	vge.f32 v4, v6  }
0x161: {  	v6 =	vsel vm1, v4, v6;
	v5 =	vsel vm1, v3, v5;
	(xrf1) =	vsort.ascd.msk.f32 $0xffff, v7, v8  }
0x162: {  	(xrf1) =	vsort.dscd.msk.f32 $0xffff, v6, v5;
	_ =	sdelay $0xa  }
0x163: {  	s24 =	spop (v2sf)  }
0x164: {  	s18 =	spop (v2sf)  }
0x165: {  	v5, v6, _ =	vpop (xrf1);
	p0 =	sgt.f32 s24, s18  }
0x166: {  	v7, v8, _ =	vpop (xrf1)  }
0x167: {  	(v2sf) =	vpush v5, $0xF;
	v4 =	vpsel p0, v7, v4  }
0x168: {  	(v2sf) =	vpush v4, $0xF  }
0x169: {  	(v2sf) =	vpush v2, $0x8;
	_ =	sdelay $0xb  }
0x16a: {  	s25 =	simm.s32 $0x0  }
0x16b: {  	v7 =	vld [tilespmem:s25+$0x4400];
	s26 =	spop (v2sf)  }
0x16c: {  	s28 =	spop (v2sf)  }
0x16d: {  	v3 =	vpsel p0, v8, v3;
	vm1 =	vge.f32 v4, v5;
	s19 =	spop (v2sf)  }
0x16e: {  	v5 =	vsel vm1, v4, v5;
	v6 =	vsel vm1, v3, v6;
	s19 =	sshll.u32 s19, $0x7  }
0x16f: {  	(xrf1) =	vsort.dscd.msk.f32 $0xffff, v5, v6;
	v5 =	vor.u32 s19, v1  }
0x170: {  	(xrf1) =	vsort.ascd.msk.f32 $0xffff, v7, v5;
	_ =	sdelay $0xb  }
0x171: {  	s20 =	simm.s32 $0x10  }
0x172: {  	p6 =	sgt.f32 s26, s28;
	v5 =	vld [tilespmem:s20+$0x4400];
	v6, v7, _ =	vpop (xrf1)  }
0x173: {  	v8, v9, _ =	vpop (xrf1)  }
0x174: {  	v4 =	vpsel p6, v6, v4;
	(v2sf) =	vpush v8, $0xF  }
0x175: {  	s17 =	sadd.s32 $0x10, s19;
	(v2sf) =	vpush v4, $0xF  }
0x176: {  	v3 =	vpsel p6, v7, v3;
	v6 =	vor.u32 s17, v1;
	vm1 =	vge.f32 v4, v8  }
0x177: {  	(xrf1) =	vsort.ascd.msk.f32 $0xffff, v5, v6;
	v5 =	vsel vm1, v4, v8;
	v6 =	vsel vm1, v3, v9  }
0x178: {  	(xrf1) =	vsort.dscd.msk.f32 $0xffff, v5, v6;
	_ =	sdelay $0xa  }
0x179: {  	s29 =	spop (v2sf)  }
0x17a: {  	s30 =	simm.s32 $0x20;
	s31 =	spop (v2sf)  }
0x17b: {  	v7 =	vld [tilespmem:s30+$0x4400];
	v6, v5, _ =	vpop (xrf1);
	p1 =	sgt.f32 s29, s31  }
0x17c: {  	s18 =	simm.s32 $0xC0;
	v9, v8, _ =	vpop (xrf1)  }
.LBB2_19:
0x17d: {  	p0 =	sne.s32 s18, $0x1C0;
	(v2sf) =	vpush v6, $0xF;
	v4 =	vpsel p1, v9, v4;
	v3 =	vpsel p1, v8, v3  }
0x17e: {  	s17 =	sadd.s32 $0x10, s17;
	(v2sf) =	vpush v4, $0xF  }
0x17f: {  	v8 =	vor.u32 s17, v1;
	vm1 =	vge.f32 v4, v6  }
0x180: {  	v6 =	vsel vm1, v4, v6;
	v5 =	vsel vm1, v3, v5;
	(xrf1) =	vsort.ascd.msk.f32 $0xffff, v7, v8  }
0x181: {  	(xrf1) =	vsort.dscd.msk.f32 $0xffff, v6, v5;
	_ =	sdelay $0x9  }
.Ltmp8:
0x182: {  	(pc) =	sbr.rel @p0 .LBB2_19-.Ltmp8, $4  }
0x183: {  	s19 =	spop (v2sf)  }
0x184: {  	s20 =	sshra.s32 s18, $0x2;
	s21 =	spop (v2sf)  }
0x185: {  	v7 =	vld [tilespmem:s20+$0x4400];
	v6, v5, _ =	vpop (xrf1);
	p1 =	sgt.f32 s19, s21  }
0x186: {  	s18 =	sadd.s32 $0x40, s18;
	v9, v8, _ =	vpop (xrf1)  }
0x187: {  	(v2sf) =	vpush v6, $0xF;
	v4 =	vpsel p1, v9, v4  }
0x188: {  	s17 =	sadd.s32 $0x10, s17;
	(v2sf) =	vpush v4, $0xF  }
0x189: {  	v3 =	vpsel p1, v8, v3;
	v8 =	vor.u32 s17, v1;
	vm1 =	vge.f32 v4, v6  }
0x18a: {  	v6 =	vsel vm1, v4, v6;
	v5 =	vsel vm1, v3, v5;
	(xrf1) =	vsort.ascd.msk.f32 $0xffff, v7, v8  }
0x18b: {  	(xrf1) =	vsort.dscd.msk.f32 $0xffff, v6, v5;
	_ =	sdelay $0xa  }
0x18c: {  	s24 =	spop (v2sf)  }
0x18d: {  	s18 =	spop (v2sf)  }
0x18e: {  	v5, v6, _ =	vpop (xrf1);
	p0 =	sgt.f32 s24, s18  }
0x18f: {  	v7, v8, _ =	vpop (xrf1)  }
0x190: {  	(v2sf) =	vpush v5, $0xF;
	v4 =	vpsel p0, v7, v4  }
0x191: {  	(v2sf) =	vpush v4, $0xF  }
0x192: {  	(v2sf) =	vpush v2, $0x9;
	_ =	sdelay $0xb  }
0x193: {  	s25 =	simm.s32 $0x0  }
0x194: {  	v7 =	vld [tilespmem:s25+$0x4480];
	s26 =	spop (v2sf)  }
0x195: {  	s28 =	spop (v2sf)  }
0x196: {  	v3 =	vpsel p0, v8, v3;
	vm1 =	vge.f32 v4, v5;
	s19 =	spop (v2sf)  }
0x197: {  	v5 =	vsel vm1, v4, v5;
	v6 =	vsel vm1, v3, v6;
	s19 =	sshll.u32 s19, $0x7  }
0x198: {  	(xrf1) =	vsort.dscd.msk.f32 $0xffff, v5, v6;
	v5 =	vor.u32 s19, v1  }
0x199: {  	(xrf1) =	vsort.ascd.msk.f32 $0xffff, v7, v5;
	_ =	sdelay $0xb  }
0x19a: {  	s20 =	simm.s32 $0x10  }
0x19b: {  	p6 =	sgt.f32 s26, s28;
	v5 =	vld [tilespmem:s20+$0x4480];
	v6, v7, _ =	vpop (xrf1)  }
0x19c: {  	v8, v9, _ =	vpop (xrf1)  }
0x19d: {  	v4 =	vpsel p6, v6, v4;
	(v2sf) =	vpush v8, $0xF  }
0x19e: {  	s17 =	sadd.s32 $0x10, s19;
	(v2sf) =	vpush v4, $0xF  }
0x19f: {  	v3 =	vpsel p6, v7, v3;
	v6 =	vor.u32 s17, v1;
	vm1 =	vge.f32 v4, v8  }
0x1a0: {  	(xrf1) =	vsort.ascd.msk.f32 $0xffff, v5, v6;
	v5 =	vsel vm1, v4, v8;
	v6 =	vsel vm1, v3, v9  }
0x1a1: {  	(xrf1) =	vsort.dscd.msk.f32 $0xffff, v5, v6;
	_ =	sdelay $0xa  }
0x1a2: {  	s29 =	spop (v2sf)  }
0x1a3: {  	s30 =	simm.s32 $0x20;
	s31 =	spop (v2sf)  }
0x1a4: {  	v7 =	vld [tilespmem:s30+$0x4480];
	v6, v5, _ =	vpop (xrf1);
	p1 =	sgt.f32 s29, s31  }
0x1a5: {  	s18 =	simm.s32 $0xC0;
	v9, v8, _ =	vpop (xrf1)  }
.LBB2_21:
0x1a6: {  	p0 =	sne.s32 s18, $0x1C0;
	(v2sf) =	vpush v6, $0xF;
	v4 =	vpsel p1, v9, v4;
	v3 =	vpsel p1, v8, v3  }
0x1a7: {  	s17 =	sadd.s32 $0x10, s17;
	(v2sf) =	vpush v4, $0xF  }
0x1a8: {  	v8 =	vor.u32 s17, v1;
	vm1 =	vge.f32 v4, v6  }
0x1a9: {  	v6 =	vsel vm1, v4, v6;
	v5 =	vsel vm1, v3, v5;
	(xrf1) =	vsort.ascd.msk.f32 $0xffff, v7, v8  }
0x1aa: {  	(xrf1) =	vsort.dscd.msk.f32 $0xffff, v6, v5;
	_ =	sdelay $0x9  }
.Ltmp9:
0x1ab: {  	(pc) =	sbr.rel @p0 .LBB2_21-.Ltmp9, $4  }
0x1ac: {  	s19 =	spop (v2sf)  }
0x1ad: {  	s20 =	sshra.s32 s18, $0x2;
	s21 =	spop (v2sf)  }
0x1ae: {  	v7 =	vld [tilespmem:s20+$0x4480];
	v6, v5, _ =	vpop (xrf1);
	p1 =	sgt.f32 s19, s21  }
0x1af: {  	s18 =	sadd.s32 $0x40, s18;
	v9, v8, _ =	vpop (xrf1)  }
0x1b0: {  	(v2sf) =	vpush v6, $0xF;
	v4 =	vpsel p1, v9, v4  }
0x1b1: {  	s17 =	sadd.s32 $0x10, s17;
	(v2sf) =	vpush v4, $0xF  }
0x1b2: {  	v3 =	vpsel p1, v8, v3;
	v8 =	vor.u32 s17, v1;
	vm1 =	vge.f32 v4, v6  }
0x1b3: {  	v6 =	vsel vm1, v4, v6;
	v5 =	vsel vm1, v3, v5;
	(xrf1) =	vsort.ascd.msk.f32 $0xffff, v7, v8  }
0x1b4: {  	(xrf1) =	vsort.dscd.msk.f32 $0xffff, v6, v5;
	_ =	sdelay $0xa  }
0x1b5: {  	s24 =	spop (v2sf)  }
0x1b6: {  	s18 =	spop (v2sf)  }
0x1b7: {  	v5, v6, _ =	vpop (xrf1);
	p0 =	sgt.f32 s24, s18  }
0x1b8: {  	v7, v8, _ =	vpop (xrf1)  }
0x1b9: {  	(v2sf) =	vpush v5, $0xF;
	v4 =	vpsel p0, v7, v4  }
0x1ba: {  	(v2sf) =	vpush v4, $0xF  }
0x1bb: {  	(v2sf) =	vpush v2, $0xA;
	_ =	sdelay $0xb  }
0x1bc: {  	s25 =	simm.s32 $0x0  }
0x1bd: {  	v7 =	vld [tilespmem:s25+$0x4500];
	s26 =	spop (v2sf)  }
0x1be: {  	s28 =	spop (v2sf)  }
0x1bf: {  	v3 =	vpsel p0, v8, v3;
	vm1 =	vge.f32 v4, v5;
	s19 =	spop (v2sf)  }
0x1c0: {  	v5 =	vsel vm1, v4, v5;
	v6 =	vsel vm1, v3, v6;
	s19 =	sshll.u32 s19, $0x7  }
0x1c1: {  	(xrf1) =	vsort.dscd.msk.f32 $0xffff, v5, v6;
	v5 =	vor.u32 s19, v1  }
0x1c2: {  	(xrf1) =	vsort.ascd.msk.f32 $0xffff, v7, v5;
	_ =	sdelay $0xb  }
0x1c3: {  	s20 =	simm.s32 $0x10  }
0x1c4: {  	p6 =	sgt.f32 s26, s28;
	v5 =	vld [tilespmem:s20+$0x4500];
	v6, v7, _ =	vpop (xrf1)  }
0x1c5: {  	v8, v9, _ =	vpop (xrf1)  }
0x1c6: {  	v4 =	vpsel p6, v6, v4;
	(v2sf) =	vpush v8, $0xF  }
0x1c7: {  	s17 =	sadd.s32 $0x10, s19;
	(v2sf) =	vpush v4, $0xF  }
0x1c8: {  	v3 =	vpsel p6, v7, v3;
	v6 =	vor.u32 s17, v1;
	vm1 =	vge.f32 v4, v8  }
0x1c9: {  	(xrf1) =	vsort.ascd.msk.f32 $0xffff, v5, v6;
	v5 =	vsel vm1, v4, v8;
	v6 =	vsel vm1, v3, v9  }
0x1ca: {  	(xrf1) =	vsort.dscd.msk.f32 $0xffff, v5, v6;
	_ =	sdelay $0xa  }
0x1cb: {  	s29 =	spop (v2sf)  }
0x1cc: {  	s30 =	simm.s32 $0x20;
	s31 =	spop (v2sf)  }
0x1cd: {  	v7 =	vld [tilespmem:s30+$0x4500];
	v6, v5, _ =	vpop (xrf1);
	p1 =	sgt.f32 s29, s31  }
0x1ce: {  	s18 =	simm.s32 $0xC0;
	v9, v8, _ =	vpop (xrf1)  }
.LBB2_23:
0x1cf: {  	p0 =	sne.s32 s18, $0x1C0;
	(v2sf) =	vpush v6, $0xF;
	v4 =	vpsel p1, v9, v4;
	v3 =	vpsel p1, v8, v3  }
0x1d0: {  	s17 =	sadd.s32 $0x10, s17;
	(v2sf) =	vpush v4, $0xF  }
0x1d1: {  	v8 =	vor.u32 s17, v1;
	vm1 =	vge.f32 v4, v6  }
0x1d2: {  	v6 =	vsel vm1, v4, v6;
	v5 =	vsel vm1, v3, v5;
	(xrf1) =	vsort.ascd.msk.f32 $0xffff, v7, v8  }
0x1d3: {  	(xrf1) =	vsort.dscd.msk.f32 $0xffff, v6, v5;
	_ =	sdelay $0x9  }
.Ltmp10:
0x1d4: {  	(pc) =	sbr.rel @p0 .LBB2_23-.Ltmp10, $4  }
0x1d5: {  	s19 =	spop (v2sf)  }
0x1d6: {  	s20 =	sshra.s32 s18, $0x2;
	s21 =	spop (v2sf)  }
0x1d7: {  	v7 =	vld [tilespmem:s20+$0x4500];
	v6, v5, _ =	vpop (xrf1);
	p1 =	sgt.f32 s19, s21  }
0x1d8: {  	s18 =	sadd.s32 $0x40, s18;
	v9, v8, _ =	vpop (xrf1)  }
0x1d9: {  	(v2sf) =	vpush v6, $0xF;
	v4 =	vpsel p1, v9, v4  }
0x1da: {  	s17 =	sadd.s32 $0x10, s17;
	(v2sf) =	vpush v4, $0xF  }
0x1db: {  	v3 =	vpsel p1, v8, v3;
	v8 =	vor.u32 s17, v1;
	vm1 =	vge.f32 v4, v6  }
0x1dc: {  	v6 =	vsel vm1, v4, v6;
	v5 =	vsel vm1, v3, v5;
	(xrf1) =	vsort.ascd.msk.f32 $0xffff, v7, v8  }
0x1dd: {  	(xrf1) =	vsort.dscd.msk.f32 $0xffff, v6, v5;
	_ =	sdelay $0xa  }
0x1de: {  	s24 =	spop (v2sf)  }
0x1df: {  	s18 =	spop (v2sf)  }
0x1e0: {  	v5, v6, _ =	vpop (xrf1);
	p0 =	sgt.f32 s24, s18  }
0x1e1: {  	v7, v8, _ =	vpop (xrf1)  }
0x1e2: {  	(v2sf) =	vpush v5, $0xF;
	v4 =	vpsel p0, v7, v4  }
0x1e3: {  	(v2sf) =	vpush v4, $0xF  }
0x1e4: {  	(v2sf) =	vpush v2, $0xB;
	_ =	sdelay $0xb  }
0x1e5: {  	s25 =	simm.s32 $0x0  }
0x1e6: {  	v7 =	vld [tilespmem:s25+$0x4580];
	s26 =	spop (v2sf)  }
0x1e7: {  	s28 =	spop (v2sf)  }
0x1e8: {  	v3 =	vpsel p0, v8, v3;
	vm1 =	vge.f32 v4, v5;
	s19 =	spop (v2sf)  }
0x1e9: {  	v5 =	vsel vm1, v4, v5;
	v6 =	vsel vm1, v3, v6;
	s19 =	sshll.u32 s19, $0x7  }
0x1ea: {  	(xrf1) =	vsort.dscd.msk.f32 $0xffff, v5, v6;
	v5 =	vor.u32 s19, v1  }
0x1eb: {  	(xrf1) =	vsort.ascd.msk.f32 $0xffff, v7, v5;
	_ =	sdelay $0xb  }
0x1ec: {  	s20 =	simm.s32 $0x10  }
0x1ed: {  	p6 =	sgt.f32 s26, s28;
	v5 =	vld [tilespmem:s20+$0x4580];
	v6, v7, _ =	vpop (xrf1)  }
0x1ee: {  	v8, v9, _ =	vpop (xrf1)  }
0x1ef: {  	v4 =	vpsel p6, v6, v4;
	(v2sf) =	vpush v8, $0xF  }
0x1f0: {  	s17 =	sadd.s32 $0x10, s19;
	(v2sf) =	vpush v4, $0xF  }
0x1f1: {  	v3 =	vpsel p6, v7, v3;
	v6 =	vor.u32 s17, v1;
	vm1 =	vge.f32 v4, v8  }
0x1f2: {  	(xrf1) =	vsort.ascd.msk.f32 $0xffff, v5, v6;
	v5 =	vsel vm1, v4, v8;
	v6 =	vsel vm1, v3, v9  }
0x1f3: {  	(xrf1) =	vsort.dscd.msk.f32 $0xffff, v5, v6;
	_ =	sdelay $0xa  }
0x1f4: {  	s29 =	spop (v2sf)  }
0x1f5: {  	s30 =	simm.s32 $0x20;
	s31 =	spop (v2sf)  }
0x1f6: {  	v7 =	vld [tilespmem:s30+$0x4580];
	v6, v5, _ =	vpop (xrf1);
	p1 =	sgt.f32 s29, s31  }
0x1f7: {  	s18 =	simm.s32 $0xC0;
	v9, v8, _ =	vpop (xrf1)  }
.LBB2_25:
0x1f8: {  	p0 =	sne.s32 s18, $0x1C0;
	(v2sf) =	vpush v6, $0xF;
	v4 =	vpsel p1, v9, v4;
	v3 =	vpsel p1, v8, v3  }
0x1f9: {  	s17 =	sadd.s32 $0x10, s17;
	(v2sf) =	vpush v4, $0xF  }
0x1fa: {  	v8 =	vor.u32 s17, v1;
	vm1 =	vge.f32 v4, v6  }
0x1fb: {  	v6 =	vsel vm1, v4, v6;
	v5 =	vsel vm1, v3, v5;
	(xrf1) =	vsort.ascd.msk.f32 $0xffff, v7, v8  }
0x1fc: {  	(xrf1) =	vsort.dscd.msk.f32 $0xffff, v6, v5;
	_ =	sdelay $0x9  }
.Ltmp11:
0x1fd: {  	(pc) =	sbr.rel @p0 .LBB2_25-.Ltmp11, $4  }
0x1fe: {  	s19 =	spop (v2sf)  }
0x1ff: {  	s20 =	sshra.s32 s18, $0x2;
	s21 =	spop (v2sf)  }
0x200: {  	v7 =	vld [tilespmem:s20+$0x4580];
	v6, v5, _ =	vpop (xrf1);
	p1 =	sgt.f32 s19, s21  }
0x201: {  	s18 =	sadd.s32 $0x40, s18;
	v9, v8, _ =	vpop (xrf1)  }
0x202: {  	(v2sf) =	vpush v6, $0xF;
	v4 =	vpsel p1, v9, v4  }
0x203: {  	s17 =	sadd.s32 $0x10, s17;
	(v2sf) =	vpush v4, $0xF  }
0x204: {  	v3 =	vpsel p1, v8, v3;
	v8 =	vor.u32 s17, v1;
	vm1 =	vge.f32 v4, v6  }
0x205: {  	v6 =	vsel vm1, v4, v6;
	v5 =	vsel vm1, v3, v5;
	(xrf1) =	vsort.ascd.msk.f32 $0xffff, v7, v8  }
0x206: {  	(xrf1) =	vsort.dscd.msk.f32 $0xffff, v6, v5;
	_ =	sdelay $0xa  }
0x207: {  	s24 =	spop (v2sf)  }
0x208: {  	s18 =	spop (v2sf)  }
0x209: {  	v5, v6, _ =	vpop (xrf1);
	p0 =	sgt.f32 s24, s18  }
0x20a: {  	v7, v8, _ =	vpop (xrf1)  }
0x20b: {  	(v2sf) =	vpush v5, $0xF;
	v4 =	vpsel p0, v7, v4  }
0x20c: {  	(v2sf) =	vpush v4, $0xF  }
0x20d: {  	(v2sf) =	vpush v2, $0xC;
	_ =	sdelay $0xb  }
0x20e: {  	s25 =	simm.s32 $0x0  }
0x20f: {  	v7 =	vld [tilespmem:s25+$0x4600];
	s26 =	spop (v2sf)  }
0x210: {  	s28 =	spop (v2sf)  }
0x211: {  	v3 =	vpsel p0, v8, v3;
	vm1 =	vge.f32 v4, v5;
	s19 =	spop (v2sf)  }
0x212: {  	v5 =	vsel vm1, v4, v5;
	v6 =	vsel vm1, v3, v6;
	s19 =	sshll.u32 s19, $0x7  }
0x213: {  	(xrf1) =	vsort.dscd.msk.f32 $0xffff, v5, v6;
	v5 =	vor.u32 s19, v1  }
0x214: {  	(xrf1) =	vsort.ascd.msk.f32 $0xffff, v7, v5;
	_ =	sdelay $0xb  }
0x215: {  	s20 =	simm.s32 $0x10  }
0x216: {  	p6 =	sgt.f32 s26, s28;
	v5 =	vld [tilespmem:s20+$0x4600];
	v6, v7, _ =	vpop (xrf1)  }
0x217: {  	v8, v9, _ =	vpop (xrf1)  }
0x218: {  	v4 =	vpsel p6, v6, v4;
	(v2sf) =	vpush v8, $0xF  }
0x219: {  	s17 =	sadd.s32 $0x10, s19;
	(v2sf) =	vpush v4, $0xF  }
0x21a: {  	v3 =	vpsel p6, v7, v3;
	v6 =	vor.u32 s17, v1;
	vm1 =	vge.f32 v4, v8  }
0x21b: {  	(xrf1) =	vsort.ascd.msk.f32 $0xffff, v5, v6;
	v5 =	vsel vm1, v4, v8;
	v6 =	vsel vm1, v3, v9  }
0x21c: {  	(xrf1) =	vsort.dscd.msk.f32 $0xffff, v5, v6;
	_ =	sdelay $0xa  }
0x21d: {  	s29 =	spop (v2sf)  }
0x21e: {  	s30 =	simm.s32 $0x20;
	s31 =	spop (v2sf)  }
0x21f: {  	v7 =	vld [tilespmem:s30+$0x4600];
	v6, v5, _ =	vpop (xrf1);
	p1 =	sgt.f32 s29, s31  }
0x220: {  	s18 =	simm.s32 $0xC0;
	v9, v8, _ =	vpop (xrf1)  }
.LBB2_27:
0x221: {  	p0 =	sne.s32 s18, $0x1C0;
	(v2sf) =	vpush v6, $0xF;
	v4 =	vpsel p1, v9, v4;
	v3 =	vpsel p1, v8, v3  }
0x222: {  	s17 =	sadd.s32 $0x10, s17;
	(v2sf) =	vpush v4, $0xF  }
0x223: {  	v8 =	vor.u32 s17, v1;
	vm1 =	vge.f32 v4, v6  }
0x224: {  	v6 =	vsel vm1, v4, v6;
	v5 =	vsel vm1, v3, v5;
	(xrf1) =	vsort.ascd.msk.f32 $0xffff, v7, v8  }
0x225: {  	(xrf1) =	vsort.dscd.msk.f32 $0xffff, v6, v5;
	_ =	sdelay $0x9  }
.Ltmp12:
0x226: {  	(pc) =	sbr.rel @p0 .LBB2_27-.Ltmp12, $4  }
0x227: {  	s19 =	spop (v2sf)  }
0x228: {  	s20 =	sshra.s32 s18, $0x2;
	s21 =	spop (v2sf)  }
0x229: {  	v7 =	vld [tilespmem:s20+$0x4600];
	v6, v5, _ =	vpop (xrf1);
	p1 =	sgt.f32 s19, s21  }
0x22a: {  	s18 =	sadd.s32 $0x40, s18;
	v9, v8, _ =	vpop (xrf1)  }
0x22b: {  	(v2sf) =	vpush v6, $0xF;
	v4 =	vpsel p1, v9, v4  }
0x22c: {  	s17 =	sadd.s32 $0x10, s17;
	(v2sf) =	vpush v4, $0xF  }
0x22d: {  	v3 =	vpsel p1, v8, v3;
	v8 =	vor.u32 s17, v1;
	vm1 =	vge.f32 v4, v6  }
0x22e: {  	v6 =	vsel vm1, v4, v6;
	v5 =	vsel vm1, v3, v5;
	(xrf1) =	vsort.ascd.msk.f32 $0xffff, v7, v8  }
0x22f: {  	(xrf1) =	vsort.dscd.msk.f32 $0xffff, v6, v5;
	_ =	sdelay $0xa  }
0x230: {  	s24 =	spop (v2sf)  }
0x231: {  	s18 =	spop (v2sf)  }
0x232: {  	v5, v6, _ =	vpop (xrf1);
	p0 =	sgt.f32 s24, s18  }
0x233: {  	v7, v8, _ =	vpop (xrf1)  }
0x234: {  	(v2sf) =	vpush v5, $0xF;
	v4 =	vpsel p0, v7, v4  }
0x235: {  	(v2sf) =	vpush v4, $0xF  }
0x236: {  	(v2sf) =	vpush v2, $0xD;
	_ =	sdelay $0xb  }
0x237: {  	s25 =	simm.s32 $0x0  }
0x238: {  	v7 =	vld [tilespmem:s25+$0x4680];
	s26 =	spop (v2sf)  }
0x239: {  	s28 =	spop (v2sf)  }
0x23a: {  	v3 =	vpsel p0, v8, v3;
	vm1 =	vge.f32 v4, v5;
	s19 =	spop (v2sf)  }
0x23b: {  	v5 =	vsel vm1, v4, v5;
	v6 =	vsel vm1, v3, v6;
	s19 =	sshll.u32 s19, $0x7  }
0x23c: {  	(xrf1) =	vsort.dscd.msk.f32 $0xffff, v5, v6;
	v5 =	vor.u32 s19, v1  }
0x23d: {  	(xrf1) =	vsort.ascd.msk.f32 $0xffff, v7, v5;
	_ =	sdelay $0xb  }
0x23e: {  	s20 =	simm.s32 $0x10  }
0x23f: {  	p6 =	sgt.f32 s26, s28;
	v5 =	vld [tilespmem:s20+$0x4680];
	v6, v7, _ =	vpop (xrf1)  }
0x240: {  	v8, v9, _ =	vpop (xrf1)  }
0x241: {  	v4 =	vpsel p6, v6, v4;
	(v2sf) =	vpush v8, $0xF  }
0x242: {  	s17 =	sadd.s32 $0x10, s19;
	(v2sf) =	vpush v4, $0xF  }
0x243: {  	v3 =	vpsel p6, v7, v3;
	v6 =	vor.u32 s17, v1;
	vm1 =	vge.f32 v4, v8  }
0x244: {  	(xrf1) =	vsort.ascd.msk.f32 $0xffff, v5, v6;
	v5 =	vsel vm1, v4, v8;
	v6 =	vsel vm1, v3, v9  }
0x245: {  	(xrf1) =	vsort.dscd.msk.f32 $0xffff, v5, v6;
	_ =	sdelay $0xa  }
0x246: {  	s29 =	spop (v2sf)  }
0x247: {  	s30 =	simm.s32 $0x20;
	s31 =	spop (v2sf)  }
0x248: {  	v7 =	vld [tilespmem:s30+$0x4680];
	v6, v5, _ =	vpop (xrf1);
	p1 =	sgt.f32 s29, s31  }
0x249: {  	s18 =	simm.s32 $0xC0;
	v9, v8, _ =	vpop (xrf1)  }
.LBB2_29:
0x24a: {  	p0 =	sne.s32 s18, $0x1C0;
	(v2sf) =	vpush v6, $0xF;
	v4 =	vpsel p1, v9, v4;
	v3 =	vpsel p1, v8, v3  }
0x24b: {  	s17 =	sadd.s32 $0x10, s17;
	(v2sf) =	vpush v4, $0xF  }
0x24c: {  	v8 =	vor.u32 s17, v1;
	vm1 =	vge.f32 v4, v6  }
0x24d: {  	v6 =	vsel vm1, v4, v6;
	v5 =	vsel vm1, v3, v5;
	(xrf1) =	vsort.ascd.msk.f32 $0xffff, v7, v8  }
0x24e: {  	(xrf1) =	vsort.dscd.msk.f32 $0xffff, v6, v5;
	_ =	sdelay $0x9  }
.Ltmp13:
0x24f: {  	(pc) =	sbr.rel @p0 .LBB2_29-.Ltmp13, $4  }
0x250: {  	s19 =	spop (v2sf)  }
0x251: {  	s20 =	sshra.s32 s18, $0x2;
	s21 =	spop (v2sf)  }
0x252: {  	v7 =	vld [tilespmem:s20+$0x4680];
	v6, v5, _ =	vpop (xrf1);
	p1 =	sgt.f32 s19, s21  }
0x253: {  	s18 =	sadd.s32 $0x40, s18;
	v9, v8, _ =	vpop (xrf1)  }
0x254: {  	(v2sf) =	vpush v6, $0xF;
	v4 =	vpsel p1, v9, v4  }
0x255: {  	s17 =	sadd.s32 $0x10, s17;
	(v2sf) =	vpush v4, $0xF  }
0x256: {  	v3 =	vpsel p1, v8, v3;
	v8 =	vor.u32 s17, v1;
	vm1 =	vge.f32 v4, v6  }
0x257: {  	v6 =	vsel vm1, v4, v6;
	v5 =	vsel vm1, v3, v5;
	(xrf1) =	vsort.ascd.msk.f32 $0xffff, v7, v8  }
0x258: {  	(xrf1) =	vsort.dscd.msk.f32 $0xffff, v6, v5;
	_ =	sdelay $0xa  }
0x259: {  	s24 =	spop (v2sf)  }
0x25a: {  	s18 =	spop (v2sf)  }
0x25b: {  	v5, v6, _ =	vpop (xrf1);
	p0 =	sgt.f32 s24, s18  }
0x25c: {  	v7, v8, _ =	vpop (xrf1)  }
0x25d: {  	(v2sf) =	vpush v5, $0xF;
	v4 =	vpsel p0, v7, v4  }
0x25e: {  	(v2sf) =	vpush v4, $0xF  }
0x25f: {  	(v2sf) =	vpush v2, $0xE;
	_ =	sdelay $0xb  }
0x260: {  	s25 =	simm.s32 $0x0  }
0x261: {  	v7 =	vld [tilespmem:s25+$0x4700];
	s26 =	spop (v2sf)  }
0x262: {  	s28 =	spop (v2sf)  }
0x263: {  	v3 =	vpsel p0, v8, v3;
	vm1 =	vge.f32 v4, v5;
	s19 =	spop (v2sf)  }
0x264: {  	v5 =	vsel vm1, v4, v5;
	v6 =	vsel vm1, v3, v6;
	s19 =	sshll.u32 s19, $0x7  }
0x265: {  	(xrf1) =	vsort.dscd.msk.f32 $0xffff, v5, v6;
	v5 =	vor.u32 s19, v1  }
0x266: {  	(xrf1) =	vsort.ascd.msk.f32 $0xffff, v7, v5;
	_ =	sdelay $0xb  }
0x267: {  	s20 =	simm.s32 $0x10  }
0x268: {  	p6 =	sgt.f32 s26, s28;
	v5 =	vld [tilespmem:s20+$0x4700];
	v6, v7, _ =	vpop (xrf1)  }
0x269: {  	v8, v9, _ =	vpop (xrf1)  }
0x26a: {  	v4 =	vpsel p6, v6, v4;
	(v2sf) =	vpush v8, $0xF  }
0x26b: {  	s17 =	sadd.s32 $0x10, s19;
	(v2sf) =	vpush v4, $0xF  }
0x26c: {  	v3 =	vpsel p6, v7, v3;
	v6 =	vor.u32 s17, v1;
	vm1 =	vge.f32 v4, v8  }
0x26d: {  	(xrf1) =	vsort.ascd.msk.f32 $0xffff, v5, v6;
	v5 =	vsel vm1, v4, v8;
	v6 =	vsel vm1, v3, v9  }
0x26e: {  	(xrf1) =	vsort.dscd.msk.f32 $0xffff, v5, v6;
	_ =	sdelay $0xa  }
0x26f: {  	s29 =	spop (v2sf)  }
0x270: {  	s30 =	simm.s32 $0x20;
	s31 =	spop (v2sf)  }
0x271: {  	v7 =	vld [tilespmem:s30+$0x4700];
	v6, v5, _ =	vpop (xrf1);
	p1 =	sgt.f32 s29, s31  }
0x272: {  	s18 =	simm.s32 $0xC0;
	v9, v8, _ =	vpop (xrf1)  }
.LBB2_31:
0x273: {  	p0 =	sne.s32 s18, $0x1C0;
	(v2sf) =	vpush v6, $0xF;
	v4 =	vpsel p1, v9, v4;
	v3 =	vpsel p1, v8, v3  }
0x274: {  	s17 =	sadd.s32 $0x10, s17;
	(v2sf) =	vpush v4, $0xF  }
0x275: {  	v8 =	vor.u32 s17, v1;
	vm1 =	vge.f32 v4, v6  }
0x276: {  	v6 =	vsel vm1, v4, v6;
	v5 =	vsel vm1, v3, v5;
	(xrf1) =	vsort.ascd.msk.f32 $0xffff, v7, v8  }
0x277: {  	(xrf1) =	vsort.dscd.msk.f32 $0xffff, v6, v5;
	_ =	sdelay $0x9  }
.Ltmp14:
0x278: {  	(pc) =	sbr.rel @p0 .LBB2_31-.Ltmp14, $4  }
0x279: {  	s19 =	spop (v2sf)  }
0x27a: {  	s20 =	sshra.s32 s18, $0x2;
	s21 =	spop (v2sf)  }
0x27b: {  	v7 =	vld [tilespmem:s20+$0x4700];
	v6, v5, _ =	vpop (xrf1);
	p1 =	sgt.f32 s19, s21  }
0x27c: {  	s18 =	sadd.s32 $0x40, s18;
	v9, v8, _ =	vpop (xrf1)  }
0x27d: {  	(v2sf) =	vpush v6, $0xF;
	v4 =	vpsel p1, v9, v4  }
0x27e: {  	s17 =	sadd.s32 $0x10, s17;
	(v2sf) =	vpush v4, $0xF  }
0x27f: {  	v3 =	vpsel p1, v8, v3;
	v8 =	vor.u32 s17, v1;
	vm1 =	vge.f32 v4, v6  }
0x280: {  	v6 =	vsel vm1, v4, v6;
	v5 =	vsel vm1, v3, v5;
	(xrf1) =	vsort.ascd.msk.f32 $0xffff, v7, v8  }
0x281: {  	(xrf1) =	vsort.dscd.msk.f32 $0xffff, v6, v5;
	_ =	sdelay $0xa  }
0x282: {  	s24 =	spop (v2sf)  }
0x283: {  	s18 =	spop (v2sf)  }
0x284: {  	v5, v6, _ =	vpop (xrf1);
	p0 =	sgt.f32 s24, s18  }
0x285: {  	v7, v8, _ =	vpop (xrf1)  }
0x286: {  	(v2sf) =	vpush v5, $0xF;
	v4 =	vpsel p0, v7, v4  }
0x287: {  	(v2sf) =	vpush v4, $0xF  }
0x288: {  	(v2sf) =	vpush v2, $0xF;
	_ =	sdelay $0xb  }
0x289: {  	s25 =	simm.s32 $0x0  }
0x28a: {  	v2 =	vld [tilespmem:s25+$0x4780];
	s26 =	spop (v2sf)  }
0x28b: {  	s28 =	spop (v2sf)  }
0x28c: {  	v7 =	vpsel p0, v8, v3;
	vm1 =	vge.f32 v4, v5;
	s19 =	spop (v2sf)  }
0x28d: {  	v3 =	vsel vm1, v4, v5;
	v5 =	vsel vm1, v7, v6;
	s19 =	sshll.u32 s19, $0x7  }
0x28e: {  	(xrf1) =	vsort.dscd.msk.f32 $0xffff, v3, v5;
	v3 =	vor.u32 s19, v1  }
0x28f: {  	(xrf1) =	vsort.ascd.msk.f32 $0xffff, v2, v3;
	_ =	sdelay $0xb  }
0x290: {  	s20 =	simm.s32 $0x10  }
0x291: {  	v5 =	vld [tilespmem:s20+$0x4780];
	p6 =	sgt.f32 s26, s28;
	v2, v6, _ =	vpop (xrf1)  }
0x292: {  	v8, v9, _ =	vpop (xrf1)  }
0x293: {  	v3 =	vpsel p6, v2, v4;
	(v2sf) =	vpush v8, $0xF  }
0x294: {  	s17 =	sadd.s32 $0x10, s19;
	(v2sf) =	vpush v3, $0xF  }
0x295: {  	v2 =	vpsel p6, v6, v7;
	v4 =	vor.u32 s17, v1;
	vm1 =	vge.f32 v3, v8  }
0x296: {  	(xrf1) =	vsort.ascd.msk.f32 $0xffff, v5, v4;
	v4 =	vsel vm1, v3, v8;
	v5 =	vsel vm1, v2, v9  }
0x297: {  	(xrf1) =	vsort.dscd.msk.f32 $0xffff, v4, v5;
	_ =	sdelay $0xa  }
0x298: {  	s29 =	spop (v2sf)  }
0x299: {  	s30 =	simm.s32 $0x20;
	s31 =	spop (v2sf)  }
0x29a: {  	v6 =	vld [tilespmem:s30+$0x4780];
	v5, v4, _ =	vpop (xrf1);
	p1 =	sgt.f32 s29, s31  }
0x29b: {  	s18 =	simm.s32 $0xC0;
	v8, v7, _ =	vpop (xrf1)  }
.LBB2_33:
0x29c: {  	p0 =	sne.s32 s18, $0x1C0;
	(v2sf) =	vpush v5, $0xF;
	v3 =	vpsel p1, v8, v3;
	v2 =	vpsel p1, v7, v2  }
0x29d: {  	s17 =	sadd.s32 $0x10, s17;
	(v2sf) =	vpush v3, $0xF  }
0x29e: {  	v7 =	vor.u32 s17, v1;
	vm1 =	vge.f32 v3, v5  }
0x29f: {  	v5 =	vsel vm1, v3, v5;
	v4 =	vsel vm1, v2, v4;
	(xrf1) =	vsort.ascd.msk.f32 $0xffff, v6, v7  }
0x2a0: {  	(xrf1) =	vsort.dscd.msk.f32 $0xffff, v5, v4;
	_ =	sdelay $0x9  }
.Ltmp15:
0x2a1: {  	(pc) =	sbr.rel @p0 .LBB2_33-.Ltmp15, $4  }
0x2a2: {  	s19 =	spop (v2sf)  }
0x2a3: {  	s20 =	sshra.s32 s18, $0x2;
	s21 =	spop (v2sf)  }
0x2a4: {  	v6 =	vld [tilespmem:s20+$0x4780];
	v5, v4, _ =	vpop (xrf1);
	p1 =	sgt.f32 s19, s21  }
0x2a5: {  	s18 =	sadd.s32 $0x40, s18;
	v8, v7, _ =	vpop (xrf1)  }
0x2a6: {  	(v2sf) =	vpush v5, $0xF;
	v3 =	vpsel p1, v8, v3  }
0x2a7: {  	s17 =	sadd.s32 $0x10, s17;
	(v2sf) =	vpush v3, $0xF  }
0x2a8: {  	v2 =	vpsel p1, v7, v2;
	v30 =	vor.u32 s17, v1;
	vm1 =	vge.f32 v3, v5  }
0x2a9: {  	v5 =	vsel vm1, v3, v5;
	v4 =	vsel vm1, v2, v4;
	(xrf1) =	vsort.ascd.msk.f32 $0xffff, v6, v30  }
0x2aa: {  	(xrf1) =	vsort.dscd.msk.f32 $0xffff, v5, v4;
	_ =	sdelay $0xa  }
0x2ab: {  	s29 =	spop (v2sf)  }
0x2ac: {  	s18 =	spop (v2sf)  }
0x2ad: {  	v4, v5, _ =	vpop (xrf1);
	p0 =	sgt.f32 s29, s18  }
0x2ae: {  	v6, v7, _ =	vpop (xrf1)  }
0x2af: {  	(v2sf) =	vpush v4, $0xF;
	v3 =	vpsel p0, v6, v3  }
0x2b0: {  	(v2sf) =	vpush v3, $0xF  }
0x2b1: {  	v2 =	vpsel p0, v7, v2;
	vm1 =	vge.f32 v3, v4  }
0x2b2: {  	v4 =	vsel vm1, v3, v4;
	v5 =	vsel vm1, v2, v5  }
0x2b3: {  	(xrf1) =	vsort.dscd.msk.f32 $0xffff, v4, v5;
	_ =	sdelay $0xa  }
0x2b4: {  	s30 =	spop (v2sf)  }
0x2b5: {  	s31 =	spop (v2sf)  }
0x2b6: {  	p6 =	sgt.f32 s30, s31  }
0x2b7: {  	v4, v5, _ =	vpop (xrf1)  }
0x2b8: {  	v3 =	vpsel p6, v4, v3  }
0x2b9: {  	v4 =	vbroadcast v3, $0x0;
	_ =	sdelay $0x1  }
0x2ba: {  	v3 =	vsub.f32 v3, v4;
	_ =	sdelay $0x1  }
0x2bb: {  	v3 =	vmul.f32 $1.000000000e+01, v3;
	_ =	sdelay $0x1  }
0x2bc: {  	v3 =	vmul.f32 $1.442695020e+00, v3;
	_ =	sdelay $0x1  }
0x2bd: {  	(erf) = vpow2.f32 v3;
	_ =	sdelay $0x8  }
0x2be: {  	v3 =	vpop (erf)  }
0x2bf: {  	(xrf2) =	vadd.scan.msk.f32 $0xffff, v3;
	_ =	sdelay $0x9  }
0x2c0: {  	v31, _, _ =	vpop (xrf2)  }
0x2c1: {  	v4 =	vbroadcast v31, $0xF;
	_ =	sdelay $0x1  }
0x2c2: {  	(erf) = vrcp.f32 v4;
	_ =	sdelay $0x3  }
0x2c3: {  	v2 =	vpsel p6, v5, v2;
	_ =	sdelay $0x4  }
0x2c4: {  	[tilespmem:s12], [sflag:$0x1] =	stream.indirect_vreg.gather [hbm4b:s6+s2], $0x80, v2, vm0, $0xb8;
	v4 =	vpop (erf);
	[tilespmem:$0x5080] =	vst v63  }
0x2c5: {  	_ =	swait.ge [sflag:s11], $0x800  }
0x2c6: {  	[sflag:s11] =	ssyncset.done $0x0  }
0x2c7: {  	[sflag:s11] =	ssyncadd.s32 $0xFFFFF800  }
0x2c8: {  	v32 =	vld [tilespmem:$0x4800]  }
0x2c9: {  	v33 =	vld [tilespmem:$0x4810]  }
0x2ca: {  	v34 =	vld [tilespmem:$0x4820]  }
0x2cb: {  	v35 =	vld [tilespmem:$0x4830]  }
0x2cc: {  	v9 =	vld [tilespmem:$0x4880]  }
0x2cd: {  	v10 =	vld [tilespmem:$0x4890]  }
0x2ce: {  	v11 =	vld [tilespmem:$0x48A0]  }
0x2cf: {  	v12 =	vld [tilespmem:$0x48B0]  }
0x2d0: {  	v13 =	vld [tilespmem:$0x4900]  }
0x2d1: {  	v14 =	vld [tilespmem:$0x4910]  }
0x2d2: {  	v15 =	vld [tilespmem:$0x4920]  }
0x2d3: {  	v16 =	vld [tilespmem:$0x4930]  }
0x2d4: {  	v17 =	vld [tilespmem:$0x4980]  }
0x2d5: {  	v18 =	vld [tilespmem:$0x4990]  }
0x2d6: {  	v19 =	vld [tilespmem:$0x49A0]  }
0x2d7: {  	v20 =	vld [tilespmem:$0x49B0]  }
0x2d8: {  	v21 =	vld [tilespmem:$0x4A00]  }
0x2d9: {  	v2 =	vmul.f32 v4, v3;
	v3 =	vld [tilespmem:$0x4A10]  }
0x2da: {  	v36 =	vld [tilespmem:$0x4A20]  }
0x2db: {  	v22 =	vbroadcast v2, $0x0;
	v26 =	vbroadcast v2, $0x1;
	v23 =	vld [tilespmem:$0x4A30]  }
0x2dc: {  	v29 =	vbroadcast v2, $0x2;
	v45 =	vbroadcast v2, $0x3;
	v24 =	vld [tilespmem:$0x4A80]  }
0x2dd: {  	v52 =	vbroadcast v2, $0x4;
	v58 =	vbroadcast v2, $0x5;
	v25 =	vld [tilespmem:$0x4A90]  }
0x2de: {  	v31 =	vbroadcast v2, $0x6;
	v27 =	vld [tilespmem:$0x4AA0];
	v5 =	vmul.f32 v32, v22  }
0x2df: {  	v37 =	vld [tilespmem:$0x4AB0];
	v6 =	vmul.f32 v33, v22;
	v7 =	vmul.f32 v34, v22  }
0x2e0: {  	v28 =	vld [tilespmem:$0x4B00];
	v8 =	vmul.f32 v35, v22;
	v9 =	vmul.f32 v9, v26  }
0x2e1: {  	v30 =	vld [tilespmem:$0x4B10];
	v10 =	vmul.f32 v10, v26;
	v38 =	vmul.f32 v11, v26  }
0x2e2: {  	v40 =	vld [tilespmem:$0x4B20];
	v39 =	vmul.f32 v12, v26;
	v41 =	vmul.f32 v13, v29  }
0x2e3: {  	v43 =	vld [tilespmem:$0x4B30];
	v42 =	vmul.f32 v14, v29;
	v44 =	vmul.f32 v15, v29  }
0x2e4: {  	v46 =	vld [tilespmem:$0x4B80];
	v47 =	vmul.f32 v16, v29;
	v49 =	vmul.f32 v17, v45  }
0x2e5: {  	v48 =	vld [tilespmem:$0x4B90];
	v51 =	vmul.f32 v18, v45;
	v54 =	vmul.f32 v19, v45  }
0x2e6: {  	v50 =	vld [tilespmem:$0x4BA0];
	v15 =	vmul.f32 v20, v45;
	v56 =	vmul.f32 v21, v52  }
0x2e7: {  	v53 =	vld [tilespmem:$0x4BB0];
	v3 =	vmul.f32 v3, v52;
	v4 =	vmul.f32 v36, v52  }
0x2e8: {  	v55 =	vld [tilespmem:$0x4C00];
	v60 =	vmul.f32 v23, v52;
	v62 =	vmul.f32 v24, v58  }
0x2e9: {  	v57 =	vld [tilespmem:$0x4C10];
	v29 =	vmul.f32 v25, v58;
	v33 =	vmul.f32 v27, v58;
	v5 =	vadd.f32 $0.0e+00, v5  }
0x2ea: {  	v59 =	vld [tilespmem:$0x4C20];
	v35 =	vmul.f32 v28, v31;
	v6 =	vadd.f32 $0.0e+00, v6;
	v7 =	vadd.f32 $0.0e+00, v7  }
0x2eb: {  	v61 =	vld [tilespmem:$0x4C30];
	v36 =	vmul.f32 v30, v31;
	v8 =	vadd.f32 $0.0e+00, v8;
	v5 =	vadd.f32 v9, v5  }
0x2ec: {  	v63 =	vld [tilespmem:$0x4C80];
	v30 =	vbroadcast v2, $0xB;
	v6 =	vadd.f32 v10, v6;
	v7 =	vadd.f32 v38, v7  }
0x2ed: {  	v32 =	vld [tilespmem:$0x4C90];
	v8 =	vadd.f32 v39, v8;
	v9 =	vmul.f32 v37, v58;
	v39 =	vbroadcast v2, $0x7  }
0x2ee: {  	v34 =	vld [tilespmem:$0x4CA0];
	v38 =	vmul.f32 v40, v31;
	v5 =	vadd.f32 v41, v5;
	v6 =	vadd.f32 v42, v6  }
0x2ef: {  	v52 =	vld [tilespmem:$0x4D90];
	v7 =	vadd.f32 v44, v7;
	v41 =	vmul.f32 v43, v31;
	v43 =	vmul.f32 v46, v39  }
0x2f0: {  	v28 =	vld [tilespmem:$0x4E30];
	v8 =	vadd.f32 v47, v8;
	v45 =	vmul.f32 v48, v39;
	v46 =	vbroadcast v2, $0x8  }
0x2f1: {  	v37 =	vld [tilespmem:$0x4CB0];
	v48 =	vmul.f32 v50, v39;
	v12 =	vmul.f32 v53, v39;
	v5 =	vadd.f32 v49, v5  }
0x2f2: {  	v40 =	vld [tilespmem:$0x4D00];
	v6 =	vadd.f32 v51, v6;
	v7 =	vadd.f32 v54, v7;
	v50 =	vmul.f32 v55, v46  }
0x2f3: {  	v42 =	vld [tilespmem:$0x4D10];
	v8 =	vadd.f32 v15, v8;
	v51 =	vmul.f32 v57, v46;
	v54 =	vbroadcast v2, $0x9  }
0x2f4: {  	v44 =	vld [tilespmem:$0x4D20];
	v53 =	vmul.f32 v59, v46;
	v5 =	vadd.f32 v56, v5;
	v56 =	vmul.f32 v61, v46  }
0x2f5: {  	v47 =	vld [tilespmem:$0x4D30];
	v8 =	vadd.f32 v60, v8;
	v58 =	vmul.f32 v63, v54;
	v60 =	vmul.f32 v32, v54  }
0x2f6: {  	v49 =	vld [tilespmem:$0x4D80];
	v3 =	vadd.f32 v3, v6;
	v61 =	vbroadcast v2, $0xA;
	v63 =	vmul.f32 v34, v54  }
0x2f7: {  	v55 =	vld [tilespmem:$0x4DA0];
	v4 =	vadd.f32 v4, v7;
	v24 =	vmul.f32 v37, v54;
	v37 =	vbroadcast v2, $0xC  }
0x2f8: {  	v57 =	vld [tilespmem:$0x4DB0];
	v5 =	vadd.f32 v62, v5;
	v3 =	vadd.f32 v29, v3;
	v27 =	vmul.f32 v40, v61  }
0x2f9: {  	v59 =	vld [tilespmem:$0x4E00];
	v4 =	vadd.f32 v33, v4;
	v10 =	vmul.f32 v42, v61;
	v29 =	vmul.f32 v44, v61  }
0x2fa: {  	v26 =	vld [tilespmem:$0x4E20];
	v8 =	vadd.f32 v9, v8;
	v32 =	vmul.f32 v47, v61;
	v44 =	vbroadcast v2, $0xD  }
0x2fb: {  	v31 =	vld [tilespmem:$0x4E80];
	v46 =	vmul.f32 v28, v37;
	v34 =	vmul.f32 v49, v30;
	v5 =	vadd.f32 v35, v5  }
0x2fc: {  	v62 =	vld [tilespmem:$0x4E10];
	v39 =	vmul.f32 v55, v30;
	v3 =	vadd.f32 v36, v3;
	v4 =	vadd.f32 v38, v4  }
0x2fd: {  	v33 =	vld [tilespmem:$0x4E90];
	v11 =	vmul.f32 v57, v30;
	v8 =	vadd.f32 v41, v8;
	v5 =	vadd.f32 v43, v5  }
0x2fe: {  	v7 =	vmul.f32 v59, v37;
	v3 =	vadd.f32 v45, v3;
	v4 =	vadd.f32 v48, v4  }
0x2ff: {  	v36 =	vmul.f32 v52, v30;
	v8 =	vadd.f32 v12, v8;
	v5 =	vadd.f32 v50, v5  }
0x300: {  	v35 =	vld [tilespmem:$0x4EA0];
	v43 =	vmul.f32 v26, v37;
	v48 =	vmul.f32 v31, v44;
	v3 =	vadd.f32 v51, v3  }
0x301: {  	v38 =	vld [tilespmem:$0x4EB0];
	v41 =	vmul.f32 v62, v37;
	v4 =	vadd.f32 v53, v4;
	v5 =	vadd.f32 v58, v5  }
0x302: {  	v40 =	vld [tilespmem:$0x4F00];
	v8 =	vadd.f32 v56, v8;
	v50 =	vmul.f32 v33, v44;
	v3 =	vadd.f32 v60, v3  }
0x303: {  	v42 =	vld [tilespmem:$0x4F10];
	v51 =	vbroadcast v2, $0xE;
	v4 =	vadd.f32 v63, v4;
	v5 =	vadd.f32 v27, v5  }
0x304: {  	v49 =	vld [tilespmem:$0x4F80];
	v2 =	vbroadcast v2, $0xF;
	v8 =	vadd.f32 v24, v8;
	v3 =	vadd.f32 v10, v3  }
0x305: {  	v47 =	vld [tilespmem:$0x4F30];
	v53 =	vmul.f32 v35, v44;
	v4 =	vadd.f32 v29, v4;
	v5 =	vadd.f32 v34, v5  }
0x306: {  	v45 =	vld [tilespmem:$0x4F20];
	v54 =	vmul.f32 v38, v44;
	v8 =	vadd.f32 v32, v8;
	v3 =	vadd.f32 v36, v3  }
0x307: {  	v52 =	vld [tilespmem:$0x4F90];
	v56 =	vmul.f32 v40, v51;
	v4 =	vadd.f32 v39, v4;
	v5 =	vadd.f32 v7, v5  }
0x308: {  	v55 =	vld [tilespmem:$0x4FA0];
	v59 =	vmul.f32 v42, v51;
	v8 =	vadd.f32 v11, v8;
	v3 =	vadd.f32 v41, v3  }
0x309: {  	v57 =	vld [tilespmem:$0x4FB0];
	v9 =	vmul.f32 v49, v2;
	v4 =	vadd.f32 v43, v4;
	v5 =	vadd.f32 v48, v5  }
0x30a: {  	v61 =	vmul.f32 v47, v51;
	v7 =	vadd.f32 v46, v8;
	v3 =	vadd.f32 v50, v3  }
0x30b: {  	v60 =	vmul.f32 v45, v51;
	v4 =	vadd.f32 v53, v4;
	v5 =	vadd.f32 v56, v5  }
0x30c: {  	v62 =	vmul.f32 v52, v2;
	v58 =	vadd.f32 v54, v7;
	v3 =	vadd.f32 v59, v3  }
0x30d: {  	v63 =	vmul.f32 v55, v2;
	v4 =	vadd.f32 v60, v4;
	v5 =	vadd.f32 v9, v5  }
0x30e: {  	v2 =	vmul.f32 v57, v2;
	v6 =	vadd.f32 v61, v58;
	v3 =	vadd.f32 v62, v3  }
0x30f: {  	v4 =	vadd.f32 v63, v4;
	[tilespmem:$0x5000] =	vst v5  }
0x310: {  	s15 =	sadd.s32 $0x1, s15;
	v2 =	vadd.f32 v2, v6;
	[tilespmem:$0x5010] =	vst v3  }
0x311: {  	s16 =	sshll.u32 s16, $0x3;
	p0 =	sne.s32 s15, $0x20;
	[tilespmem:$0x5020] =	vst v4  }
.Ltmp16:
0x312: {  	s16 =	sadd.s32 s1, s16;
	[tilespmem:$0x5030] =	vst v2;
	(pc) =	sbr.rel @p0 .LBB2_2-.Ltmp16, $4  }
0x313: {  	[hbm4b:s16+s2] =	stream.linear.scatter [tilespmem:s13], [sflag:$0x2], $0x40, $0x38;
	[tilespmem:$0x5080] =	vst v63  }
0x314: {  	_ =	swait.ge [sflag:s9], $0x40  }
0x315: {  	[sflag:s9] =	ssyncset.done $0x0  }
0x316: {  	[sflag:s9] =	ssyncadd.s32 $0xFFFFFFC0  }
0x317: {  	s14 =	sadd.s32 $0x1, s14  }
0x318: {  	p0 =	sne.s32 s14, s8  }
.Ltmp17:
0x319: {  	_ = 	snop;
	(pc) =	sbr.rel @p0 .LBB2_1-.Ltmp17, $1  }
0x31a: {  	_ =	sdelay $0x3  }
0x31b: {  	_ =	sfence.sel $0x180000  }
0x31c: {  	[bflag:$0x0] =	sbarrier.arrive $0xFFFF  }
0x31d: {  	p0 =	sne.s32 s4, $0x0;
	_ =	strace $0x90000047  }
0x31e: {  	s0 =	sadd.s32 @!p0 $0x100000, s0;
	[bflag:$0x2] =	sbarrier.arrive $0xFFFF  }
0x31f: {  	[sflag:s0] =	ssyncadd.tile.s32 @!p0 $0x1;
	_ =	shalt  }
.Lfunc_end2:
_tile_overlayer_lowered:
.L_overlay_start_2:
0x320: {  	(tag) =	ssettag $0x2  }
0x321: {  	s0 =	rddreg [dreg:$0x0];
	s2 =	stileid.u32  }
0x322: {  	s1 =	rddreg [dreg:$0x1];
	p0 =	sne.s32 s2, $0x0  }
0x323: {  	s3 =	rddreg [dreg:$0x2];
	[bflag:$0x3] =	sbarrier.arrive $0xFFFF;
	s2 =	simm.s32 @!p0 $0x1C02  }
0x324: {  	[timem:s3], [sflag:s2] =	dma.local @!p0 [hbm:s0], s1  }
0x325: {  	s0 =	simm.s32 @!p0 $0x2  }
0x326: {  	_ =	swait.ge @!p0 [sflag:s0], s1  }
0x327: {  	s1 =	ssub.s32 @!p0 $0x0, s1;
	[sflag:s0] =	ssyncset.done @!p0 $0x0  }
0x328: {  	[sflag:s0] =	ssyncadd.s32 @!p0 s1  }
0x329: {  	[bflag:$0x3] =	sbarrier.arrive $0xFFFF  }
0x32a: {  	_ =	shalt  }

</sc_bundles>
